<compile_context>
chip_gen: v7x
topology: tpu7x:2x2x1
jax: 0.10.2.dev20260603
libtpu: 0.0.44.dev20260713+nightly
codegen_flags: <defaults>
</compile_context>

<pallas_src>
import functools

import jax
import jax.numpy as jnp
from jax import lax
from jax.experimental import pallas as pl
from jax.experimental.pallas import tpu as pltpu
from jax.experimental.pallas import tpu_sc as plsc

N = 10000
E = 320000
D = 128
H = 128
B = 128
MLP_DIM = 300
DEPTH = 3

NC = 2
NS = 16
CHUNK = 128
NCHUNK = 158
EPT = NCHUNK * CHUNK
TRASH = N
NP = 10240
BLK = 1024



HH = H // 2


@functools.cache
def _sc_seg_call():
    mesh = plsc.VectorSubcoreMesh(core_axis_name="c", subcore_axis_name="s")

    @functools.partial(
        pl.kernel,
        out_type=jax.ShapeDtypeStruct((NC, NP, H), jnp.float32),
        mesh=mesh,
        compiler_params=pltpu.CompilerParams(use_tc_tiling_on_sc=False),
        scratch_types=[
            pltpu.VMEM((2, NCHUNK, CHUNK), jnp.int32),
            pltpu.VMEM((NCHUNK, CHUNK), jnp.int32),
            pltpu.VMEM((2, CHUNK, HH), jnp.float32),
            pltpu.VMEM_SHARED((NP, HH), jnp.float32),
            pltpu.SemaphoreType.DMA,
            pltpu.SemaphoreType.DMA,
        ],
    )
    def sc_seg(h_hbm, srci_hbm, dsti_hbm, zeros_hbm, out_hbm,
               srcv, dstv, rows, acc, sem0, sem1):
        cid = lax.axis_index("c")
        sid = lax.axis_index("s")
        h_v = h_hbm.at[cid]
        out_v = out_hbm.at[cid]
        pltpu.sync_copy(srci_hbm.at[cid, sid], srcv)
        pltpu.sync_copy(dsti_hbm.at[cid, sid], dstv)
        rpt = NP // NS
        sems = (sem0, sem1)

        for half in range(2):
            col = pl.ds(half * HH, HH)
            pltpu.sync_copy(zeros_hbm.at[pl.ds(sid * rpt, rpt)],
                            acc.at[pl.ds(sid * rpt, rpt)])
            plsc.subcore_barrier()

            def gather(j, buf):
                return pltpu.make_async_copy(h_v.at[srcv.at[half, j]],
                                             rows.at[buf], sems[buf])

            gather(0, 0).start()

            @pl.loop(0, NCHUNK, step=2)
            def _(j):
                gather(j, 0).wait()
                gather(j + 1, 1).start()
                pltpu.sync_copy(rows.at[0], acc.at[dstv.at[j]], add=True)
                gather(j + 1, 1).wait()

                @pl.when(j + 2 < NCHUNK)
                def _():
                    gather(j + 2, 0).start()

                pltpu.sync_copy(rows.at[1], acc.at[dstv.at[j + 1]], add=True)

            plsc.subcore_barrier()
            pltpu.sync_copy(acc.at[pl.ds(sid * rpt, rpt)],
                            out_v.at[pl.ds(sid * rpt, rpt), col])

    return sc_seg


def _segsum_both(h, srci2, dsti, zeros):
    h2 = h.reshape(NC, 2 * NP, HH)
    return _sc_seg_call()(h2, srci2, dsti, zeros)



def _dot(a, b):
    return lax.dot_general(a, b, (((1,), (0,)), ((), ())),
                           precision=lax.Precision.HIGHEST,
                           preferred_element_type=jnp.float32)


def _tc_in_body(x_ref, w_ref, o_ref):
    o_ref[0] = jnp.maximum(_dot(x_ref[0], w_ref[0]), 0.0)


def _tc_in(x, wi):
    return pl.pallas_call(
        _tc_in_body,
        grid=(NC, NP // BLK),
        in_specs=[pl.BlockSpec((1, BLK, D), lambda m, i: (m, i, 0)),
                  pl.BlockSpec((1, D, H), lambda m, i: (m, 0, 0))],
        out_specs=pl.BlockSpec((1, BLK, H), lambda m, i: (m, i, 0)),
        out_shape=jax.ShapeDtypeStruct((NC, NP, H), jnp.float32),
    )(x, wi)


def _tc_update_body(m_ref, h0_ref, w_ref, o_ref):
    o_ref[0] = jnp.maximum(h0_ref[0] + _dot(m_ref[0], w_ref[0]), 0.0)


def _tc_update(m, h0, wm):
    return pl.pallas_call(
        _tc_update_body,
        grid=(NC, NP // BLK),
        in_specs=[pl.BlockSpec((1, BLK, H), lambda m, i: (m, i, 0)),
                  pl.BlockSpec((1, BLK, H), lambda m, i: (m, i, 0)),
                  pl.BlockSpec((1, H, H), lambda m, i: (m, 0, 0))],
        out_specs=pl.BlockSpec((1, BLK, H), lambda m, i: (m, i, 0)),
        out_shape=jax.ShapeDtypeStruct((NC, NP, H), jnp.float32),
    )(m, h0, wm)


def _tc_readout_body(h_ref, ids_ref, o_ref, sacc, cacc):
    i = pl.program_id(1)

    @pl.when(i == 0)
    def _():
        sacc[...] = jnp.zeros((B, H), jnp.float32)
        cacc[...] = jnp.zeros((B, H), jnp.float32)

    oh = (ids_ref[...] == lax.broadcasted_iota(jnp.int32, (BLK, B), 1))
    oh = oh.astype(jnp.float32)
    contract = (((0,), (0,)), ((), ()))
    sacc[...] += lax.dot_general(oh, h_ref[0], contract,
                                 precision=lax.Precision.HIGHEST,
                                 preferred_element_type=jnp.float32)
    cacc[...] += lax.dot_general(oh, jnp.ones((BLK, H), jnp.float32), contract,
                                 precision=lax.Precision.HIGHEST,
                                 preferred_element_type=jnp.float32)

    @pl.when(i == NP // BLK - 1)
    def _():
        o_ref[0] = sacc[...] / jnp.maximum(cacc[...], 1.0)


def _tc_readout(h, ids):
    return pl.pallas_call(
        _tc_readout_body,
        grid=(NC, NP // BLK),
        in_specs=[pl.BlockSpec((1, BLK, H), lambda m, i: (m, i, 0)),
                  pl.BlockSpec((BLK, 1), lambda m, i: (i, 0))],
        out_specs=pl.BlockSpec((1, B, H), lambda m, i: (m, 0, 0)),
        out_shape=jax.ShapeDtypeStruct((NC, B, H), jnp.float32),
        scratch_shapes=[pltpu.VMEM((B, H), jnp.float32),
                        pltpu.VMEM((B, H), jnp.float32)],
    )(h, ids)


def _tc_mlp_body(v_ref, w1a_ref, w1b_ref, b1_ref, w2_ref, b2_ref, w3_ref,
                 b3_ref, o_ref):
    h1 = jnp.maximum(_dot(v_ref[0], w1a_ref[...]) +
                     _dot(v_ref[1], w1b_ref[...]) + b1_ref[...], 0.0)
    h2 = jnp.maximum(_dot(h1, w2_ref[...]) + b2_ref[...], 0.0)
    o_ref[...] = jnp.sum(h2 * w3_ref[...], axis=1, keepdims=True) + b3_ref[...]


def _tc_mlp(vec, w1, b1, w2, b2, w3, b3):
    return pl.pallas_call(
        _tc_mlp_body,
        out_shape=jax.ShapeDtypeStruct((B, 1), jnp.float32),
    )(vec, w1[:H], w1[H:], b1.reshape(1, MLP_DIM), w2,
      b2.reshape(1, MLP_DIM), w3.reshape(1, MLP_DIM), b3.reshape(1, 1))



def _prep_edges(ei_sol, ei_solv):
    def prep(row, fill):
        r = row.reshape(NS, E // NS)
        r = jnp.pad(r, ((0, 0), (0, EPT - E // NS)), constant_values=fill)
        return r.reshape(NS, NCHUNK, CHUNK)

    srci = jnp.stack([prep(ei_sol[0], 0), prep(ei_solv[0], 0)])
    srci2 = jnp.stack([2 * srci, 2 * srci + 1], axis=2)
    dsti = jnp.stack([prep(ei_sol[1], TRASH), prep(ei_solv[1], TRASH)])
    return srci2, dsti


def kernel(x_solute, x_solvent, edge_index_solute, edge_index_solvent,
           graph_ids, W_in_solute, W_msg_solute, W_in_solvent, W_msg_solvent,
           W1, b1, W2, b2, W3, b3):
    x_both = jnp.stack([x_solute, x_solvent])
    x_both = jnp.pad(x_both, ((0, 0), (0, NP - N), (0, 0)))
    wi = jnp.stack([W_in_solute, W_in_solvent])
    wm = jnp.stack([W_msg_solute, W_msg_solvent])
    srci, dsti = _prep_edges(edge_index_solute, edge_index_solvent)
    zeros = jnp.zeros((NP, HH), jnp.float32)
    ids = jnp.pad(graph_ids, (0, NP - N), constant_values=B).reshape(NP, 1)

    h0 = _tc_in(x_both, wi)
    h = h0
    for _ in range(DEPTH):
        m = _segsum_both(h, srci, dsti, zeros)
        h = _tc_update(m, h0, wm)
    vec = _tc_readout(h, ids)
    return _tc_mlp(vec, W1, b1, W2, b2, W3, b3)

# --- scband reference (transcript-rebuilt; emitter-appended) ---
"""Pipeline reference for scband-main-model-2-26456998543591 (READ-ONLY COPY).

The authoritative reference and input builder live on the scoring server;
editing this copy changes nothing except your own understanding.
"""

import jax, jax.numpy as jnp
import numpy as np

N = 10000
E = 320000
D = 128
H = 128
B = 128
MLP = 300
DEPTH = 3


def setup_inputs(seed: int = 0) -> dict:
    key = jax.random.key(seed)
    ks = jax.random.split(key, 16)
    inp = {}
    inp["x_solute"] = jax.random.normal(ks[0], (N, D), dtype=jnp.float32)
    inp["x_solvent"] = jax.random.normal(ks[1], (N, D), dtype=jnp.float32)
    inp["edge_index_solute"] = jax.random.randint(ks[2], (2, E), 0, N, dtype=jnp.int32)
    inp["edge_index_solvent"] = jax.random.randint(ks[3], (2, E), 0, N, dtype=jnp.int32)
    inp["graph_ids"] = jnp.sort(jax.random.randint(ks[4], (N,), 0, B, dtype=jnp.int32))
    # learned parameters (two MPNs + readout MLP), sized per init_kwargs
    inp["W_in_solute"] = jax.random.normal(ks[5], (D, H), dtype=jnp.float32) / np.sqrt(D)
    inp["W_msg_solute"] = jax.random.normal(ks[6], (H, H), dtype=jnp.float32) / np.sqrt(H)
    inp["W_in_solvent"] = jax.random.normal(ks[7], (D, H), dtype=jnp.float32) / np.sqrt(D)
    inp["W_msg_solvent"] = jax.random.normal(ks[8], (H, H), dtype=jnp.float32) / np.sqrt(H)
    inp["W1"] = jax.random.normal(ks[9], (2 * H, MLP), dtype=jnp.float32) / np.sqrt(2 * H)
    inp["b1"] = jnp.zeros((MLP,), dtype=jnp.float32)
    inp["W2"] = jax.random.normal(ks[10], (MLP, MLP), dtype=jnp.float32) / np.sqrt(MLP)
    inp["b2"] = jnp.zeros((MLP,), dtype=jnp.float32)
    inp["W3"] = jax.random.normal(ks[11], (MLP, 1), dtype=jnp.float32) / np.sqrt(MLP)
    inp["b3"] = jnp.zeros((1,), dtype=jnp.float32)
    return inp


def _mpn(x, edge_index, graph_ids, W_in, W_msg):
    src = edge_index[0]
    dst = edge_index[1]
    h0 = jax.nn.relu(x @ W_in)
    h = h0
    for _ in range(DEPTH):
        # gather messages from source nodes, scatter-add into destination nodes
        m = jax.ops.segment_sum(h[src], dst, num_segments=N)
        h = jax.nn.relu(h0 + m @ W_msg)
    # mean readout per molecule (graph)
    sums = jax.ops.segment_sum(h, graph_ids, num_segments=B)
    counts = jax.ops.segment_sum(jnp.ones((N, 1), dtype=h.dtype), graph_ids, num_segments=B)
    return sums / jnp.maximum(counts, 1.0)


def reference(x_solute, x_solvent, edge_index_solute, edge_index_solvent, graph_ids,
              W_in_solute, W_msg_solute, W_in_solvent, W_msg_solvent,
              W1, b1, W2, b2, W3, b3):
    vec_solute = _mpn(x_solute, edge_index_solute, graph_ids, W_in_solute, W_msg_solute)
    vec_solvent = _mpn(x_solvent, edge_index_solvent, graph_ids, W_in_solvent, W_msg_solvent)
    vec_concat = jnp.concatenate((vec_solute, vec_solvent), axis=1)
    h = jax.nn.relu(vec_concat @ W1 + b1)
    h = jax.nn.relu(h @ W2 + b2)
    out = h @ W3 + b3
    return out

if __name__ == "__main__":
    import jax
    _d = setup_inputs()
    print(jax.jit(kernel)(*tuple(_d.values())))

</pallas_src>

<mosaic_0001>
#map = affine_map<(d0, d1) -> (0, 0, 0)>
#map1 = affine_map<(d0, d1) -> (0, 0, 0, 0, 0)>
#map2 = affine_map<(d0, d1) -> (0, 0, 0, 0)>
#map3 = affine_map<(d0, d1) -> (0, 0)>
module attributes {stable_mosaic.version = 14 : i64} {
  func.func @sc_seg(%arg0: i32, %arg1: i32, %arg2: memref<2x20480x64xf32, #tpu.memory_space<hbm>>, %arg3: memref<2x16x2x158x128xi32, #tpu.memory_space<hbm>>, %arg4: memref<2x16x158x128xi32, #tpu.memory_space<hbm>>, %arg5: memref<10240x64xf32, #tpu.memory_space<hbm>>, %arg6: memref<2x10240x128xf32, #tpu.memory_space<hbm>>, %arg7: memref<2x158x128xi32, #tpu.memory_space<vmem>>, %arg8: memref<158x128xi32, #tpu.memory_space<vmem>>, %arg9: memref<2x128x64xf32, #tpu.memory_space<vmem>>, %arg10: memref<10240x64xf32, #tpu.memory_space<vmem_shared>>, %arg11: memref<!tpu.dma_semaphore, #tpu.memory_space<semaphore_mem>>, %arg12: memref<!tpu.dma_semaphore, #tpu.memory_space<semaphore_mem>>) attributes {dimension_semantics = [#tpu.dimension_semantics<core_parallel>, #tpu.dimension_semantics<subcore_parallel>], iteration_bounds = array<i64: 2, 16>, scalar_prefetch = 0 : i64, scratch_operands = 6 : i64, tpu.core_type = #tpu.core_type<sc_vector_subcore>, window_params = [{transform_indices = #map}, {transform_indices = #map1}, {transform_indices = #map2}, {transform_indices = #map3}, {transform_indices = #map}]} {
    "tpu.region"() ({
      %run_scoped3A = tpu.sem_alloc : memref<!tpu.dma_semaphore, #tpu.memory_space<semaphore_mem>>
      %dma_start3A_60 = arith.constant 0 : i32
      %dma_start3A_61 = arith.constant 0 : i32
      %dma_start3A_62 = arith.constant 0 : i32
      %dma_start3A_63 = tpu.memref_slice %arg3[%arg0, %arg1, %dma_start3A_60, %dma_start3A_61, %dma_start3A_62] : memref<2x16x2x158x128xi32, #tpu.memory_space<hbm>> -> memref<1x1x2x158x128xi32, #tpu.memory_space<hbm>>
      %dma_start3A_64 = tpu.memref_squeeze %dma_start3A_63 : memref<1x1x2x158x128xi32, #tpu.memory_space<hbm>> -> memref<2x158x128xi32, #tpu.memory_space<hbm>>
      %dma_start3A_65 = arith.constant 0 : i32
      %dma_start3A_66 = arith.constant 0 : i32
      %dma_start3A_67 = arith.constant 0 : i32
      %dma_start3A_68 = tpu.memref_slice %arg3[%arg0, %arg1, %dma_start3A_65, %dma_start3A_66, %dma_start3A_67] : memref<2x16x2x158x128xi32, #tpu.memory_space<hbm>> -> memref<1x1x2x158x128xi32, #tpu.memory_space<hbm>>
      %dma_start3A_69 = tpu.memref_squeeze %dma_start3A_68 : memref<1x1x2x158x128xi32, #tpu.memory_space<hbm>> -> memref<2x158x128xi32, #tpu.memory_space<hbm>>
      tpu.enqueue_dma source(%dma_start3A_69 : memref<2x158x128xi32, #tpu.memory_space<hbm>>) target(%arg7 : memref<2x158x128xi32, #tpu.memory_space<vmem>>) target_semaphore(%run_scoped3A : memref<!tpu.dma_semaphore, #tpu.memory_space<semaphore_mem>>)
      %dma_wait3A = arith.constant 0 : i32
      %dma_wait3A_70 = arith.constant 0 : i32
      %dma_wait3A_71 = arith.constant 0 : i32
      %dma_wait3A_72 = tpu.memref_slice %arg3[%arg0, %arg1, %dma_wait3A, %dma_wait3A_70, %dma_wait3A_71] : memref<2x16x2x158x128xi32, #tpu.memory_space<hbm>> -> memref<1x1x2x158x128xi32, #tpu.memory_space<hbm>>
      %dma_wait3A_73 = tpu.memref_squeeze %dma_wait3A_72 : memref<1x1x2x158x128xi32, #tpu.memory_space<hbm>> -> memref<2x158x128xi32, #tpu.memory_space<hbm>>
      %dma_wait3A_74 = arith.constant 0 : i32
      %dma_wait3A_75 = arith.constant 0 : i32
      %dma_wait3A_76 = arith.constant 0 : i32
      %dma_wait3A_77 = tpu.memref_slice %arg3[%arg0, %arg1, %dma_wait3A_74, %dma_wait3A_75, %dma_wait3A_76] : memref<2x16x2x158x128xi32, #tpu.memory_space<hbm>> -> memref<1x1x2x158x128xi32, #tpu.memory_space<hbm>>
      %dma_wait3A_78 = tpu.memref_squeeze %dma_wait3A_77 : memref<1x1x2x158x128xi32, #tpu.memory_space<hbm>> -> memref<2x158x128xi32, #tpu.memory_space<hbm>>
      tpu.wait_dma2 semaphore(%run_scoped3A : memref<!tpu.dma_semaphore, #tpu.memory_space<semaphore_mem>>) src(%dma_wait3A_78 : memref<2x158x128xi32, #tpu.memory_space<hbm>>) dst(%arg7 : memref<2x158x128xi32, #tpu.memory_space<vmem>>)
      tpu.yield
    }) : () -> ()
    "tpu.region"() ({
      %run_scoped3A = tpu.sem_alloc : memref<!tpu.dma_semaphore, #tpu.memory_space<semaphore_mem>>
      %dma_start3A_60 = arith.constant 0 : i32
      %dma_start3A_61 = arith.constant 0 : i32
      %dma_start3A_62 = tpu.memref_slice %arg4[%arg0, %arg1, %dma_start3A_60, %dma_start3A_61] : memref<2x16x158x128xi32, #tpu.memory_space<hbm>> -> memref<1x1x158x128xi32, #tpu.memory_space<hbm>>
      %dma_start3A_63 = tpu.memref_squeeze %dma_start3A_62 : memref<1x1x158x128xi32, #tpu.memory_space<hbm>> -> memref<158x128xi32, #tpu.memory_space<hbm>>
      %dma_start3A_64 = arith.constant 0 : i32
      %dma_start3A_65 = arith.constant 0 : i32
      %dma_start3A_66 = tpu.memref_slice %arg4[%arg0, %arg1, %dma_start3A_64, %dma_start3A_65] : memref<2x16x158x128xi32, #tpu.memory_space<hbm>> -> memref<1x1x158x128xi32, #tpu.memory_space<hbm>>
      %dma_start3A_67 = tpu.memref_squeeze %dma_start3A_66 : memref<1x1x158x128xi32, #tpu.memory_space<hbm>> -> memref<158x128xi32, #tpu.memory_space<hbm>>
      tpu.enqueue_dma source(%dma_start3A_67 : memref<158x128xi32, #tpu.memory_space<hbm>>) target(%arg8 : memref<158x128xi32, #tpu.memory_space<vmem>>) target_semaphore(%run_scoped3A : memref<!tpu.dma_semaphore, #tpu.memory_space<semaphore_mem>>)
      %dma_wait3A = arith.constant 0 : i32
      %dma_wait3A_68 = arith.constant 0 : i32
      %dma_wait3A_69 = tpu.memref_slice %arg4[%arg0, %arg1, %dma_wait3A, %dma_wait3A_68] : memref<2x16x158x128xi32, #tpu.memory_space<hbm>> -> memref<1x1x158x128xi32, #tpu.memory_space<hbm>>
      %dma_wait3A_70 = tpu.memref_squeeze %dma_wait3A_69 : memref<1x1x158x128xi32, #tpu.memory_space<hbm>> -> memref<158x128xi32, #tpu.memory_space<hbm>>
      %dma_wait3A_71 = arith.constant 0 : i32
      %dma_wait3A_72 = arith.constant 0 : i32
      %dma_wait3A_73 = tpu.memref_slice %arg4[%arg0, %arg1, %dma_wait3A_71, %dma_wait3A_72] : memref<2x16x158x128xi32, #tpu.memory_space<hbm>> -> memref<1x1x158x128xi32, #tpu.memory_space<hbm>>
      %dma_wait3A_74 = tpu.memref_squeeze %dma_wait3A_73 : memref<1x1x158x128xi32, #tpu.memory_space<hbm>> -> memref<158x128xi32, #tpu.memory_space<hbm>>
      tpu.wait_dma2 semaphore(%run_scoped3A : memref<!tpu.dma_semaphore, #tpu.memory_space<semaphore_mem>>) src(%dma_wait3A_74 : memref<158x128xi32, #tpu.memory_space<hbm>>) dst(%arg8 : memref<158x128xi32, #tpu.memory_space<vmem>>)
      tpu.yield
    }) : () -> ()
    %mul3A = arith.constant 640 : i32
    %mul3A_0 = arith.muli %arg1, %mul3A : i32
    %mul3A_1 = arith.constant 640 : i32
    %mul3A_2 = arith.muli %arg1, %mul3A_1 : i32
    "tpu.region"() ({
      %run_scoped3A = tpu.sem_alloc : memref<!tpu.dma_semaphore, #tpu.memory_space<semaphore_mem>>
      %dma_start3A_60 = arith.constant 0 : i32
      %dma_start3A_61 = tpu.memref_slice %arg10[%mul3A_2, %dma_start3A_60] : memref<10240x64xf32, #tpu.memory_space<vmem_shared>> -> memref<640x64xf32, #tpu.memory_space<vmem_shared>>
      %dma_start3A_62 = arith.constant 0 : i32
      %dma_start3A_63 = tpu.memref_slice %arg5[%mul3A_0, %dma_start3A_62] : memref<10240x64xf32, #tpu.memory_space<hbm>> -> memref<640x64xf32, #tpu.memory_space<hbm>>
      tpu.enqueue_dma source(%dma_start3A_63 : memref<640x64xf32, #tpu.memory_space<hbm>>) target(%dma_start3A_61 : memref<640x64xf32, #tpu.memory_space<vmem_shared>>) target_semaphore(%run_scoped3A : memref<!tpu.dma_semaphore, #tpu.memory_space<semaphore_mem>>)
      %dma_wait3A = arith.constant 0 : i32
      %dma_wait3A_64 = tpu.memref_slice %arg10[%mul3A_2, %dma_wait3A] : memref<10240x64xf32, #tpu.memory_space<vmem_shared>> -> memref<640x64xf32, #tpu.memory_space<vmem_shared>>
      %dma_wait3A_65 = arith.constant 0 : i32
      %dma_wait3A_66 = tpu.memref_slice %arg5[%mul3A_0, %dma_wait3A_65] : memref<10240x64xf32, #tpu.memory_space<hbm>> -> memref<640x64xf32, #tpu.memory_space<hbm>>
      tpu.wait_dma2 semaphore(%run_scoped3A : memref<!tpu.dma_semaphore, #tpu.memory_space<semaphore_mem>>) src(%dma_wait3A_66 : memref<640x64xf32, #tpu.memory_space<hbm>>) dst(%dma_wait3A_64 : memref<640x64xf32, #tpu.memory_space<vmem_shared>>)
      tpu.yield
    }) : () -> ()
    %barrier3A = arith.constant 0 : index
    tpu.barrier barrier_id(%barrier3A)
    %dma_start3A = arith.constant 0 : i32
    %dma_start3A_3 = arith.constant 0 : i32
    %dma_start3A_4 = arith.constant 0 : i32
    %dma_start3A_5 = arith.constant 0 : i32
    %dma_start3A_6 = arith.constant 0 : i32
    %dma_start3A_7 = tpu.memref_slice %arg9[%dma_start3A_4, %dma_start3A_5, %dma_start3A_6] : memref<2x128x64xf32, #tpu.memory_space<vmem>> -> memref<1x128x64xf32, #tpu.memory_space<vmem>>
    %dma_start3A_8 = tpu.memref_squeeze %dma_start3A_7 : memref<1x128x64xf32, #tpu.memory_space<vmem>> -> memref<128x64xf32, #tpu.memory_space<vmem>>
    %dma_start3A_9 = arith.constant 0 : i32
    %dma_start3A_10 = tpu.memref_slice %arg7[%dma_start3A, %dma_start3A_3, %dma_start3A_9] : memref<2x158x128xi32, #tpu.memory_space<vmem>> -> memref<1x1x128xi32, #tpu.memory_space<vmem>>
    %dma_start3A_11 = tpu.memref_squeeze %dma_start3A_10 : memref<1x1x128xi32, #tpu.memory_space<vmem>> -> memref<128xi32, #tpu.memory_space<vmem>>
    %dma_start3A_12 = arith.constant 0 : i32
    %dma_start3A_13 = arith.constant 0 : i32
    %dma_start3A_14 = tpu.memref_slice %arg2[%arg0, %dma_start3A_12, %dma_start3A_13] : memref<2x20480x64xf32, #tpu.memory_space<hbm>> -> memref<1x20480x64xf32, #tpu.memory_space<hbm>>
    %dma_start3A_15 = tpu.memref_squeeze %dma_start3A_14 : memref<1x20480x64xf32, #tpu.memory_space<hbm>> -> memref<20480x64xf32, #tpu.memory_space<hbm>>
    %dma_start3A_16 = arith.constant 0 : i32
    %dma_start3A_17 = arith.constant 0 : i32
    %dma_start3A_18 = tpu.memref_slice %dma_start3A_15[%dma_start3A_16, %dma_start3A_17] : memref<20480x64xf32, #tpu.memory_space<hbm>> -> memref<20480x64xf32, #tpu.memory_space<hbm>>
    tpu.enqueue_indirect_dma source(%dma_start3A_18 : memref<20480x64xf32, #tpu.memory_space<hbm>>) target(%dma_start3A_8 : memref<128x64xf32, #tpu.memory_space<vmem>>) offsets(%dma_start3A_11 : memref<128xi32, #tpu.memory_space<vmem>>) semaphore(%arg11 : memref<!tpu.dma_semaphore, #tpu.memory_space<semaphore_mem>>)
    %scan3A = arith.constant 0 : i32
    %scan3A_19 = arith.constant 79 : i32
    %scan3A_20 = arith.addi %scan3A, %scan3A_19 : i32
    %scan3A_21 = arith.constant 1 : i32
    scf.for %scan3A_60 = %scan3A to %scan3A_20 step %scan3A_21  : i32 {
      %mul3A_61 = arith.constant 2 : i32
      %mul3A_62 = arith.muli %scan3A_60, %mul3A_61 : i32
      %add3A = arith.constant 0 : i32
      %add3A_63 = arith.addi %add3A, %mul3A_62 : i32
      %dma_wait3A = arith.constant 0 : i32
      %dma_wait3A_64 = arith.constant 0 : i32
      %dma_wait3A_65 = arith.constant 0 : i32
      %dma_wait3A_66 = arith.constant 0 : i32
      %dma_wait3A_67 = tpu.memref_slice %arg9[%dma_wait3A_64, %dma_wait3A_65, %dma_wait3A_66] : memref<2x128x64xf32, #tpu.memory_space<vmem>> -> memref<1x128x64xf32, #tpu.memory_space<vmem>>
      %dma_wait3A_68 = tpu.memref_squeeze %dma_wait3A_67 : memref<1x128x64xf32, #tpu.memory_space<vmem>> -> memref<128x64xf32, #tpu.memory_space<vmem>>
      %dma_wait3A_69 = arith.constant 0 : i32
      %dma_wait3A_70 = tpu.memref_slice %arg7[%dma_wait3A, %add3A_63, %dma_wait3A_69] : memref<2x158x128xi32, #tpu.memory_space<vmem>> -> memref<1x1x128xi32, #tpu.memory_space<vmem>>
      %dma_wait3A_71 = tpu.memref_squeeze %dma_wait3A_70 : memref<1x1x128xi32, #tpu.memory_space<vmem>> -> memref<128xi32, #tpu.memory_space<vmem>>
      %dma_wait3A_72 = arith.constant 0 : i32
      %dma_wait3A_73 = arith.constant 0 : i32
      %dma_wait3A_74 = tpu.memref_slice %arg2[%arg0, %dma_wait3A_72, %dma_wait3A_73] : memref<2x20480x64xf32, #tpu.memory_space<hbm>> -> memref<1x20480x64xf32, #tpu.memory_space<hbm>>
      %dma_wait3A_75 = tpu.memref_squeeze %dma_wait3A_74 : memref<1x20480x64xf32, #tpu.memory_space<hbm>> -> memref<20480x64xf32, #tpu.memory_space<hbm>>
      %dma_wait3A_76 = arith.constant 0 : i32
      %dma_wait3A_77 = arith.constant 0 : i32
      %dma_wait3A_78 = tpu.memref_slice %dma_wait3A_75[%dma_wait3A_76, %dma_wait3A_77] : memref<20480x64xf32, #tpu.memory_space<hbm>> -> memref<20480x64xf32, #tpu.memory_space<hbm>>
      tpu.wait_indirect_dma semaphore(%arg11 : memref<!tpu.dma_semaphore, #tpu.memory_space<semaphore_mem>>) src(%dma_wait3A_78 : memref<20480x64xf32, #tpu.memory_space<hbm>>) dst(%dma_wait3A_68 : memref<128x64xf32, #tpu.memory_space<vmem>>)
      %add3A_79 = arith.constant 1 : i32
      %add3A_80 = arith.addi %add3A_63, %add3A_79 : i32
      %dma_start3A_81 = arith.constant 0 : i32
      %dma_start3A_82 = arith.constant 1 : i32
      %dma_start3A_83 = arith.constant 0 : i32
      %dma_start3A_84 = arith.constant 0 : i32
      %dma_start3A_85 = tpu.memref_slice %arg9[%dma_start3A_82, %dma_start3A_83, %dma_start3A_84] : memref<2x128x64xf32, #tpu.memory_space<vmem>> -> memref<1x128x64xf32, #tpu.memory_space<vmem>>
      %dma_start3A_86 = tpu.memref_squeeze %dma_start3A_85 : memref<1x128x64xf32, #tpu.memory_space<vmem>> -> memref<128x64xf32, #tpu.memory_space<vmem>>
      %dma_start3A_87 = arith.constant 0 : i32
      %dma_start3A_88 = tpu.memref_slice %arg7[%dma_start3A_81, %add3A_80, %dma_start3A_87] : memref<2x158x128xi32, #tpu.memory_space<vmem>> -> memref<1x1x128xi32, #tpu.memory_space<vmem>>
      %dma_start3A_89 = tpu.memref_squeeze %dma_start3A_88 : memref<1x1x128xi32, #tpu.memory_space<vmem>> -> memref<128xi32, #tpu.memory_space<vmem>>
      %dma_start3A_90 = arith.constant 0 : i32
      %dma_start3A_91 = arith.constant 0 : i32
      %dma_start3A_92 = tpu.memref_slice %arg2[%arg0, %dma_start3A_90, %dma_start3A_91] : memref<2x20480x64xf32, #tpu.memory_space<hbm>> -> memref<1x20480x64xf32, #tpu.memory_space<hbm>>
      %dma_start3A_93 = tpu.memref_squeeze %dma_start3A_92 : memref<1x20480x64xf32, #tpu.memory_space<hbm>> -> memref<20480x64xf32, #tpu.memory_space<hbm>>
      %dma_start3A_94 = arith.constant 0 : i32
      %dma_start3A_95 = arith.constant 0 : i32
      %dma_start3A_96 = tpu.memref_slice %dma_start3A_93[%dma_start3A_94, %dma_start3A_95] : memref<20480x64xf32, #tpu.memory_space<hbm>> -> memref<20480x64xf32, #tpu.memory_space<hbm>>
      tpu.enqueue_indirect_dma source(%dma_start3A_96 : memref<20480x64xf32, #tpu.memory_space<hbm>>) target(%dma_start3A_86 : memref<128x64xf32, #tpu.memory_space<vmem>>) offsets(%dma_start3A_89 : memref<128xi32, #tpu.memory_space<vmem>>) semaphore(%arg12 : memref<!tpu.dma_semaphore, #tpu.memory_space<semaphore_mem>>)
      %run_scoped3A = arith.constant 0 : i32
      "tpu.region"() ({
        %run_scoped3A_122 = tpu.sem_alloc : memref<!tpu.dma_semaphore, #tpu.memory_space<semaphore_mem>>
        %dma_start3A_123 = arith.constant 0 : i32
        %dma_start3A_124 = arith.constant 0 : i32
        %dma_start3A_125 = tpu.memref_slice %arg9[%run_scoped3A, %dma_start3A_123, %dma_start3A_124] : memref<2x128x64xf32, #tpu.memory_space<vmem>> -> memref<1x128x64xf32, #tpu.memory_space<vmem>>
        %dma_start3A_126 = tpu.memref_squeeze %dma_start3A_125 : memref<1x128x64xf32, #tpu.memory_space<vmem>> -> memref<128x64xf32, #tpu.memory_space<vmem>>
        %dma_start3A_127 = arith.constant 0 : i32
        %dma_start3A_128 = tpu.memref_slice %arg8[%add3A_63, %dma_start3A_127] : memref<158x128xi32, #tpu.memory_space<vmem>> -> memref<1x128xi32, #tpu.memory_space<vmem>>
        %dma_start3A_129 = tpu.memref_squeeze %dma_start3A_128 : memref<1x128xi32, #tpu.memory_space<vmem>> -> memref<128xi32, #tpu.memory_space<vmem>>
        %dma_start3A_130 = arith.constant 0 : i32
        %dma_start3A_131 = arith.constant 0 : i32
        %dma_start3A_132 = tpu.memref_slice %arg10[%dma_start3A_130, %dma_start3A_131] : memref<10240x64xf32, #tpu.memory_space<vmem_shared>> -> memref<10240x64xf32, #tpu.memory_space<vmem_shared>>
        tpu.enqueue_indirect_dma source(%dma_start3A_126 : memref<128x64xf32, #tpu.memory_space<vmem>>) target(%dma_start3A_132 : memref<10240x64xf32, #tpu.memory_space<vmem_shared>>) offsets(%dma_start3A_129 : memref<128xi32, #tpu.memory_space<vmem>>) semaphore(%run_scoped3A_122 : memref<!tpu.dma_semaphore, #tpu.memory_space<semaphore_mem>>) {add = true}
        %dma_wait3A_133 = arith.constant 0 : i32
        %dma_wait3A_134 = arith.constant 0 : i32
        %dma_wait3A_135 = tpu.memref_slice %arg9[%run_scoped3A, %dma_wait3A_133, %dma_wait3A_134] : memref<2x128x64xf32, #tpu.memory_space<vmem>> -> memref<1x128x64xf32, #tpu.memory_space<vmem>>
        %dma_wait3A_136 = tpu.memref_squeeze %dma_wait3A_135 : memref<1x128x64xf32, #tpu.memory_space<vmem>> -> memref<128x64xf32, #tpu.memory_space<vmem>>
        %dma_wait3A_137 = arith.constant 0 : i32
        %dma_wait3A_138 = tpu.memref_slice %arg8[%add3A_63, %dma_wait3A_137] : memref<158x128xi32, #tpu.memory_space<vmem>> -> memref<1x128xi32, #tpu.memory_space<vmem>>
        %dma_wait3A_139 = tpu.memref_squeeze %dma_wait3A_138 : memref<1x128xi32, #tpu.memory_space<vmem>> -> memref<128xi32, #tpu.memory_space<vmem>>
        %dma_wait3A_140 = arith.constant 0 : i32
        %dma_wait3A_141 = arith.constant 0 : i32
        %dma_wait3A_142 = tpu.memref_slice %arg10[%dma_wait3A_140, %dma_wait3A_141] : memref<10240x64xf32, #tpu.memory_space<vmem_shared>> -> memref<10240x64xf32, #tpu.memory_space<vmem_shared>>
        tpu.wait_indirect_dma semaphore(%run_scoped3A_122 : memref<!tpu.dma_semaphore, #tpu.memory_space<semaphore_mem>>) src(%dma_wait3A_136 : memref<128x64xf32, #tpu.memory_space<vmem>>) dst(%dma_wait3A_142 : memref<10240x64xf32, #tpu.memory_space<vmem_shared>>)
        tpu.yield
      }) : () -> ()
      %add3A_97 = arith.constant 1 : i32
      %add3A_98 = arith.addi %add3A_63, %add3A_97 : i32
      %dma_wait3A_99 = arith.constant 0 : i32
      %dma_wait3A_100 = arith.constant 1 : i32
      %dma_wait3A_101 = arith.constant 0 : i32
      %dma_wait3A_102 = arith.constant 0 : i32
      %dma_wait3A_103 = tpu.memref_slice %arg9[%dma_wait3A_100, %dma_wait3A_101, %dma_wait3A_102] : memref<2x128x64xf32, #tpu.memory_space<vmem>> -> memref<1x128x64xf32, #tpu.memory_space<vmem>>
      %dma_wait3A_104 = tpu.memref_squeeze %dma_wait3A_103 : memref<1x128x64xf32, #tpu.memory_space<vmem>> -> memref<128x64xf32, #tpu.memory_space<vmem>>
      %dma_wait3A_105 = arith.constant 0 : i32
      %dma_wait3A_106 = tpu.memref_slice %arg7[%dma_wait3A_99, %add3A_98, %dma_wait3A_105] : memref<2x158x128xi32, #tpu.memory_space<vmem>> -> memref<1x1x128xi32, #tpu.memory_space<vmem>>
      %dma_wait3A_107 = tpu.memref_squeeze %dma_wait3A_106 : memref<1x1x128xi32, #tpu.memory_space<vmem>> -> memref<128xi32, #tpu.memory_space<vmem>>
      %dma_wait3A_108 = arith.constant 0 : i32
      %dma_wait3A_109 = arith.constant 0 : i32
      %dma_wait3A_110 = tpu.memref_slice %arg2[%arg0, %dma_wait3A_108, %dma_wait3A_109] : memref<2x20480x64xf32, #tpu.memory_space<hbm>> -> memref<1x20480x64xf32, #tpu.memory_space<hbm>>
      %dma_wait3A_111 = tpu.memref_squeeze %dma_wait3A_110 : memref<1x20480x64xf32, #tpu.memory_space<hbm>> -> memref<20480x64xf32, #tpu.memory_space<hbm>>
      %dma_wait3A_112 = arith.constant 0 : i32
      %dma_wait3A_113 = arith.constant 0 : i32
      %dma_wait3A_114 = tpu.memref_slice %dma_wait3A_111[%dma_wait3A_112, %dma_wait3A_113] : memref<20480x64xf32, #tpu.memory_space<hbm>> -> memref<20480x64xf32, #tpu.memory_space<hbm>>
      tpu.wait_indirect_dma semaphore(%arg12 : memref<!tpu.dma_semaphore, #tpu.memory_space<semaphore_mem>>) src(%dma_wait3A_114 : memref<20480x64xf32, #tpu.memory_space<hbm>>) dst(%dma_wait3A_104 : memref<128x64xf32, #tpu.memory_space<vmem>>)
      %add3A_115 = arith.constant 2 : i32
      %add3A_116 = arith.addi %add3A_63, %add3A_115 : i32
      %lt3A = arith.constant 158 : i32
      %lt3A_117 = arith.cmpi slt, %add3A_116, %lt3A : i32
      %convert_element_type3A = arith.extui %lt3A_117 : i1 to i32
      %cond3A = arith.constant 0 : i32
      %cond3A_118 = arith.cmpi ne, %convert_element_type3A, %cond3A : i32
      scf.if %cond3A_118 {
        %add3A_122 = arith.constant 2 : i32
        %add3A_123 = arith.addi %add3A_63, %add3A_122 : i32
        %dma_start3A_124 = arith.constant 0 : i32
        %dma_start3A_125 = arith.constant 0 : i32
        %dma_start3A_126 = arith.constant 0 : i32
        %dma_start3A_127 = arith.constant 0 : i32
        %dma_start3A_128 = tpu.memref_slice %arg9[%dma_start3A_125, %dma_start3A_126, %dma_start3A_127] : memref<2x128x64xf32, #tpu.memory_space<vmem>> -> memref<1x128x64xf32, #tpu.memory_space<vmem>>
        %dma_start3A_129 = tpu.memref_squeeze %dma_start3A_128 : memref<1x128x64xf32, #tpu.memory_space<vmem>> -> memref<128x64xf32, #tpu.memory_space<vmem>>
        %dma_start3A_130 = arith.constant 0 : i32
        %dma_start3A_131 = tpu.memref_slice %arg7[%dma_start3A_124, %add3A_123, %dma_start3A_130] : memref<2x158x128xi32, #tpu.memory_space<vmem>> -> memref<1x1x128xi32, #tpu.memory_space<vmem>>
        %dma_start3A_132 = tpu.memref_squeeze %dma_start3A_131 : memref<1x1x128xi32, #tpu.memory_space<vmem>> -> memref<128xi32, #tpu.memory_space<vmem>>
        %dma_start3A_133 = arith.constant 0 : i32
        %dma_start3A_134 = arith.constant 0 : i32
        %dma_start3A_135 = tpu.memref_slice %arg2[%arg0, %dma_start3A_133, %dma_start3A_134] : memref<2x20480x64xf32, #tpu.memory_space<hbm>> -> memref<1x20480x64xf32, #tpu.memory_space<hbm>>
        %dma_start3A_136 = tpu.memref_squeeze %dma_start3A_135 : memref<1x20480x64xf32, #tpu.memory_space<hbm>> -> memref<20480x64xf32, #tpu.memory_space<hbm>>
        %dma_start3A_137 = arith.constant 0 : i32
        %dma_start3A_138 = arith.constant 0 : i32
        %dma_start3A_139 = tpu.memref_slice %dma_start3A_136[%dma_start3A_137, %dma_start3A_138] : memref<20480x64xf32, #tpu.memory_space<hbm>> -> memref<20480x64xf32, #tpu.memory_space<hbm>>
        tpu.enqueue_indirect_dma source(%dma_start3A_139 : memref<20480x64xf32, #tpu.memory_space<hbm>>) target(%dma_start3A_129 : memref<128x64xf32, #tpu.memory_space<vmem>>) offsets(%dma_start3A_132 : memref<128xi32, #tpu.memory_space<vmem>>) semaphore(%arg11 : memref<!tpu.dma_semaphore, #tpu.memory_space<semaphore_mem>>)
      } else {
      }
      %add3A_119 = arith.constant 1 : i32
      %add3A_120 = arith.addi %add3A_63, %add3A_119 : i32
      %run_scoped3A_121 = arith.constant 1 : i32
      "tpu.region"() ({
        %run_scoped3A_122 = tpu.sem_alloc : memref<!tpu.dma_semaphore, #tpu.memory_space<semaphore_mem>>
        %dma_start3A_123 = arith.constant 0 : i32
        %dma_start3A_124 = arith.constant 0 : i32
        %dma_start3A_125 = tpu.memref_slice %arg9[%run_scoped3A_121, %dma_start3A_123, %dma_start3A_124] : memref<2x128x64xf32, #tpu.memory_space<vmem>> -> memref<1x128x64xf32, #tpu.memory_space<vmem>>
        %dma_start3A_126 = tpu.memref_squeeze %dma_start3A_125 : memref<1x128x64xf32, #tpu.memory_space<vmem>> -> memref<128x64xf32, #tpu.memory_space<vmem>>
        %dma_start3A_127 = arith.constant 0 : i32
        %dma_start3A_128 = tpu.memref_slice %arg8[%add3A_120, %dma_start3A_127] : memref<158x128xi32, #tpu.memory_space<vmem>> -> memref<1x128xi32, #tpu.memory_space<vmem>>
        %dma_start3A_129 = tpu.memref_squeeze %dma_start3A_128 : memref<1x128xi32, #tpu.memory_space<vmem>> -> memref<128xi32, #tpu.memory_space<vmem>>
        %dma_start3A_130 = arith.constant 0 : i32
        %dma_start3A_131 = arith.constant 0 : i32
        %dma_start3A_132 = tpu.memref_slice %arg10[%dma_start3A_130, %dma_start3A_131] : memref<10240x64xf32, #tpu.memory_space<vmem_shared>> -> memref<10240x64xf32, #tpu.memory_space<vmem_shared>>
        tpu.enqueue_indirect_dma source(%dma_start3A_126 : memref<128x64xf32, #tpu.memory_space<vmem>>) target(%dma_start3A_132 : memref<10240x64xf32, #tpu.memory_space<vmem_shared>>) offsets(%dma_start3A_129 : memref<128xi32, #tpu.memory_space<vmem>>) semaphore(%run_scoped3A_122 : memref<!tpu.dma_semaphore, #tpu.memory_space<semaphore_mem>>) {add = true}
        %dma_wait3A_133 = arith.constant 0 : i32
        %dma_wait3A_134 = arith.constant 0 : i32
        %dma_wait3A_135 = tpu.memref_slice %arg9[%run_scoped3A_121, %dma_wait3A_133, %dma_wait3A_134] : memref<2x128x64xf32, #tpu.memory_space<vmem>> -> memref<1x128x64xf32, #tpu.memory_space<vmem>>
        %dma_wait3A_136 = tpu.memref_squeeze %dma_wait3A_135 : memref<1x128x64xf32, #tpu.memory_space<vmem>> -> memref<128x64xf32, #tpu.memory_space<vmem>>
        %dma_wait3A_137 = arith.constant 0 : i32
        %dma_wait3A_138 = tpu.memref_slice %arg8[%add3A_120, %dma_wait3A_137] : memref<158x128xi32, #tpu.memory_space<vmem>> -> memref<1x128xi32, #tpu.memory_space<vmem>>
        %dma_wait3A_139 = tpu.memref_squeeze %dma_wait3A_138 : memref<1x128xi32, #tpu.memory_space<vmem>> -> memref<128xi32, #tpu.memory_space<vmem>>
        %dma_wait3A_140 = arith.constant 0 : i32
        %dma_wait3A_141 = arith.constant 0 : i32
        %dma_wait3A_142 = tpu.memref_slice %arg10[%dma_wait3A_140, %dma_wait3A_141] : memref<10240x64xf32, #tpu.memory_space<vmem_shared>> -> memref<10240x64xf32, #tpu.memory_space<vmem_shared>>
        tpu.wait_indirect_dma semaphore(%run_scoped3A_122 : memref<!tpu.dma_semaphore, #tpu.memory_space<semaphore_mem>>) src(%dma_wait3A_136 : memref<128x64xf32, #tpu.memory_space<vmem>>) dst(%dma_wait3A_142 : memref<10240x64xf32, #tpu.memory_space<vmem_shared>>)
        tpu.yield
      }) : () -> ()
    }
    %scan3A_22 = arith.constant 79 : i32
    %barrier3A_23 = arith.constant 0 : index
    tpu.barrier barrier_id(%barrier3A_23)
    %mul3A_24 = arith.constant 640 : i32
    %mul3A_25 = arith.muli %arg1, %mul3A_24 : i32
    %mul3A_26 = arith.constant 640 : i32
    %mul3A_27 = arith.muli %arg1, %mul3A_26 : i32
    "tpu.region"() ({
      %run_scoped3A = tpu.sem_alloc : memref<!tpu.dma_semaphore, #tpu.memory_space<semaphore_mem>>
      %dma_start3A_60 = arith.constant 0 : i32
      %dma_start3A_61 = arith.constant 0 : i32
      %dma_start3A_62 = tpu.memref_slice %arg6[%arg0, %dma_start3A_60, %dma_start3A_61] : memref<2x10240x128xf32, #tpu.memory_space<hbm>> -> memref<1x10240x128xf32, #tpu.memory_space<hbm>>
      %dma_start3A_63 = tpu.memref_squeeze %dma_start3A_62 : memref<1x10240x128xf32, #tpu.memory_space<hbm>> -> memref<10240x128xf32, #tpu.memory_space<hbm>>
      %dma_start3A_64 = arith.constant 0 : i32
      %dma_start3A_65 = tpu.memref_slice %dma_start3A_63[%mul3A_27, %dma_start3A_64] : memref<10240x128xf32, #tpu.memory_space<hbm>> -> memref<640x64xf32, #tpu.memory_space<hbm>>
      %dma_start3A_66 = arith.constant 0 : i32
      %dma_start3A_67 = tpu.memref_slice %arg10[%mul3A_25, %dma_start3A_66] : memref<10240x64xf32, #tpu.memory_space<vmem_shared>> -> memref<640x64xf32, #tpu.memory_space<vmem_shared>>
      tpu.enqueue_dma source(%dma_start3A_67 : memref<640x64xf32, #tpu.memory_space<vmem_shared>>) target(%dma_start3A_65 : memref<640x64xf32, #tpu.memory_space<hbm>>) target_semaphore(%run_scoped3A : memref<!tpu.dma_semaphore, #tpu.memory_space<semaphore_mem>>)
      %dma_wait3A = arith.constant 0 : i32
      %dma_wait3A_68 = arith.constant 0 : i32
      %dma_wait3A_69 = tpu.memref_slice %arg6[%arg0, %dma_wait3A, %dma_wait3A_68] : memref<2x10240x128xf32, #tpu.memory_space<hbm>> -> memref<1x10240x128xf32, #tpu.memory_space<hbm>>
      %dma_wait3A_70 = tpu.memref_squeeze %dma_wait3A_69 : memref<1x10240x128xf32, #tpu.memory_space<hbm>> -> memref<10240x128xf32, #tpu.memory_space<hbm>>
      %dma_wait3A_71 = arith.constant 0 : i32
      %dma_wait3A_72 = tpu.memref_slice %dma_wait3A_70[%mul3A_27, %dma_wait3A_71] : memref<10240x128xf32, #tpu.memory_space<hbm>> -> memref<640x64xf32, #tpu.memory_space<hbm>>
      %dma_wait3A_73 = arith.constant 0 : i32
      %dma_wait3A_74 = tpu.memref_slice %arg10[%mul3A_25, %dma_wait3A_73] : memref<10240x64xf32, #tpu.memory_space<vmem_shared>> -> memref<640x64xf32, #tpu.memory_space<vmem_shared>>
      tpu.wait_dma2 semaphore(%run_scoped3A : memref<!tpu.dma_semaphore, #tpu.memory_space<semaphore_mem>>) src(%dma_wait3A_74 : memref<640x64xf32, #tpu.memory_space<vmem_shared>>) dst(%dma_wait3A_72 : memref<640x64xf32, #tpu.memory_space<hbm>>)
      tpu.yield
    }) : () -> ()
    %mul3A_28 = arith.constant 640 : i32
    %mul3A_29 = arith.muli %arg1, %mul3A_28 : i32
    %mul3A_30 = arith.constant 640 : i32
    %mul3A_31 = arith.muli %arg1, %mul3A_30 : i32
    "tpu.region"() ({
      %run_scoped3A = tpu.sem_alloc : memref<!tpu.dma_semaphore, #tpu.memory_space<semaphore_mem>>
      %dma_start3A_60 = arith.constant 0 : i32
      %dma_start3A_61 = tpu.memref_slice %arg10[%mul3A_31, %dma_start3A_60] : memref<10240x64xf32, #tpu.memory_space<vmem_shared>> -> memref<640x64xf32, #tpu.memory_space<vmem_shared>>
      %dma_start3A_62 = arith.constant 0 : i32
      %dma_start3A_63 = tpu.memref_slice %arg5[%mul3A_29, %dma_start3A_62] : memref<10240x64xf32, #tpu.memory_space<hbm>> -> memref<640x64xf32, #tpu.memory_space<hbm>>
      tpu.enqueue_dma source(%dma_start3A_63 : memref<640x64xf32, #tpu.memory_space<hbm>>) target(%dma_start3A_61 : memref<640x64xf32, #tpu.memory_space<vmem_shared>>) target_semaphore(%run_scoped3A : memref<!tpu.dma_semaphore, #tpu.memory_space<semaphore_mem>>)
      %dma_wait3A = arith.constant 0 : i32
      %dma_wait3A_64 = tpu.memref_slice %arg10[%mul3A_31, %dma_wait3A] : memref<10240x64xf32, #tpu.memory_space<vmem_shared>> -> memref<640x64xf32, #tpu.memory_space<vmem_shared>>
      %dma_wait3A_65 = arith.constant 0 : i32
      %dma_wait3A_66 = tpu.memref_slice %arg5[%mul3A_29, %dma_wait3A_65] : memref<10240x64xf32, #tpu.memory_space<hbm>> -> memref<640x64xf32, #tpu.memory_space<hbm>>
      tpu.wait_dma2 semaphore(%run_scoped3A : memref<!tpu.dma_semaphore, #tpu.memory_space<semaphore_mem>>) src(%dma_wait3A_66 : memref<640x64xf32, #tpu.memory_space<hbm>>) dst(%dma_wait3A_64 : memref<640x64xf32, #tpu.memory_space<vmem_shared>>)
      tpu.yield
    }) : () -> ()
    %barrier3A_32 = arith.constant 0 : index
    tpu.barrier barrier_id(%barrier3A_32)
    %dma_start3A_33 = arith.constant 1 : i32
    %dma_start3A_34 = arith.constant 0 : i32
    %dma_start3A_35 = arith.constant 0 : i32
    %dma_start3A_36 = arith.constant 0 : i32
    %dma_start3A_37 = arith.constant 0 : i32
    %dma_start3A_38 = tpu.memref_slice %arg9[%dma_start3A_35, %dma_start3A_36, %dma_start3A_37] : memref<2x128x64xf32, #tpu.memory_space<vmem>> -> memref<1x128x64xf32, #tpu.memory_space<vmem>>
    %dma_start3A_39 = tpu.memref_squeeze %dma_start3A_38 : memref<1x128x64xf32, #tpu.memory_space<vmem>> -> memref<128x64xf32, #tpu.memory_space<vmem>>
    %dma_start3A_40 = arith.constant 0 : i32
    %dma_start3A_41 = tpu.memref_slice %arg7[%dma_start3A_33, %dma_start3A_34, %dma_start3A_40] : memref<2x158x128xi32, #tpu.memory_space<vmem>> -> memref<1x1x128xi32, #tpu.memory_space<vmem>>
    %dma_start3A_42 = tpu.memref_squeeze %dma_start3A_41 : memref<1x1x128xi32, #tpu.memory_space<vmem>> -> memref<128xi32, #tpu.memory_space<vmem>>
    %dma_start3A_43 = arith.constant 0 : i32
    %dma_start3A_44 = arith.constant 0 : i32
    %dma_start3A_45 = tpu.memref_slice %arg2[%arg0, %dma_start3A_43, %dma_start3A_44] : memref<2x20480x64xf32, #tpu.memory_space<hbm>> -> memref<1x20480x64xf32, #tpu.memory_space<hbm>>
    %dma_start3A_46 = tpu.memref_squeeze %dma_start3A_45 : memref<1x20480x64xf32, #tpu.memory_space<hbm>> -> memref<20480x64xf32, #tpu.memory_space<hbm>>
    %dma_start3A_47 = arith.constant 0 : i32
    %dma_start3A_48 = arith.constant 0 : i32
    %dma_start3A_49 = tpu.memref_slice %dma_start3A_46[%dma_start3A_47, %dma_start3A_48] : memref<20480x64xf32, #tpu.memory_space<hbm>> -> memref<20480x64xf32, #tpu.memory_space<hbm>>
    tpu.enqueue_indirect_dma source(%dma_start3A_49 : memref<20480x64xf32, #tpu.memory_space<hbm>>) target(%dma_start3A_39 : memref<128x64xf32, #tpu.memory_space<vmem>>) offsets(%dma_start3A_42 : memref<128xi32, #tpu.memory_space<vmem>>) semaphore(%arg11 : memref<!tpu.dma_semaphore, #tpu.memory_space<semaphore_mem>>)
    %scan3A_50 = arith.constant 0 : i32
    %scan3A_51 = arith.constant 79 : i32
    %scan3A_52 = arith.addi %scan3A_50, %scan3A_51 : i32
    %scan3A_53 = arith.constant 1 : i32
    scf.for %scan3A_60 = %scan3A_50 to %scan3A_52 step %scan3A_53  : i32 {
      %mul3A_61 = arith.constant 2 : i32
      %mul3A_62 = arith.muli %scan3A_60, %mul3A_61 : i32
      %add3A = arith.constant 0 : i32
      %add3A_63 = arith.addi %add3A, %mul3A_62 : i32
      %dma_wait3A = arith.constant 1 : i32
      %dma_wait3A_64 = arith.constant 0 : i32
      %dma_wait3A_65 = arith.constant 0 : i32
      %dma_wait3A_66 = arith.constant 0 : i32
      %dma_wait3A_67 = tpu.memref_slice %arg9[%dma_wait3A_64, %dma_wait3A_65, %dma_wait3A_66] : memref<2x128x64xf32, #tpu.memory_space<vmem>> -> memref<1x128x64xf32, #tpu.memory_space<vmem>>
      %dma_wait3A_68 = tpu.memref_squeeze %dma_wait3A_67 : memref<1x128x64xf32, #tpu.memory_space<vmem>> -> memref<128x64xf32, #tpu.memory_space<vmem>>
      %dma_wait3A_69 = arith.constant 0 : i32
      %dma_wait3A_70 = tpu.memref_slice %arg7[%dma_wait3A, %add3A_63, %dma_wait3A_69] : memref<2x158x128xi32, #tpu.memory_space<vmem>> -> memref<1x1x128xi32, #tpu.memory_space<vmem>>
      %dma_wait3A_71 = tpu.memref_squeeze %dma_wait3A_70 : memref<1x1x128xi32, #tpu.memory_space<vmem>> -> memref<128xi32, #tpu.memory_space<vmem>>
      %dma_wait3A_72 = arith.constant 0 : i32
      %dma_wait3A_73 = arith.constant 0 : i32
      %dma_wait3A_74 = tpu.memref_slice %arg2[%arg0, %dma_wait3A_72, %dma_wait3A_73] : memref<2x20480x64xf32, #tpu.memory_space<hbm>> -> memref<1x20480x64xf32, #tpu.memory_space<hbm>>
      %dma_wait3A_75 = tpu.memref_squeeze %dma_wait3A_74 : memref<1x20480x64xf32, #tpu.memory_space<hbm>> -> memref<20480x64xf32, #tpu.memory_space<hbm>>
      %dma_wait3A_76 = arith.constant 0 : i32
      %dma_wait3A_77 = arith.constant 0 : i32
      %dma_wait3A_78 = tpu.memref_slice %dma_wait3A_75[%dma_wait3A_76, %dma_wait3A_77] : memref<20480x64xf32, #tpu.memory_space<hbm>> -> memref<20480x64xf32, #tpu.memory_space<hbm>>
      tpu.wait_indirect_dma semaphore(%arg11 : memref<!tpu.dma_semaphore, #tpu.memory_space<semaphore_mem>>) src(%dma_wait3A_78 : memref<20480x64xf32, #tpu.memory_space<hbm>>) dst(%dma_wait3A_68 : memref<128x64xf32, #tpu.memory_space<vmem>>)
      %add3A_79 = arith.constant 1 : i32
      %add3A_80 = arith.addi %add3A_63, %add3A_79 : i32
      %dma_start3A_81 = arith.constant 1 : i32
      %dma_start3A_82 = arith.constant 1 : i32
      %dma_start3A_83 = arith.constant 0 : i32
      %dma_start3A_84 = arith.constant 0 : i32
      %dma_start3A_85 = tpu.memref_slice %arg9[%dma_start3A_82, %dma_start3A_83, %dma_start3A_84] : memref<2x128x64xf32, #tpu.memory_space<vmem>> -> memref<1x128x64xf32, #tpu.memory_space<vmem>>
      %dma_start3A_86 = tpu.memref_squeeze %dma_start3A_85 : memref<1x128x64xf32, #tpu.memory_space<vmem>> -> memref<128x64xf32, #tpu.memory_space<vmem>>
      %dma_start3A_87 = arith.constant 0 : i32
      %dma_start3A_88 = tpu.memref_slice %arg7[%dma_start3A_81, %add3A_80, %dma_start3A_87] : memref<2x158x128xi32, #tpu.memory_space<vmem>> -> memref<1x1x128xi32, #tpu.memory_space<vmem>>
      %dma_start3A_89 = tpu.memref_squeeze %dma_start3A_88 : memref<1x1x128xi32, #tpu.memory_space<vmem>> -> memref<128xi32, #tpu.memory_space<vmem>>
      %dma_start3A_90 = arith.constant 0 : i32
      %dma_start3A_91 = arith.constant 0 : i32
      %dma_start3A_92 = tpu.memref_slice %arg2[%arg0, %dma_start3A_90, %dma_start3A_91] : memref<2x20480x64xf32, #tpu.memory_space<hbm>> -> memref<1x20480x64xf32, #tpu.memory_space<hbm>>
      %dma_start3A_93 = tpu.memref_squeeze %dma_start3A_92 : memref<1x20480x64xf32, #tpu.memory_space<hbm>> -> memref<20480x64xf32, #tpu.memory_space<hbm>>
      %dma_start3A_94 = arith.constant 0 : i32
      %dma_start3A_95 = arith.constant 0 : i32
      %dma_start3A_96 = tpu.memref_slice %dma_start3A_93[%dma_start3A_94, %dma_start3A_95] : memref<20480x64xf32, #tpu.memory_space<hbm>> -> memref<20480x64xf32, #tpu.memory_space<hbm>>
      tpu.enqueue_indirect_dma source(%dma_start3A_96 : memref<20480x64xf32, #tpu.memory_space<hbm>>) target(%dma_start3A_86 : memref<128x64xf32, #tpu.memory_space<vmem>>) offsets(%dma_start3A_89 : memref<128xi32, #tpu.memory_space<vmem>>) semaphore(%arg12 : memref<!tpu.dma_semaphore, #tpu.memory_space<semaphore_mem>>)
      %run_scoped3A = arith.constant 0 : i32
      "tpu.region"() ({
        %run_scoped3A_122 = tpu.sem_alloc : memref<!tpu.dma_semaphore, #tpu.memory_space<semaphore_mem>>
        %dma_start3A_123 = arith.constant 0 : i32
        %dma_start3A_124 = arith.constant 0 : i32
        %dma_start3A_125 = tpu.memref_slice %arg9[%run_scoped3A, %dma_start3A_123, %dma_start3A_124] : memref<2x128x64xf32, #tpu.memory_space<vmem>> -> memref<1x128x64xf32, #tpu.memory_space<vmem>>
        %dma_start3A_126 = tpu.memref_squeeze %dma_start3A_125 : memref<1x128x64xf32, #tpu.memory_space<vmem>> -> memref<128x64xf32, #tpu.memory_space<vmem>>
        %dma_start3A_127 = arith.constant 0 : i32
        %dma_start3A_128 = tpu.memref_slice %arg8[%add3A_63, %dma_start3A_127] : memref<158x128xi32, #tpu.memory_space<vmem>> -> memref<1x128xi32, #tpu.memory_space<vmem>>
        %dma_start3A_129 = tpu.memref_squeeze %dma_start3A_128 : memref<1x128xi32, #tpu.memory_space<vmem>> -> memref<128xi32, #tpu.memory_space<vmem>>
        %dma_start3A_130 = arith.constant 0 : i32
        %dma_start3A_131 = arith.constant 0 : i32
        %dma_start3A_132 = tpu.memref_slice %arg10[%dma_start3A_130, %dma_start3A_131] : memref<10240x64xf32, #tpu.memory_space<vmem_shared>> -> memref<10240x64xf32, #tpu.memory_space<vmem_shared>>
        tpu.enqueue_indirect_dma source(%dma_start3A_126 : memref<128x64xf32, #tpu.memory_space<vmem>>) target(%dma_start3A_132 : memref<10240x64xf32, #tpu.memory_space<vmem_shared>>) offsets(%dma_start3A_129 : memref<128xi32, #tpu.memory_space<vmem>>) semaphore(%run_scoped3A_122 : memref<!tpu.dma_semaphore, #tpu.memory_space<semaphore_mem>>) {add = true}
        %dma_wait3A_133 = arith.constant 0 : i32
        %dma_wait3A_134 = arith.constant 0 : i32
        %dma_wait3A_135 = tpu.memref_slice %arg9[%run_scoped3A, %dma_wait3A_133, %dma_wait3A_134] : memref<2x128x64xf32, #tpu.memory_space<vmem>> -> memref<1x128x64xf32, #tpu.memory_space<vmem>>
        %dma_wait3A_136 = tpu.memref_squeeze %dma_wait3A_135 : memref<1x128x64xf32, #tpu.memory_space<vmem>> -> memref<128x64xf32, #tpu.memory_space<vmem>>
        %dma_wait3A_137 = arith.constant 0 : i32
        %dma_wait3A_138 = tpu.memref_slice %arg8[%add3A_63, %dma_wait3A_137] : memref<158x128xi32, #tpu.memory_space<vmem>> -> memref<1x128xi32, #tpu.memory_space<vmem>>
        %dma_wait3A_139 = tpu.memref_squeeze %dma_wait3A_138 : memref<1x128xi32, #tpu.memory_space<vmem>> -> memref<128xi32, #tpu.memory_space<vmem>>
        %dma_wait3A_140 = arith.constant 0 : i32
        %dma_wait3A_141 = arith.constant 0 : i32
        %dma_wait3A_142 = tpu.memref_slice %arg10[%dma_wait3A_140, %dma_wait3A_141] : memref<10240x64xf32, #tpu.memory_space<vmem_shared>> -> memref<10240x64xf32, #tpu.memory_space<vmem_shared>>
        tpu.wait_indirect_dma semaphore(%run_scoped3A_122 : memref<!tpu.dma_semaphore, #tpu.memory_space<semaphore_mem>>) src(%dma_wait3A_136 : memref<128x64xf32, #tpu.memory_space<vmem>>) dst(%dma_wait3A_142 : memref<10240x64xf32, #tpu.memory_space<vmem_shared>>)
        tpu.yield
      }) : () -> ()
      %add3A_97 = arith.constant 1 : i32
      %add3A_98 = arith.addi %add3A_63, %add3A_97 : i32
      %dma_wait3A_99 = arith.constant 1 : i32
      %dma_wait3A_100 = arith.constant 1 : i32
      %dma_wait3A_101 = arith.constant 0 : i32
      %dma_wait3A_102 = arith.constant 0 : i32
      %dma_wait3A_103 = tpu.memref_slice %arg9[%dma_wait3A_100, %dma_wait3A_101, %dma_wait3A_102] : memref<2x128x64xf32, #tpu.memory_space<vmem>> -> memref<1x128x64xf32, #tpu.memory_space<vmem>>
      %dma_wait3A_104 = tpu.memref_squeeze %dma_wait3A_103 : memref<1x128x64xf32, #tpu.memory_space<vmem>> -> memref<128x64xf32, #tpu.memory_space<vmem>>
      %dma_wait3A_105 = arith.constant 0 : i32
      %dma_wait3A_106 = tpu.memref_slice %arg7[%dma_wait3A_99, %add3A_98, %dma_wait3A_105] : memref<2x158x128xi32, #tpu.memory_space<vmem>> -> memref<1x1x128xi32, #tpu.memory_space<vmem>>
      %dma_wait3A_107 = tpu.memref_squeeze %dma_wait3A_106 : memref<1x1x128xi32, #tpu.memory_space<vmem>> -> memref<128xi32, #tpu.memory_space<vmem>>
      %dma_wait3A_108 = arith.constant 0 : i32
      %dma_wait3A_109 = arith.constant 0 : i32
      %dma_wait3A_110 = tpu.memref_slice %arg2[%arg0, %dma_wait3A_108, %dma_wait3A_109] : memref<2x20480x64xf32, #tpu.memory_space<hbm>> -> memref<1x20480x64xf32, #tpu.memory_space<hbm>>
      %dma_wait3A_111 = tpu.memref_squeeze %dma_wait3A_110 : memref<1x20480x64xf32, #tpu.memory_space<hbm>> -> memref<20480x64xf32, #tpu.memory_space<hbm>>
      %dma_wait3A_112 = arith.constant 0 : i32
      %dma_wait3A_113 = arith.constant 0 : i32
      %dma_wait3A_114 = tpu.memref_slice %dma_wait3A_111[%dma_wait3A_112, %dma_wait3A_113] : memref<20480x64xf32, #tpu.memory_space<hbm>> -> memref<20480x64xf32, #tpu.memory_space<hbm>>
      tpu.wait_indirect_dma semaphore(%arg12 : memref<!tpu.dma_semaphore, #tpu.memory_space<semaphore_mem>>) src(%dma_wait3A_114 : memref<20480x64xf32, #tpu.memory_space<hbm>>) dst(%dma_wait3A_104 : memref<128x64xf32, #tpu.memory_space<vmem>>)
      %add3A_115 = arith.constant 2 : i32
      %add3A_116 = arith.addi %add3A_63, %add3A_115 : i32
      %lt3A = arith.constant 158 : i32
      %lt3A_117 = arith.cmpi slt, %add3A_116, %lt3A : i32
      %convert_element_type3A = arith.extui %lt3A_117 : i1 to i32
      %cond3A = arith.constant 0 : i32
      %cond3A_118 = arith.cmpi ne, %convert_element_type3A, %cond3A : i32
      scf.if %cond3A_118 {
        %add3A_122 = arith.constant 2 : i32
        %add3A_123 = arith.addi %add3A_63, %add3A_122 : i32
        %dma_start3A_124 = arith.constant 1 : i32
        %dma_start3A_125 = arith.constant 0 : i32
        %dma_start3A_126 = arith.constant 0 : i32
        %dma_start3A_127 = arith.constant 0 : i32
        %dma_start3A_128 = tpu.memref_slice %arg9[%dma_start3A_125, %dma_start3A_126, %dma_start3A_127] : memref<2x128x64xf32, #tpu.memory_space<vmem>> -> memref<1x128x64xf32, #tpu.memory_space<vmem>>
        %dma_start3A_129 = tpu.memref_squeeze %dma_start3A_128 : memref<1x128x64xf32, #tpu.memory_space<vmem>> -> memref<128x64xf32, #tpu.memory_space<vmem>>
        %dma_start3A_130 = arith.constant 0 : i32
        %dma_start3A_131 = tpu.memref_slice %arg7[%dma_start3A_124, %add3A_123, %dma_start3A_130] : memref<2x158x128xi32, #tpu.memory_space<vmem>> -> memref<1x1x128xi32, #tpu.memory_space<vmem>>
        %dma_start3A_132 = tpu.memref_squeeze %dma_start3A_131 : memref<1x1x128xi32, #tpu.memory_space<vmem>> -> memref<128xi32, #tpu.memory_space<vmem>>
        %dma_start3A_133 = arith.constant 0 : i32
        %dma_start3A_134 = arith.constant 0 : i32
        %dma_start3A_135 = tpu.memref_slice %arg2[%arg0, %dma_start3A_133, %dma_start3A_134] : memref<2x20480x64xf32, #tpu.memory_space<hbm>> -> memref<1x20480x64xf32, #tpu.memory_space<hbm>>
        %dma_start3A_136 = tpu.memref_squeeze %dma_start3A_135 : memref<1x20480x64xf32, #tpu.memory_space<hbm>> -> memref<20480x64xf32, #tpu.memory_space<hbm>>
        %dma_start3A_137 = arith.constant 0 : i32
        %dma_start3A_138 = arith.constant 0 : i32
        %dma_start3A_139 = tpu.memref_slice %dma_start3A_136[%dma_start3A_137, %dma_start3A_138] : memref<20480x64xf32, #tpu.memory_space<hbm>> -> memref<20480x64xf32, #tpu.memory_space<hbm>>
        tpu.enqueue_indirect_dma source(%dma_start3A_139 : memref<20480x64xf32, #tpu.memory_space<hbm>>) target(%dma_start3A_129 : memref<128x64xf32, #tpu.memory_space<vmem>>) offsets(%dma_start3A_132 : memref<128xi32, #tpu.memory_space<vmem>>) semaphore(%arg11 : memref<!tpu.dma_semaphore, #tpu.memory_space<semaphore_mem>>)
      } else {
      }
      %add3A_119 = arith.constant 1 : i32
      %add3A_120 = arith.addi %add3A_63, %add3A_119 : i32
      %run_scoped3A_121 = arith.constant 1 : i32
      "tpu.region"() ({
        %run_scoped3A_122 = tpu.sem_alloc : memref<!tpu.dma_semaphore, #tpu.memory_space<semaphore_mem>>
        %dma_start3A_123 = arith.constant 0 : i32
        %dma_start3A_124 = arith.constant 0 : i32
        %dma_start3A_125 = tpu.memref_slice %arg9[%run_scoped3A_121, %dma_start3A_123, %dma_start3A_124] : memref<2x128x64xf32, #tpu.memory_space<vmem>> -> memref<1x128x64xf32, #tpu.memory_space<vmem>>
        %dma_start3A_126 = tpu.memref_squeeze %dma_start3A_125 : memref<1x128x64xf32, #tpu.memory_space<vmem>> -> memref<128x64xf32, #tpu.memory_space<vmem>>
        %dma_start3A_127 = arith.constant 0 : i32
        %dma_start3A_128 = tpu.memref_slice %arg8[%add3A_120, %dma_start3A_127] : memref<158x128xi32, #tpu.memory_space<vmem>> -> memref<1x128xi32, #tpu.memory_space<vmem>>
        %dma_start3A_129 = tpu.memref_squeeze %dma_start3A_128 : memref<1x128xi32, #tpu.memory_space<vmem>> -> memref<128xi32, #tpu.memory_space<vmem>>
        %dma_start3A_130 = arith.constant 0 : i32
        %dma_start3A_131 = arith.constant 0 : i32
        %dma_start3A_132 = tpu.memref_slice %arg10[%dma_start3A_130, %dma_start3A_131] : memref<10240x64xf32, #tpu.memory_space<vmem_shared>> -> memref<10240x64xf32, #tpu.memory_space<vmem_shared>>
        tpu.enqueue_indirect_dma source(%dma_start3A_126 : memref<128x64xf32, #tpu.memory_space<vmem>>) target(%dma_start3A_132 : memref<10240x64xf32, #tpu.memory_space<vmem_shared>>) offsets(%dma_start3A_129 : memref<128xi32, #tpu.memory_space<vmem>>) semaphore(%run_scoped3A_122 : memref<!tpu.dma_semaphore, #tpu.memory_space<semaphore_mem>>) {add = true}
        %dma_wait3A_133 = arith.constant 0 : i32
        %dma_wait3A_134 = arith.constant 0 : i32
        %dma_wait3A_135 = tpu.memref_slice %arg9[%run_scoped3A_121, %dma_wait3A_133, %dma_wait3A_134] : memref<2x128x64xf32, #tpu.memory_space<vmem>> -> memref<1x128x64xf32, #tpu.memory_space<vmem>>
        %dma_wait3A_136 = tpu.memref_squeeze %dma_wait3A_135 : memref<1x128x64xf32, #tpu.memory_space<vmem>> -> memref<128x64xf32, #tpu.memory_space<vmem>>
        %dma_wait3A_137 = arith.constant 0 : i32
        %dma_wait3A_138 = tpu.memref_slice %arg8[%add3A_120, %dma_wait3A_137] : memref<158x128xi32, #tpu.memory_space<vmem>> -> memref<1x128xi32, #tpu.memory_space<vmem>>
        %dma_wait3A_139 = tpu.memref_squeeze %dma_wait3A_138 : memref<1x128xi32, #tpu.memory_space<vmem>> -> memref<128xi32, #tpu.memory_space<vmem>>
        %dma_wait3A_140 = arith.constant 0 : i32
        %dma_wait3A_141 = arith.constant 0 : i32
        %dma_wait3A_142 = tpu.memref_slice %arg10[%dma_wait3A_140, %dma_wait3A_141] : memref<10240x64xf32, #tpu.memory_space<vmem_shared>> -> memref<10240x64xf32, #tpu.memory_space<vmem_shared>>
        tpu.wait_indirect_dma semaphore(%run_scoped3A_122 : memref<!tpu.dma_semaphore, #tpu.memory_space<semaphore_mem>>) src(%dma_wait3A_136 : memref<128x64xf32, #tpu.memory_space<vmem>>) dst(%dma_wait3A_142 : memref<10240x64xf32, #tpu.memory_space<vmem_shared>>)
        tpu.yield
      }) : () -> ()
    }
    %scan3A_54 = arith.constant 79 : i32
    %barrier3A_55 = arith.constant 0 : index
    tpu.barrier barrier_id(%barrier3A_55)
    %mul3A_56 = arith.constant 640 : i32
    %mul3A_57 = arith.muli %arg1, %mul3A_56 : i32
    %mul3A_58 = arith.constant 640 : i32
    %mul3A_59 = arith.muli %arg1, %mul3A_58 : i32
    "tpu.region"() ({
      %run_scoped3A = tpu.sem_alloc : memref<!tpu.dma_semaphore, #tpu.memory_space<semaphore_mem>>
      %dma_start3A_60 = arith.constant 0 : i32
      %dma_start3A_61 = arith.constant 0 : i32
      %dma_start3A_62 = tpu.memref_slice %arg6[%arg0, %dma_start3A_60, %dma_start3A_61] : memref<2x10240x128xf32, #tpu.memory_space<hbm>> -> memref<1x10240x128xf32, #tpu.memory_space<hbm>>
      %dma_start3A_63 = tpu.memref_squeeze %dma_start3A_62 : memref<1x10240x128xf32, #tpu.memory_space<hbm>> -> memref<10240x128xf32, #tpu.memory_space<hbm>>
      %dma_start3A_64 = arith.constant 64 : i32
      %dma_start3A_65 = tpu.memref_slice %dma_start3A_63[%mul3A_59, %dma_start3A_64] : memref<10240x128xf32, #tpu.memory_space<hbm>> -> memref<640x64xf32, #tpu.memory_space<hbm>>
      %dma_start3A_66 = arith.constant 0 : i32
      %dma_start3A_67 = tpu.memref_slice %arg10[%mul3A_57, %dma_start3A_66] : memref<10240x64xf32, #tpu.memory_space<vmem_shared>> -> memref<640x64xf32, #tpu.memory_space<vmem_shared>>
      tpu.enqueue_dma source(%dma_start3A_67 : memref<640x64xf32, #tpu.memory_space<vmem_shared>>) target(%dma_start3A_65 : memref<640x64xf32, #tpu.memory_space<hbm>>) target_semaphore(%run_scoped3A : memref<!tpu.dma_semaphore, #tpu.memory_space<semaphore_mem>>)
      %dma_wait3A = arith.constant 0 : i32
      %dma_wait3A_68 = arith.constant 0 : i32
      %dma_wait3A_69 = tpu.memref_slice %arg6[%arg0, %dma_wait3A, %dma_wait3A_68] : memref<2x10240x128xf32, #tpu.memory_space<hbm>> -> memref<1x10240x128xf32, #tpu.memory_space<hbm>>
      %dma_wait3A_70 = tpu.memref_squeeze %dma_wait3A_69 : memref<1x10240x128xf32, #tpu.memory_space<hbm>> -> memref<10240x128xf32, #tpu.memory_space<hbm>>
      %dma_wait3A_71 = arith.constant 64 : i32
      %dma_wait3A_72 = tpu.memref_slice %dma_wait3A_70[%mul3A_59, %dma_wait3A_71] : memref<10240x128xf32, #tpu.memory_space<hbm>> -> memref<640x64xf32, #tpu.memory_space<hbm>>
      %dma_wait3A_73 = arith.constant 0 : i32
      %dma_wait3A_74 = tpu.memref_slice %arg10[%mul3A_57, %dma_wait3A_73] : memref<10240x64xf32, #tpu.memory_space<vmem_shared>> -> memref<640x64xf32, #tpu.memory_space<vmem_shared>>
      tpu.wait_dma2 semaphore(%run_scoped3A : memref<!tpu.dma_semaphore, #tpu.memory_space<semaphore_mem>>) src(%dma_wait3A_74 : memref<640x64xf32, #tpu.memory_space<vmem_shared>>) dst(%dma_wait3A_72 : memref<640x64xf32, #tpu.memory_space<hbm>>)
      tpu.yield
    }) : () -> ()
    return
  }
}

#map = affine_map<(d0, d1) -> (0, 0, 0)>
#map1 = affine_map<(d0, d1) -> (0, 0, 0, 0, 0)>
#map2 = affine_map<(d0, d1) -> (0, 0, 0, 0)>
#map3 = affine_map<(d0, d1) -> (0, 0)>
module attributes {stable_mosaic.version = 14 : i64} {
  func.func @sc_seg(%arg0: i32, %arg1: i32, %arg2: memref<2x20480x64xf32, #tpu.memory_space<hbm>>, %arg3: memref<2x16x2x158x128xi32, #tpu.memory_space<hbm>>, %arg4: memref<2x16x158x128xi32, #tpu.memory_space<hbm>>, %arg5: memref<10240x64xf32, #tpu.memory_space<hbm>>, %arg6: memref<2x10240x128xf32, #tpu.memory_space<hbm>>, %arg7: memref<2x158x128xi32, #tpu.memory_space<vmem>>, %arg8: memref<158x128xi32, #tpu.memory_space<vmem>>, %arg9: memref<2x128x64xf32, #tpu.memory_space<vmem>>, %arg10: memref<10240x64xf32, #tpu.memory_space<vmem_shared>>, %arg11: memref<!tpu.dma_semaphore, #tpu.memory_space<semaphore_mem>>, %arg12: memref<!tpu.dma_semaphore, #tpu.memory_space<semaphore_mem>>) attributes {dimension_semantics = [#tpu.dimension_semantics<core_parallel>, #tpu.dimension_semantics<subcore_parallel>], iteration_bounds = array<i64: 2, 16>, scalar_prefetch = 0 : i64, scratch_operands = 6 : i64, tpu.core_type = #tpu.core_type<sc_vector_subcore>, window_params = [{transform_indices = #map}, {transform_indices = #map1}, {transform_indices = #map2}, {transform_indices = #map3}, {transform_indices = #map}]} {
    "tpu.region"() ({
      %run_scoped3A = tpu.sem_alloc : memref<!tpu.dma_semaphore, #tpu.memory_space<semaphore_mem>>
      %dma_start3A_60 = arith.constant 0 : i32
      %dma_start3A_61 = arith.constant 0 : i32
      %dma_start3A_62 = arith.constant 0 : i32
      %dma_start3A_63 = tpu.memref_slice %arg3[%arg0, %arg1, %dma_start3A_60, %dma_start3A_61, %dma_start3A_62] : memref<2x16x2x158x128xi32, #tpu.memory_space<hbm>> -> memref<1x1x2x158x128xi32, #tpu.memory_space<hbm>>
      %dma_start3A_64 = tpu.memref_squeeze %dma_start3A_63 : memref<1x1x2x158x128xi32, #tpu.memory_space<hbm>> -> memref<2x158x128xi32, #tpu.memory_space<hbm>>
      %dma_start3A_65 = arith.constant 0 : i32
      %dma_start3A_66 = arith.constant 0 : i32
      %dma_start3A_67 = arith.constant 0 : i32
      %dma_start3A_68 = tpu.memref_slice %arg3[%arg0, %arg1, %dma_start3A_65, %dma_start3A_66, %dma_start3A_67] : memref<2x16x2x158x128xi32, #tpu.memory_space<hbm>> -> memref<1x1x2x158x128xi32, #tpu.memory_space<hbm>>
      %dma_start3A_69 = tpu.memref_squeeze %dma_start3A_68 : memref<1x1x2x158x128xi32, #tpu.memory_space<hbm>> -> memref<2x158x128xi32, #tpu.memory_space<hbm>>
      tpu.enqueue_dma source(%dma_start3A_69 : memref<2x158x128xi32, #tpu.memory_space<hbm>>) target(%arg7 : memref<2x158x128xi32, #tpu.memory_space<vmem>>) target_semaphore(%run_scoped3A : memref<!tpu.dma_semaphore, #tpu.memory_space<semaphore_mem>>)
      %dma_wait3A = arith.constant 0 : i32
      %dma_wait3A_70 = arith.constant 0 : i32
      %dma_wait3A_71 = arith.constant 0 : i32
      %dma_wait3A_72 = tpu.memref_slice %arg3[%arg0, %arg1, %dma_wait3A, %dma_wait3A_70, %dma_wait3A_71] : memref<2x16x2x158x128xi32, #tpu.memory_space<hbm>> -> memref<1x1x2x158x128xi32, #tpu.memory_space<hbm>>
      %dma_wait3A_73 = tpu.memref_squeeze %dma_wait3A_72 : memref<1x1x2x158x128xi32, #tpu.memory_space<hbm>> -> memref<2x158x128xi32, #tpu.memory_space<hbm>>
      %dma_wait3A_74 = arith.constant 0 : i32
      %dma_wait3A_75 = arith.constant 0 : i32
      %dma_wait3A_76 = arith.constant 0 : i32
      %dma_wait3A_77 = tpu.memref_slice %arg3[%arg0, %arg1, %dma_wait3A_74, %dma_wait3A_75, %dma_wait3A_76] : memref<2x16x2x158x128xi32, #tpu.memory_space<hbm>> -> memref<1x1x2x158x128xi32, #tpu.memory_space<hbm>>
      %dma_wait3A_78 = tpu.memref_squeeze %dma_wait3A_77 : memref<1x1x2x158x128xi32, #tpu.memory_space<hbm>> -> memref<2x158x128xi32, #tpu.memory_space<hbm>>
      tpu.wait_dma2 semaphore(%run_scoped3A : memref<!tpu.dma_semaphore, #tpu.memory_space<semaphore_mem>>) src(%dma_wait3A_78 : memref<2x158x128xi32, #tpu.memory_space<hbm>>) dst(%arg7 : memref<2x158x128xi32, #tpu.memory_space<vmem>>)
      tpu.yield
    }) : () -> ()
    "tpu.region"() ({
      %run_scoped3A = tpu.sem_alloc : memref<!tpu.dma_semaphore, #tpu.memory_space<semaphore_mem>>
      %dma_start3A_60 = arith.constant 0 : i32
      %dma_start3A_61 = arith.constant 0 : i32
      %dma_start3A_62 = tpu.memref_slice %arg4[%arg0, %arg1, %dma_start3A_60, %dma_start3A_61] : memref<2x16x158x128xi32, #tpu.memory_space<hbm>> -> memref<1x1x158x128xi32, #tpu.memory_space<hbm>>
      %dma_start3A_63 = tpu.memref_squeeze %dma_start3A_62 : memref<1x1x158x128xi32, #tpu.memory_space<hbm>> -> memref<158x128xi32, #tpu.memory_space<hbm>>
      %dma_start3A_64 = arith.constant 0 : i32
      %dma_start3A_65 = arith.constant 0 : i32
      %dma_start3A_66 = tpu.memref_slice %arg4[%arg0, %arg1, %dma_start3A_64, %dma_start3A_65] : memref<2x16x158x128xi32, #tpu.memory_space<hbm>> -> memref<1x1x158x128xi32, #tpu.memory_space<hbm>>
      %dma_start3A_67 = tpu.memref_squeeze %dma_start3A_66 : memref<1x1x158x128xi32, #tpu.memory_space<hbm>> -> memref<158x128xi32, #tpu.memory_space<hbm>>
      tpu.enqueue_dma source(%dma_start3A_67 : memref<158x128xi32, #tpu.memory_space<hbm>>) target(%arg8 : memref<158x128xi32, #tpu.memory_space<vmem>>) target_semaphore(%run_scoped3A : memref<!tpu.dma_semaphore, #tpu.memory_space<semaphore_mem>>)
      %dma_wait3A = arith.constant 0 : i32
      %dma_wait3A_68 = arith.constant 0 : i32
      %dma_wait3A_69 = tpu.memref_slice %arg4[%arg0, %arg1, %dma_wait3A, %dma_wait3A_68] : memref<2x16x158x128xi32, #tpu.memory_space<hbm>> -> memref<1x1x158x128xi32, #tpu.memory_space<hbm>>
      %dma_wait3A_70 = tpu.memref_squeeze %dma_wait3A_69 : memref<1x1x158x128xi32, #tpu.memory_space<hbm>> -> memref<158x128xi32, #tpu.memory_space<hbm>>
      %dma_wait3A_71 = arith.constant 0 : i32
      %dma_wait3A_72 = arith.constant 0 : i32
      %dma_wait3A_73 = tpu.memref_slice %arg4[%arg0, %arg1, %dma_wait3A_71, %dma_wait3A_72] : memref<2x16x158x128xi32, #tpu.memory_space<hbm>> -> memref<1x1x158x128xi32, #tpu.memory_space<hbm>>
      %dma_wait3A_74 = tpu.memref_squeeze %dma_wait3A_73 : memref<1x1x158x128xi32, #tpu.memory_space<hbm>> -> memref<158x128xi32, #tpu.memory_space<hbm>>
      tpu.wait_dma2 semaphore(%run_scoped3A : memref<!tpu.dma_semaphore, #tpu.memory_space<semaphore_mem>>) src(%dma_wait3A_74 : memref<158x128xi32, #tpu.memory_space<hbm>>) dst(%arg8 : memref<158x128xi32, #tpu.memory_space<vmem>>)
      tpu.yield
    }) : () -> ()
    %mul3A = arith.constant 640 : i32
    %mul3A_0 = arith.muli %arg1, %mul3A : i32
    %mul3A_1 = arith.constant 640 : i32
    %mul3A_2 = arith.muli %arg1, %mul3A_1 : i32
    "tpu.region"() ({
      %run_scoped3A = tpu.sem_alloc : memref<!tpu.dma_semaphore, #tpu.memory_space<semaphore_mem>>
      %dma_start3A_60 = arith.constant 0 : i32
      %dma_start3A_61 = tpu.memref_slice %arg10[%mul3A_2, %dma_start3A_60] : memref<10240x64xf32, #tpu.memory_space<vmem_shared>> -> memref<640x64xf32, #tpu.memory_space<vmem_shared>>
      %dma_start3A_62 = arith.constant 0 : i32
      %dma_start3A_63 = tpu.memref_slice %arg5[%mul3A_0, %dma_start3A_62] : memref<10240x64xf32, #tpu.memory_space<hbm>> -> memref<640x64xf32, #tpu.memory_space<hbm>>
      tpu.enqueue_dma source(%dma_start3A_63 : memref<640x64xf32, #tpu.memory_space<hbm>>) target(%dma_start3A_61 : memref<640x64xf32, #tpu.memory_space<vmem_shared>>) target_semaphore(%run_scoped3A : memref<!tpu.dma_semaphore, #tpu.memory_space<semaphore_mem>>)
      %dma_wait3A = arith.constant 0 : i32
      %dma_wait3A_64 = tpu.memref_slice %arg10[%mul3A_2, %dma_wait3A] : memref<10240x64xf32, #tpu.memory_space<vmem_shared>> -> memref<640x64xf32, #tpu.memory_space<vmem_shared>>
      %dma_wait3A_65 = arith.constant 0 : i32
      %dma_wait3A_66 = tpu.memref_slice %arg5[%mul3A_0, %dma_wait3A_65] : memref<10240x64xf32, #tpu.memory_space<hbm>> -> memref<640x64xf32, #tpu.memory_space<hbm>>
      tpu.wait_dma2 semaphore(%run_scoped3A : memref<!tpu.dma_semaphore, #tpu.memory_space<semaphore_mem>>) src(%dma_wait3A_66 : memref<640x64xf32, #tpu.memory_space<hbm>>) dst(%dma_wait3A_64 : memref<640x64xf32, #tpu.memory_space<vmem_shared>>)
      tpu.yield
    }) : () -> ()
    %barrier3A = arith.constant 0 : index
    tpu.barrier barrier_id(%barrier3A)
    %dma_start3A = arith.constant 0 : i32
    %dma_start3A_3 = arith.constant 0 : i32
    %dma_start3A_4 = arith.constant 0 : i32
    %dma_start3A_5 = arith.constant 0 : i32
    %dma_start3A_6 = arith.constant 0 : i32
    %dma_start3A_7 = tpu.memref_slice %arg9[%dma_start3A_4, %dma_start3A_5, %dma_start3A_6] : memref<2x128x64xf32, #tpu.memory_space<vmem>> -> memref<1x128x64xf32, #tpu.memory_space<vmem>>
    %dma_start3A_8 = tpu.memref_squeeze %dma_start3A_7 : memref<1x128x64xf32, #tpu.memory_space<vmem>> -> memref<128x64xf32, #tpu.memory_space<vmem>>
    %dma_start3A_9 = arith.constant 0 : i32
    %dma_start3A_10 = tpu.memref_slice %arg7[%dma_start3A, %dma_start3A_3, %dma_start3A_9] : memref<2x158x128xi32, #tpu.memory_space<vmem>> -> memref<1x1x128xi32, #tpu.memory_space<vmem>>
    %dma_start3A_11 = tpu.memref_squeeze %dma_start3A_10 : memref<1x1x128xi32, #tpu.memory_space<vmem>> -> memref<128xi32, #tpu.memory_space<vmem>>
    %dma_start3A_12 = arith.constant 0 : i32
    %dma_start3A_13 = arith.constant 0 : i32
    %dma_start3A_14 = tpu.memref_slice %arg2[%arg0, %dma_start3A_12, %dma_start3A_13] : memref<2x20480x64xf32, #tpu.memory_space<hbm>> -> memref<1x20480x64xf32, #tpu.memory_space<hbm>>
    %dma_start3A_15 = tpu.memref_squeeze %dma_start3A_14 : memref<1x20480x64xf32, #tpu.memory_space<hbm>> -> memref<20480x64xf32, #tpu.memory_space<hbm>>
    %dma_start3A_16 = arith.constant 0 : i32
    %dma_start3A_17 = arith.constant 0 : i32
    %dma_start3A_18 = tpu.memref_slice %dma_start3A_15[%dma_start3A_16, %dma_start3A_17] : memref<20480x64xf32, #tpu.memory_space<hbm>> -> memref<20480x64xf32, #tpu.memory_space<hbm>>
    tpu.enqueue_indirect_dma source(%dma_start3A_18 : memref<20480x64xf32, #tpu.memory_space<hbm>>) target(%dma_start3A_8 : memref<128x64xf32, #tpu.memory_space<vmem>>) offsets(%dma_start3A_11 : memref<128xi32, #tpu.memory_space<vmem>>) semaphore(%arg11 : memref<!tpu.dma_semaphore, #tpu.memory_space<semaphore_mem>>)
    %scan3A = arith.constant 0 : i32
    %scan3A_19 = arith.constant 79 : i32
    %scan3A_20 = arith.addi %scan3A, %scan3A_19 : i32
    %scan3A_21 = arith.constant 1 : i32
    scf.for %scan3A_60 = %scan3A to %scan3A_20 step %scan3A_21  : i32 {
      %mul3A_61 = arith.constant 2 : i32
      %mul3A_62 = arith.muli %scan3A_60, %mul3A_61 : i32
      %add3A = arith.constant 0 : i32
      %add3A_63 = arith.addi %add3A, %mul3A_62 : i32
      %dma_wait3A = arith.constant 0 : i32
      %dma_wait3A_64 = arith.constant 0 : i32
      %dma_wait3A_65 = arith.constant 0 : i32
      %dma_wait3A_66 = arith.constant 0 : i32
      %dma_wait3A_67 = tpu.memref_slice %arg9[%dma_wait3A_64, %dma_wait3A_65, %dma_wait3A_66] : memref<2x128x64xf32, #tpu.memory_space<vmem>> -> memref<1x128x64xf32, #tpu.memory_space<vmem>>
      %dma_wait3A_68 = tpu.memref_squeeze %dma_wait3A_67 : memref<1x128x64xf32, #tpu.memory_space<vmem>> -> memref<128x64xf32, #tpu.memory_space<vmem>>
      %dma_wait3A_69 = arith.constant 0 : i32
      %dma_wait3A_70 = tpu.memref_slice %arg7[%dma_wait3A, %add3A_63, %dma_wait3A_69] : memref<2x158x128xi32, #tpu.memory_space<vmem>> -> memref<1x1x128xi32, #tpu.memory_space<vmem>>
      %dma_wait3A_71 = tpu.memref_squeeze %dma_wait3A_70 : memref<1x1x128xi32, #tpu.memory_space<vmem>> -> memref<128xi32, #tpu.memory_space<vmem>>
      %dma_wait3A_72 = arith.constant 0 : i32
      %dma_wait3A_73 = arith.constant 0 : i32
      %dma_wait3A_74 = tpu.memref_slice %arg2[%arg0, %dma_wait3A_72, %dma_wait3A_73] : memref<2x20480x64xf32, #tpu.memory_space<hbm>> -> memref<1x20480x64xf32, #tpu.memory_space<hbm>>
      %dma_wait3A_75 = tpu.memref_squeeze %dma_wait3A_74 : memref<1x20480x64xf32, #tpu.memory_space<hbm>> -> memref<20480x64xf32, #tpu.memory_space<hbm>>
      %dma_wait3A_76 = arith.constant 0 : i32
      %dma_wait3A_77 = arith.constant 0 : i32
      %dma_wait3A_78 = tpu.memref_slice %dma_wait3A_75[%dma_wait3A_76, %dma_wait3A_77] : memref<20480x64xf32, #tpu.memory_space<hbm>> -> memref<20480x64xf32, #tpu.memory_space<hbm>>
      tpu.wait_indirect_dma semaphore(%arg11 : memref<!tpu.dma_semaphore, #tpu.memory_space<semaphore_mem>>) src(%dma_wait3A_78 : memref<20480x64xf32, #tpu.memory_space<hbm>>) dst(%dma_wait3A_68 : memref<128x64xf32, #tpu.memory_space<vmem>>)
      %add3A_79 = arith.constant 1 : i32
      %add3A_80 = arith.addi %add3A_63, %add3A_79 : i32
      %dma_start3A_81 = arith.constant 0 : i32
      %dma_start3A_82 = arith.constant 1 : i32
      %dma_start3A_83 = arith.constant 0 : i32
      %dma_start3A_84 = arith.constant 0 : i32
      %dma_start3A_85 = tpu.memref_slice %arg9[%dma_start3A_82, %dma_start3A_83, %dma_start3A_84] : memref<2x128x64xf32, #tpu.memory_space<vmem>> -> memref<1x128x64xf32, #tpu.memory_space<vmem>>
      %dma_start3A_86 = tpu.memref_squeeze %dma_start3A_85 : memref<1x128x64xf32, #tpu.memory_space<vmem>> -> memref<128x64xf32, #tpu.memory_space<vmem>>
      %dma_start3A_87 = arith.constant 0 : i32
      %dma_start3A_88 = tpu.memref_slice %arg7[%dma_start3A_81, %add3A_80, %dma_start3A_87] : memref<2x158x128xi32, #tpu.memory_space<vmem>> -> memref<1x1x128xi32, #tpu.memory_space<vmem>>
      %dma_start3A_89 = tpu.memref_squeeze %dma_start3A_88 : memref<1x1x128xi32, #tpu.memory_space<vmem>> -> memref<128xi32, #tpu.memory_space<vmem>>
      %dma_start3A_90 = arith.constant 0 : i32
      %dma_start3A_91 = arith.constant 0 : i32
      %dma_start3A_92 = tpu.memref_slice %arg2[%arg0, %dma_start3A_90, %dma_start3A_91] : memref<2x20480x64xf32, #tpu.memory_space<hbm>> -> memref<1x20480x64xf32, #tpu.memory_space<hbm>>
      %dma_start3A_93 = tpu.memref_squeeze %dma_start3A_92 : memref<1x20480x64xf32, #tpu.memory_space<hbm>> -> memref<20480x64xf32, #tpu.memory_space<hbm>>
      %dma_start3A_94 = arith.constant 0 : i32
      %dma_start3A_95 = arith.constant 0 : i32
      %dma_start3A_96 = tpu.memref_slice %dma_start3A_93[%dma_start3A_94, %dma_start3A_95] : memref<20480x64xf32, #tpu.memory_space<hbm>> -> memref<20480x64xf32, #tpu.memory_space<hbm>>
      tpu.enqueue_indirect_dma source(%dma_start3A_96 : memref<20480x64xf32, #tpu.memory_space<hbm>>) target(%dma_start3A_86 : memref<128x64xf32, #tpu.memory_space<vmem>>) offsets(%dma_start3A_89 : memref<128xi32, #tpu.memory_space<vmem>>) semaphore(%arg12 : memref<!tpu.dma_semaphore, #tpu.memory_space<semaphore_mem>>)
      %run_scoped3A = arith.constant 0 : i32
      "tpu.region"() ({
        %run_scoped3A_122 = tpu.sem_alloc : memref<!tpu.dma_semaphore, #tpu.memory_space<semaphore_mem>>
        %dma_start3A_123 = arith.constant 0 : i32
        %dma_start3A_124 = arith.constant 0 : i32
        %dma_start3A_125 = tpu.memref_slice %arg9[%run_scoped3A, %dma_start3A_123, %dma_start3A_124] : memref<2x128x64xf32, #tpu.memory_space<vmem>> -> memref<1x128x64xf32, #tpu.memory_space<vmem>>
        %dma_start3A_126 = tpu.memref_squeeze %dma_start3A_125 : memref<1x128x64xf32, #tpu.memory_space<vmem>> -> memref<128x64xf32, #tpu.memory_space<vmem>>
        %dma_start3A_127 = arith.constant 0 : i32
        %dma_start3A_128 = tpu.memref_slice %arg8[%add3A_63, %dma_start3A_127] : memref<158x128xi32, #tpu.memory_space<vmem>> -> memref<1x128xi32, #tpu.memory_space<vmem>>
        %dma_start3A_129 = tpu.memref_squeeze %dma_start3A_128 : memref<1x128xi32, #tpu.memory_space<vmem>> -> memref<128xi32, #tpu.memory_space<vmem>>
        %dma_start3A_130 = arith.constant 0 : i32
        %dma_start3A_131 = arith.constant 0 : i32
        %dma_start3A_132 = tpu.memref_slice %arg10[%dma_start3A_130, %dma_start3A_131] : memref<10240x64xf32, #tpu.memory_space<vmem_shared>> -> memref<10240x64xf32, #tpu.memory_space<vmem_shared>>
        tpu.enqueue_indirect_dma source(%dma_start3A_126 : memref<128x64xf32, #tpu.memory_space<vmem>>) target(%dma_start3A_132 : memref<10240x64xf32, #tpu.memory_space<vmem_shared>>) offsets(%dma_start3A_129 : memref<128xi32, #tpu.memory_space<vmem>>) semaphore(%run_scoped3A_122 : memref<!tpu.dma_semaphore, #tpu.memory_space<semaphore_mem>>) {add = true}
        %dma_wait3A_133 = arith.constant 0 : i32
        %dma_wait3A_134 = arith.constant 0 : i32
        %dma_wait3A_135 = tpu.memref_slice %arg9[%run_scoped3A, %dma_wait3A_133, %dma_wait3A_134] : memref<2x128x64xf32, #tpu.memory_space<vmem>> -> memref<1x128x64xf32, #tpu.memory_space<vmem>>
        %dma_wait3A_136 = tpu.memref_squeeze %dma_wait3A_135 : memref<1x128x64xf32, #tpu.memory_space<vmem>> -> memref<128x64xf32, #tpu.memory_space<vmem>>
        %dma_wait3A_137 = arith.constant 0 : i32
        %dma_wait3A_138 = tpu.memref_slice %arg8[%add3A_63, %dma_wait3A_137] : memref<158x128xi32, #tpu.memory_space<vmem>> -> memref<1x128xi32, #tpu.memory_space<vmem>>
        %dma_wait3A_139 = tpu.memref_squeeze %dma_wait3A_138 : memref<1x128xi32, #tpu.memory_space<vmem>> -> memref<128xi32, #tpu.memory_space<vmem>>
        %dma_wait3A_140 = arith.constant 0 : i32
        %dma_wait3A_141 = arith.constant 0 : i32
        %dma_wait3A_142 = tpu.memref_slice %arg10[%dma_wait3A_140, %dma_wait3A_141] : memref<10240x64xf32, #tpu.memory_space<vmem_shared>> -> memref<10240x64xf32, #tpu.memory_space<vmem_shared>>
        tpu.wait_indirect_dma semaphore(%run_scoped3A_122 : memref<!tpu.dma_semaphore, #tpu.memory_space<semaphore_mem>>) src(%dma_wait3A_136 : memref<128x64xf32, #tpu.memory_space<vmem>>) dst(%dma_wait3A_142 : memref<10240x64xf32, #tpu.memory_space<vmem_shared>>)
        tpu.yield
      }) : () -> ()
      %add3A_97 = arith.constant 1 : i32
      %add3A_98 = arith.addi %add3A_63, %add3A_97 : i32
      %dma_wait3A_99 = arith.constant 0 : i32
      %dma_wait3A_100 = arith.constant 1 : i32
      %dma_wait3A_101 = arith.constant 0 : i32
      %dma_wait3A_102 = arith.constant 0 : i32
      %dma_wait3A_103 = tpu.memref_slice %arg9[%dma_wait3A_100, %dma_wait3A_101, %dma_wait3A_102] : memref<2x128x64xf32, #tpu.memory_space<vmem>> -> memref<1x128x64xf32, #tpu.memory_space<vmem>>
      %dma_wait3A_104 = tpu.memref_squeeze %dma_wait3A_103 : memref<1x128x64xf32, #tpu.memory_space<vmem>> -> memref<128x64xf32, #tpu.memory_space<vmem>>
      %dma_wait3A_105 = arith.constant 0 : i32
      %dma_wait3A_106 = tpu.memref_slice %arg7[%dma_wait3A_99, %add3A_98, %dma_wait3A_105] : memref<2x158x128xi32, #tpu.memory_space<vmem>> -> memref<1x1x128xi32, #tpu.memory_space<vmem>>
      %dma_wait3A_107 = tpu.memref_squeeze %dma_wait3A_106 : memref<1x1x128xi32, #tpu.memory_space<vmem>> -> memref<128xi32, #tpu.memory_space<vmem>>
      %dma_wait3A_108 = arith.constant 0 : i32
      %dma_wait3A_109 = arith.constant 0 : i32
      %dma_wait3A_110 = tpu.memref_slice %arg2[%arg0, %dma_wait3A_108, %dma_wait3A_109] : memref<2x20480x64xf32, #tpu.memory_space<hbm>> -> memref<1x20480x64xf32, #tpu.memory_space<hbm>>
      %dma_wait3A_111 = tpu.memref_squeeze %dma_wait3A_110 : memref<1x20480x64xf32, #tpu.memory_space<hbm>> -> memref<20480x64xf32, #tpu.memory_space<hbm>>
      %dma_wait3A_112 = arith.constant 0 : i32
      %dma_wait3A_113 = arith.constant 0 : i32
      %dma_wait3A_114 = tpu.memref_slice %dma_wait3A_111[%dma_wait3A_112, %dma_wait3A_113] : memref<20480x64xf32, #tpu.memory_space<hbm>> -> memref<20480x64xf32, #tpu.memory_space<hbm>>
      tpu.wait_indirect_dma semaphore(%arg12 : memref<!tpu.dma_semaphore, #tpu.memory_space<semaphore_mem>>) src(%dma_wait3A_114 : memref<20480x64xf32, #tpu.memory_space<hbm>>) dst(%dma_wait3A_104 : memref<128x64xf32, #tpu.memory_space<vmem>>)
      %add3A_115 = arith.constant 2 : i32
      %add3A_116 = arith.addi %add3A_63, %add3A_115 : i32
      %lt3A = arith.constant 158 : i32
      %lt3A_117 = arith.cmpi slt, %add3A_116, %lt3A : i32
      %convert_element_type3A = arith.extui %lt3A_117 : i1 to i32
      %cond3A = arith.constant 0 : i32
      %cond3A_118 = arith.cmpi ne, %convert_element_type3A, %cond3A : i32
      scf.if %cond3A_118 {
        %add3A_122 = arith.constant 2 : i32
        %add3A_123 = arith.addi %add3A_63, %add3A_122 : i32
        %dma_start3A_124 = arith.constant 0 : i32
        %dma_start3A_125 = arith.constant 0 : i32
        %dma_start3A_126 = arith.constant 0 : i32
        %dma_start3A_127 = arith.constant 0 : i32
        %dma_start3A_128 = tpu.memref_slice %arg9[%dma_start3A_125, %dma_start3A_126, %dma_start3A_127] : memref<2x128x64xf32, #tpu.memory_space<vmem>> -> memref<1x128x64xf32, #tpu.memory_space<vmem>>
        %dma_start3A_129 = tpu.memref_squeeze %dma_start3A_128 : memref<1x128x64xf32, #tpu.memory_space<vmem>> -> memref<128x64xf32, #tpu.memory_space<vmem>>
        %dma_start3A_130 = arith.constant 0 : i32
        %dma_start3A_131 = tpu.memref_slice %arg7[%dma_start3A_124, %add3A_123, %dma_start3A_130] : memref<2x158x128xi32, #tpu.memory_space<vmem>> -> memref<1x1x128xi32, #tpu.memory_space<vmem>>
        %dma_start3A_132 = tpu.memref_squeeze %dma_start3A_131 : memref<1x1x128xi32, #tpu.memory_space<vmem>> -> memref<128xi32, #tpu.memory_space<vmem>>
        %dma_start3A_133 = arith.constant 0 : i32
        %dma_start3A_134 = arith.constant 0 : i32
        %dma_start3A_135 = tpu.memref_slice %arg2[%arg0, %dma_start3A_133, %dma_start3A_134] : memref<2x20480x64xf32, #tpu.memory_space<hbm>> -> memref<1x20480x64xf32, #tpu.memory_space<hbm>>
        %dma_start3A_136 = tpu.memref_squeeze %dma_start3A_135 : memref<1x20480x64xf32, #tpu.memory_space<hbm>> -> memref<20480x64xf32, #tpu.memory_space<hbm>>
        %dma_start3A_137 = arith.constant 0 : i32
        %dma_start3A_138 = arith.constant 0 : i32
        %dma_start3A_139 = tpu.memref_slice %dma_start3A_136[%dma_start3A_137, %dma_start3A_138] : memref<20480x64xf32, #tpu.memory_space<hbm>> -> memref<20480x64xf32, #tpu.memory_space<hbm>>
        tpu.enqueue_indirect_dma source(%dma_start3A_139 : memref<20480x64xf32, #tpu.memory_space<hbm>>) target(%dma_start3A_129 : memref<128x64xf32, #tpu.memory_space<vmem>>) offsets(%dma_start3A_132 : memref<128xi32, #tpu.memory_space<vmem>>) semaphore(%arg11 : memref<!tpu.dma_semaphore, #tpu.memory_space<semaphore_mem>>)
      } else {
      }
      %add3A_119 = arith.constant 1 : i32
      %add3A_120 = arith.addi %add3A_63, %add3A_119 : i32
      %run_scoped3A_121 = arith.constant 1 : i32
      "tpu.region"() ({
        %run_scoped3A_122 = tpu.sem_alloc : memref<!tpu.dma_semaphore, #tpu.memory_space<semaphore_mem>>
        %dma_start3A_123 = arith.constant 0 : i32
        %dma_start3A_124 = arith.constant 0 : i32
        %dma_start3A_125 = tpu.memref_slice %arg9[%run_scoped3A_121, %dma_start3A_123, %dma_start3A_124] : memref<2x128x64xf32, #tpu.memory_space<vmem>> -> memref<1x128x64xf32, #tpu.memory_space<vmem>>
        %dma_start3A_126 = tpu.memref_squeeze %dma_start3A_125 : memref<1x128x64xf32, #tpu.memory_space<vmem>> -> memref<128x64xf32, #tpu.memory_space<vmem>>
        %dma_start3A_127 = arith.constant 0 : i32
        %dma_start3A_128 = tpu.memref_slice %arg8[%add3A_120, %dma_start3A_127] : memref<158x128xi32, #tpu.memory_space<vmem>> -> memref<1x128xi32, #tpu.memory_space<vmem>>
        %dma_start3A_129 = tpu.memref_squeeze %dma_start3A_128 : memref<1x128xi32, #tpu.memory_space<vmem>> -> memref<128xi32, #tpu.memory_space<vmem>>
        %dma_start3A_130 = arith.constant 0 : i32
        %dma_start3A_131 = arith.constant 0 : i32
        %dma_start3A_132 = tpu.memref_slice %arg10[%dma_start3A_130, %dma_start3A_131] : memref<10240x64xf32, #tpu.memory_space<vmem_shared>> -> memref<10240x64xf32, #tpu.memory_space<vmem_shared>>
        tpu.enqueue_indirect_dma source(%dma_start3A_126 : memref<128x64xf32, #tpu.memory_space<vmem>>) target(%dma_start3A_132 : memref<10240x64xf32, #tpu.memory_space<vmem_shared>>) offsets(%dma_start3A_129 : memref<128xi32, #tpu.memory_space<vmem>>) semaphore(%run_scoped3A_122 : memref<!tpu.dma_semaphore, #tpu.memory_space<semaphore_mem>>) {add = true}
        %dma_wait3A_133 = arith.constant 0 : i32
        %dma_wait3A_134 = arith.constant 0 : i32
        %dma_wait3A_135 = tpu.memref_slice %arg9[%run_scoped3A_121, %dma_wait3A_133, %dma_wait3A_134] : memref<2x128x64xf32, #tpu.memory_space<vmem>> -> memref<1x128x64xf32, #tpu.memory_space<vmem>>
        %dma_wait3A_136 = tpu.memref_squeeze %dma_wait3A_135 : memref<1x128x64xf32, #tpu.memory_space<vmem>> -> memref<128x64xf32, #tpu.memory_space<vmem>>
        %dma_wait3A_137 = arith.constant 0 : i32
        %dma_wait3A_138 = tpu.memref_slice %arg8[%add3A_120, %dma_wait3A_137] : memref<158x128xi32, #tpu.memory_space<vmem>> -> memref<1x128xi32, #tpu.memory_space<vmem>>
        %dma_wait3A_139 = tpu.memref_squeeze %dma_wait3A_138 : memref<1x128xi32, #tpu.memory_space<vmem>> -> memref<128xi32, #tpu.memory_space<vmem>>
        %dma_wait3A_140 = arith.constant 0 : i32
        %dma_wait3A_141 = arith.constant 0 : i32
        %dma_wait3A_142 = tpu.memref_slice %arg10[%dma_wait3A_140, %dma_wait3A_141] : memref<10240x64xf32, #tpu.memory_space<vmem_shared>> -> memref<10240x64xf32, #tpu.memory_space<vmem_shared>>
        tpu.wait_indirect_dma semaphore(%run_scoped3A_122 : memref<!tpu.dma_semaphore, #tpu.memory_space<semaphore_mem>>) src(%dma_wait3A_136 : memref<128x64xf32, #tpu.memory_space<vmem>>) dst(%dma_wait3A_142 : memref<10240x64xf32, #tpu.memory_space<vmem_shared>>)
        tpu.yield
      }) : () -> ()
    }
    %scan3A_22 = arith.constant 79 : i32
    %barrier3A_23 = arith.constant 0 : index
    tpu.barrier barrier_id(%barrier3A_23)
    %mul3A_24 = arith.constant 640 : i32
    %mul3A_25 = arith.muli %arg1, %mul3A_24 : i32
    %mul3A_26 = arith.constant 640 : i32
    %mul3A_27 = arith.muli %arg1, %mul3A_26 : i32
    "tpu.region"() ({
      %run_scoped3A = tpu.sem_alloc : memref<!tpu.dma_semaphore, #tpu.memory_space<semaphore_mem>>
      %dma_start3A_60 = arith.constant 0 : i32
      %dma_start3A_61 = arith.constant 0 : i32
      %dma_start3A_62 = tpu.memref_slice %arg6[%arg0, %dma_start3A_60, %dma_start3A_61] : memref<2x10240x128xf32, #tpu.memory_space<hbm>> -> memref<1x10240x128xf32, #tpu.memory_space<hbm>>
      %dma_start3A_63 = tpu.memref_squeeze %dma_start3A_62 : memref<1x10240x128xf32, #tpu.memory_space<hbm>> -> memref<10240x128xf32, #tpu.memory_space<hbm>>
      %dma_start3A_64 = arith.constant 0 : i32
      %dma_start3A_65 = tpu.memref_slice %dma_start3A_63[%mul3A_27, %dma_start3A_64] : memref<10240x128xf32, #tpu.memory_space<hbm>> -> memref<640x64xf32, #tpu.memory_space<hbm>>
      %dma_start3A_66 = arith.constant 0 : i32
      %dma_start3A_67 = tpu.memref_slice %arg10[%mul3A_25, %dma_start3A_66] : memref<10240x64xf32, #tpu.memory_space<vmem_shared>> -> memref<640x64xf32, #tpu.memory_space<vmem_shared>>
      tpu.enqueue_dma source(%dma_start3A_67 : memref<640x64xf32, #tpu.memory_space<vmem_shared>>) target(%dma_start3A_65 : memref<640x64xf32, #tpu.memory_space<hbm>>) target_semaphore(%run_scoped3A : memref<!tpu.dma_semaphore, #tpu.memory_space<semaphore_mem>>)
      %dma_wait3A = arith.constant 0 : i32
      %dma_wait3A_68 = arith.constant 0 : i32
      %dma_wait3A_69 = tpu.memref_slice %arg6[%arg0, %dma_wait3A, %dma_wait3A_68] : memref<2x10240x128xf32, #tpu.memory_space<hbm>> -> memref<1x10240x128xf32, #tpu.memory_space<hbm>>
      %dma_wait3A_70 = tpu.memref_squeeze %dma_wait3A_69 : memref<1x10240x128xf32, #tpu.memory_space<hbm>> -> memref<10240x128xf32, #tpu.memory_space<hbm>>
      %dma_wait3A_71 = arith.constant 0 : i32
      %dma_wait3A_72 = tpu.memref_slice %dma_wait3A_70[%mul3A_27, %dma_wait3A_71] : memref<10240x128xf32, #tpu.memory_space<hbm>> -> memref<640x64xf32, #tpu.memory_space<hbm>>
      %dma_wait3A_73 = arith.constant 0 : i32
      %dma_wait3A_74 = tpu.memref_slice %arg10[%mul3A_25, %dma_wait3A_73] : memref<10240x64xf32, #tpu.memory_space<vmem_shared>> -> memref<640x64xf32, #tpu.memory_space<vmem_shared>>
      tpu.wait_dma2 semaphore(%run_scoped3A : memref<!tpu.dma_semaphore, #tpu.memory_space<semaphore_mem>>) src(%dma_wait3A_74 : memref<640x64xf32, #tpu.memory_space<vmem_shared>>) dst(%dma_wait3A_72 : memref<640x64xf32, #tpu.memory_space<hbm>>)
      tpu.yield
    }) : () -> ()
    %mul3A_28 = arith.constant 640 : i32
    %mul3A_29 = arith.muli %arg1, %mul3A_28 : i32
    %mul3A_30 = arith.constant 640 : i32
    %mul3A_31 = arith.muli %arg1, %mul3A_30 : i32
    "tpu.region"() ({
      %run_scoped3A = tpu.sem_alloc : memref<!tpu.dma_semaphore, #tpu.memory_space<semaphore_mem>>
      %dma_start3A_60 = arith.constant 0 : i32
      %dma_start3A_61 = tpu.memref_slice %arg10[%mul3A_31, %dma_start3A_60] : memref<10240x64xf32, #tpu.memory_space<vmem_shared>> -> memref<640x64xf32, #tpu.memory_space<vmem_shared>>
      %dma_start3A_62 = arith.constant 0 : i32
      %dma_start3A_63 = tpu.memref_slice %arg5[%mul3A_29, %dma_start3A_62] : memref<10240x64xf32, #tpu.memory_space<hbm>> -> memref<640x64xf32, #tpu.memory_space<hbm>>
      tpu.enqueue_dma source(%dma_start3A_63 : memref<640x64xf32, #tpu.memory_space<hbm>>) target(%dma_start3A_61 : memref<640x64xf32, #tpu.memory_space<vmem_shared>>) target_semaphore(%run_scoped3A : memref<!tpu.dma_semaphore, #tpu.memory_space<semaphore_mem>>)
      %dma_wait3A = arith.constant 0 : i32
      %dma_wait3A_64 = tpu.memref_slice %arg10[%mul3A_31, %dma_wait3A] : memref<10240x64xf32, #tpu.memory_space<vmem_shared>> -> memref<640x64xf32, #tpu.memory_space<vmem_shared>>
      %dma_wait3A_65 = arith.constant 0 : i32
      %dma_wait3A_66 = tpu.memref_slice %arg5[%mul3A_29, %dma_wait3A_65] : memref<10240x64xf32, #tpu.memory_space<hbm>> -> memref<640x64xf32, #tpu.memory_space<hbm>>
      tpu.wait_dma2 semaphore(%run_scoped3A : memref<!tpu.dma_semaphore, #tpu.memory_space<semaphore_mem>>) src(%dma_wait3A_66 : memref<640x64xf32, #tpu.memory_space<hbm>>) dst(%dma_wait3A_64 : memref<640x64xf32, #tpu.memory_space<vmem_shared>>)
      tpu.yield
    }) : () -> ()
    %barrier3A_32 = arith.constant 0 : index
    tpu.barrier barrier_id(%barrier3A_32)
    %dma_start3A_33 = arith.constant 1 : i32
    %dma_start3A_34 = arith.constant 0 : i32
    %dma_start3A_35 = arith.constant 0 : i32
    %dma_start3A_36 = arith.constant 0 : i32
    %dma_start3A_37 = arith.constant 0 : i32
    %dma_start3A_38 = tpu.memref_slice %arg9[%dma_start3A_35, %dma_start3A_36, %dma_start3A_37] : memref<2x128x64xf32, #tpu.memory_space<vmem>> -> memref<1x128x64xf32, #tpu.memory_space<vmem>>
    %dma_start3A_39 = tpu.memref_squeeze %dma_start3A_38 : memref<1x128x64xf32, #tpu.memory_space<vmem>> -> memref<128x64xf32, #tpu.memory_space<vmem>>
    %dma_start3A_40 = arith.constant 0 : i32
    %dma_start3A_41 = tpu.memref_slice %arg7[%dma_start3A_33, %dma_start3A_34, %dma_start3A_40] : memref<2x158x128xi32, #tpu.memory_space<vmem>> -> memref<1x1x128xi32, #tpu.memory_space<vmem>>
    %dma_start3A_42 = tpu.memref_squeeze %dma_start3A_41 : memref<1x1x128xi32, #tpu.memory_space<vmem>> -> memref<128xi32, #tpu.memory_space<vmem>>
    %dma_start3A_43 = arith.constant 0 : i32
    %dma_start3A_44 = arith.constant 0 : i32
    %dma_start3A_45 = tpu.memref_slice %arg2[%arg0, %dma_start3A_43, %dma_start3A_44] : memref<2x20480x64xf32, #tpu.memory_space<hbm>> -> memref<1x20480x64xf32, #tpu.memory_space<hbm>>
    %dma_start3A_46 = tpu.memref_squeeze %dma_start3A_45 : memref<1x20480x64xf32, #tpu.memory_space<hbm>> -> memref<20480x64xf32, #tpu.memory_space<hbm>>
    %dma_start3A_47 = arith.constant 0 : i32
    %dma_start3A_48 = arith.constant 0 : i32
    %dma_start3A_49 = tpu.memref_slice %dma_start3A_46[%dma_start3A_47, %dma_start3A_48] : memref<20480x64xf32, #tpu.memory_space<hbm>> -> memref<20480x64xf32, #tpu.memory_space<hbm>>
    tpu.enqueue_indirect_dma source(%dma_start3A_49 : memref<20480x64xf32, #tpu.memory_space<hbm>>) target(%dma_start3A_39 : memref<128x64xf32, #tpu.memory_space<vmem>>) offsets(%dma_start3A_42 : memref<128xi32, #tpu.memory_space<vmem>>) semaphore(%arg11 : memref<!tpu.dma_semaphore, #tpu.memory_space<semaphore_mem>>)
    %scan3A_50 = arith.constant 0 : i32
    %scan3A_51 = arith.constant 79 : i32
    %scan3A_52 = arith.addi %scan3A_50, %scan3A_51 : i32
    %scan3A_53 = arith.constant 1 : i32
    scf.for %scan3A_60 = %scan3A_50 to %scan3A_52 step %scan3A_53  : i32 {
      %mul3A_61 = arith.constant 2 : i32
      %mul3A_62 = arith.muli %scan3A_60, %mul3A_61 : i32
      %add3A = arith.constant 0 : i32
      %add3A_63 = arith.addi %add3A, %mul3A_62 : i32
      %dma_wait3A = arith.constant 1 : i32
      %dma_wait3A_64 = arith.constant 0 : i32
      %dma_wait3A_65 = arith.constant 0 : i32
      %dma_wait3A_66 = arith.constant 0 : i32
      %dma_wait3A_67 = tpu.memref_slice %arg9[%dma_wait3A_64, %dma_wait3A_65, %dma_wait3A_66] : memref<2x128x64xf32, #tpu.memory_space<vmem>> -> memref<1x128x64xf32, #tpu.memory_space<vmem>>
      %dma_wait3A_68 = tpu.memref_squeeze %dma_wait3A_67 : memref<1x128x64xf32, #tpu.memory_space<vmem>> -> memref<128x64xf32, #tpu.memory_space<vmem>>
      %dma_wait3A_69 = arith.constant 0 : i32
      %dma_wait3A_70 = tpu.memref_slice %arg7[%dma_wait3A, %add3A_63, %dma_wait3A_69] : memref<2x158x128xi32, #tpu.memory_space<vmem>> -> memref<1x1x128xi32, #tpu.memory_space<vmem>>
      %dma_wait3A_71 = tpu.memref_squeeze %dma_wait3A_70 : memref<1x1x128xi32, #tpu.memory_space<vmem>> -> memref<128xi32, #tpu.memory_space<vmem>>
      %dma_wait3A_72 = arith.constant 0 : i32
      %dma_wait3A_73 = arith.constant 0 : i32
      %dma_wait3A_74 = tpu.memref_slice %arg2[%arg0, %dma_wait3A_72, %dma_wait3A_73] : memref<2x20480x64xf32, #tpu.memory_space<hbm>> -> memref<1x20480x64xf32, #tpu.memory_space<hbm>>
      %dma_wait3A_75 = tpu.memref_squeeze %dma_wait3A_74 : memref<1x20480x64xf32, #tpu.memory_space<hbm>> -> memref<20480x64xf32, #tpu.memory_space<hbm>>
      %dma_wait3A_76 = arith.constant 0 : i32
      %dma_wait3A_77 = arith.constant 0 : i32
      %dma_wait3A_78 = tpu.memref_slice %dma_wait3A_75[%dma_wait3A_76, %dma_wait3A_77] : memref<20480x64xf32, #tpu.memory_space<hbm>> -> memref<20480x64xf32, #tpu.memory_space<hbm>>
      tpu.wait_indirect_dma semaphore(%arg11 : memref<!tpu.dma_semaphore, #tpu.memory_space<semaphore_mem>>) src(%dma_wait3A_78 : memref<20480x64xf32, #tpu.memory_space<hbm>>) dst(%dma_wait3A_68 : memref<128x64xf32, #tpu.memory_space<vmem>>)
      %add3A_79 = arith.constant 1 : i32
      %add3A_80 = arith.addi %add3A_63, %add3A_79 : i32
      %dma_start3A_81 = arith.constant 1 : i32
      %dma_start3A_82 = arith.constant 1 : i32
      %dma_start3A_83 = arith.constant 0 : i32
      %dma_start3A_84 = arith.constant 0 : i32
      %dma_start3A_85 = tpu.memref_slice %arg9[%dma_start3A_82, %dma_start3A_83, %dma_start3A_84] : memref<2x128x64xf32, #tpu.memory_space<vmem>> -> memref<1x128x64xf32, #tpu.memory_space<vmem>>
      %dma_start3A_86 = tpu.memref_squeeze %dma_start3A_85 : memref<1x128x64xf32, #tpu.memory_space<vmem>> -> memref<128x64xf32, #tpu.memory_space<vmem>>
      %dma_start3A_87 = arith.constant 0 : i32
      %dma_start3A_88 = tpu.memref_slice %arg7[%dma_start3A_81, %add3A_80, %dma_start3A_87] : memref<2x158x128xi32, #tpu.memory_space<vmem>> -> memref<1x1x128xi32, #tpu.memory_space<vmem>>
      %dma_start3A_89 = tpu.memref_squeeze %dma_start3A_88 : memref<1x1x128xi32, #tpu.memory_space<vmem>> -> memref<128xi32, #tpu.memory_space<vmem>>
      %dma_start3A_90 = arith.constant 0 : i32
      %dma_start3A_91 = arith.constant 0 : i32
      %dma_start3A_92 = tpu.memref_slice %arg2[%arg0, %dma_start3A_90, %dma_start3A_91] : memref<2x20480x64xf32, #tpu.memory_space<hbm>> -> memref<1x20480x64xf32, #tpu.memory_space<hbm>>
      %dma_start3A_93 = tpu.memref_squeeze %dma_start3A_92 : memref<1x20480x64xf32, #tpu.memory_space<hbm>> -> memref<20480x64xf32, #tpu.memory_space<hbm>>
      %dma_start3A_94 = arith.constant 0 : i32
      %dma_start3A_95 = arith.constant 0 : i32
      %dma_start3A_96 = tpu.memref_slice %dma_start3A_93[%dma_start3A_94, %dma_start3A_95] : memref<20480x64xf32, #tpu.memory_space<hbm>> -> memref<20480x64xf32, #tpu.memory_space<hbm>>
      tpu.enqueue_indirect_dma source(%dma_start3A_96 : memref<20480x64xf32, #tpu.memory_space<hbm>>) target(%dma_start3A_86 : memref<128x64xf32, #tpu.memory_space<vmem>>) offsets(%dma_start3A_89 : memref<128xi32, #tpu.memory_space<vmem>>) semaphore(%arg12 : memref<!tpu.dma_semaphore, #tpu.memory_space<semaphore_mem>>)
      %run_scoped3A = arith.constant 0 : i32
      "tpu.region"() ({
        %run_scoped3A_122 = tpu.sem_alloc : memref<!tpu.dma_semaphore, #tpu.memory_space<semaphore_mem>>
        %dma_start3A_123 = arith.constant 0 : i32
        %dma_start3A_124 = arith.constant 0 : i32
        %dma_start3A_125 = tpu.memref_slice %arg9[%run_scoped3A, %dma_start3A_123, %dma_start3A_124] : memref<2x128x64xf32, #tpu.memory_space<vmem>> -> memref<1x128x64xf32, #tpu.memory_space<vmem>>
        %dma_start3A_126 = tpu.memref_squeeze %dma_start3A_125 : memref<1x128x64xf32, #tpu.memory_space<vmem>> -> memref<128x64xf32, #tpu.memory_space<vmem>>
        %dma_start3A_127 = arith.constant 0 : i32
        %dma_start3A_128 = tpu.memref_slice %arg8[%add3A_63, %dma_start3A_127] : memref<158x128xi32, #tpu.memory_space<vmem>> -> memref<1x128xi32, #tpu.memory_space<vmem>>
        %dma_start3A_129 = tpu.memref_squeeze %dma_start3A_128 : memref<1x128xi32, #tpu.memory_space<vmem>> -> memref<128xi32, #tpu.memory_space<vmem>>
        %dma_start3A_130 = arith.constant 0 : i32
        %dma_start3A_131 = arith.constant 0 : i32
        %dma_start3A_132 = tpu.memref_slice %arg10[%dma_start3A_130, %dma_start3A_131] : memref<10240x64xf32, #tpu.memory_space<vmem_shared>> -> memref<10240x64xf32, #tpu.memory_space<vmem_shared>>
        tpu.enqueue_indirect_dma source(%dma_start3A_126 : memref<128x64xf32, #tpu.memory_space<vmem>>) target(%dma_start3A_132 : memref<10240x64xf32, #tpu.memory_space<vmem_shared>>) offsets(%dma_start3A_129 : memref<128xi32, #tpu.memory_space<vmem>>) semaphore(%run_scoped3A_122 : memref<!tpu.dma_semaphore, #tpu.memory_space<semaphore_mem>>) {add = true}
        %dma_wait3A_133 = arith.constant 0 : i32
        %dma_wait3A_134 = arith.constant 0 : i32
        %dma_wait3A_135 = tpu.memref_slice %arg9[%run_scoped3A, %dma_wait3A_133, %dma_wait3A_134] : memref<2x128x64xf32, #tpu.memory_space<vmem>> -> memref<1x128x64xf32, #tpu.memory_space<vmem>>
        %dma_wait3A_136 = tpu.memref_squeeze %dma_wait3A_135 : memref<1x128x64xf32, #tpu.memory_space<vmem>> -> memref<128x64xf32, #tpu.memory_space<vmem>>
        %dma_wait3A_137 = arith.constant 0 : i32
        %dma_wait3A_138 = tpu.memref_slice %arg8[%add3A_63, %dma_wait3A_137] : memref<158x128xi32, #tpu.memory_space<vmem>> -> memref<1x128xi32, #tpu.memory_space<vmem>>
        %dma_wait3A_139 = tpu.memref_squeeze %dma_wait3A_138 : memref<1x128xi32, #tpu.memory_space<vmem>> -> memref<128xi32, #tpu.memory_space<vmem>>
        %dma_wait3A_140 = arith.constant 0 : i32
        %dma_wait3A_141 = arith.constant 0 : i32
        %dma_wait3A_142 = tpu.memref_slice %arg10[%dma_wait3A_140, %dma_wait3A_141] : memref<10240x64xf32, #tpu.memory_space<vmem_shared>> -> memref<10240x64xf32, #tpu.memory_space<vmem_shared>>
        tpu.wait_indirect_dma semaphore(%run_scoped3A_122 : memref<!tpu.dma_semaphore, #tpu.memory_space<semaphore_mem>>) src(%dma_wait3A_136 : memref<128x64xf32, #tpu.memory_space<vmem>>) dst(%dma_wait3A_142 : memref<10240x64xf32, #tpu.memory_space<vmem_shared>>)
        tpu.yield
      }) : () -> ()
      %add3A_97 = arith.constant 1 : i32
      %add3A_98 = arith.addi %add3A_63, %add3A_97 : i32
      %dma_wait3A_99 = arith.constant 1 : i32
      %dma_wait3A_100 = arith.constant 1 : i32
      %dma_wait3A_101 = arith.constant 0 : i32
      %dma_wait3A_102 = arith.constant 0 : i32
      %dma_wait3A_103 = tpu.memref_slice %arg9[%dma_wait3A_100, %dma_wait3A_101, %dma_wait3A_102] : memref<2x128x64xf32, #tpu.memory_space<vmem>> -> memref<1x128x64xf32, #tpu.memory_space<vmem>>
      %dma_wait3A_104 = tpu.memref_squeeze %dma_wait3A_103 : memref<1x128x64xf32, #tpu.memory_space<vmem>> -> memref<128x64xf32, #tpu.memory_space<vmem>>
      %dma_wait3A_105 = arith.constant 0 : i32
      %dma_wait3A_106 = tpu.memref_slice %arg7[%dma_wait3A_99, %add3A_98, %dma_wait3A_105] : memref<2x158x128xi32, #tpu.memory_space<vmem>> -> memref<1x1x128xi32, #tpu.memory_space<vmem>>
      %dma_wait3A_107 = tpu.memref_squeeze %dma_wait3A_106 : memref<1x1x128xi32, #tpu.memory_space<vmem>> -> memref<128xi32, #tpu.memory_space<vmem>>
      %dma_wait3A_108 = arith.constant 0 : i32
      %dma_wait3A_109 = arith.constant 0 : i32
      %dma_wait3A_110 = tpu.memref_slice %arg2[%arg0, %dma_wait3A_108, %dma_wait3A_109] : memref<2x20480x64xf32, #tpu.memory_space<hbm>> -> memref<1x20480x64xf32, #tpu.memory_space<hbm>>
      %dma_wait3A_111 = tpu.memref_squeeze %dma_wait3A_110 : memref<1x20480x64xf32, #tpu.memory_space<hbm>> -> memref<20480x64xf32, #tpu.memory_space<hbm>>
      %dma_wait3A_112 = arith.constant 0 : i32
      %dma_wait3A_113 = arith.constant 0 : i32
      %dma_wait3A_114 = tpu.memref_slice %dma_wait3A_111[%dma_wait3A_112, %dma_wait3A_113] : memref<20480x64xf32, #tpu.memory_space<hbm>> -> memref<20480x64xf32, #tpu.memory_space<hbm>>
      tpu.wait_indirect_dma semaphore(%arg12 : memref<!tpu.dma_semaphore, #tpu.memory_space<semaphore_mem>>) src(%dma_wait3A_114 : memref<20480x64xf32, #tpu.memory_space<hbm>>) dst(%dma_wait3A_104 : memref<128x64xf32, #tpu.memory_space<vmem>>)
      %add3A_115 = arith.constant 2 : i32
      %add3A_116 = arith.addi %add3A_63, %add3A_115 : i32
      %lt3A = arith.constant 158 : i32
      %lt3A_117 = arith.cmpi slt, %add3A_116, %lt3A : i32
      %convert_element_type3A = arith.extui %lt3A_117 : i1 to i32
      %cond3A = arith.constant 0 : i32
      %cond3A_118 = arith.cmpi ne, %convert_element_type3A, %cond3A : i32
      scf.if %cond3A_118 {
        %add3A_122 = arith.constant 2 : i32
        %add3A_123 = arith.addi %add3A_63, %add3A_122 : i32
        %dma_start3A_124 = arith.constant 1 : i32
        %dma_start3A_125 = arith.constant 0 : i32
        %dma_start3A_126 = arith.constant 0 : i32
        %dma_start3A_127 = arith.constant 0 : i32
        %dma_start3A_128 = tpu.memref_slice %arg9[%dma_start3A_125, %dma_start3A_126, %dma_start3A_127] : memref<2x128x64xf32, #tpu.memory_space<vmem>> -> memref<1x128x64xf32, #tpu.memory_space<vmem>>
        %dma_start3A_129 = tpu.memref_squeeze %dma_start3A_128 : memref<1x128x64xf32, #tpu.memory_space<vmem>> -> memref<128x64xf32, #tpu.memory_space<vmem>>
        %dma_start3A_130 = arith.constant 0 : i32
        %dma_start3A_131 = tpu.memref_slice %arg7[%dma_start3A_124, %add3A_123, %dma_start3A_130] : memref<2x158x128xi32, #tpu.memory_space<vmem>> -> memref<1x1x128xi32, #tpu.memory_space<vmem>>
        %dma_start3A_132 = tpu.memref_squeeze %dma_start3A_131 : memref<1x1x128xi32, #tpu.memory_space<vmem>> -> memref<128xi32, #tpu.memory_space<vmem>>
        %dma_start3A_133 = arith.constant 0 : i32
        %dma_start3A_134 = arith.constant 0 : i32
        %dma_start3A_135 = tpu.memref_slice %arg2[%arg0, %dma_start3A_133, %dma_start3A_134] : memref<2x20480x64xf32, #tpu.memory_space<hbm>> -> memref<1x20480x64xf32, #tpu.memory_space<hbm>>
        %dma_start3A_136 = tpu.memref_squeeze %dma_start3A_135 : memref<1x20480x64xf32, #tpu.memory_space<hbm>> -> memref<20480x64xf32, #tpu.memory_space<hbm>>
        %dma_start3A_137 = arith.constant 0 : i32
        %dma_start3A_138 = arith.constant 0 : i32
        %dma_start3A_139 = tpu.memref_slice %dma_start3A_136[%dma_start3A_137, %dma_start3A_138] : memref<20480x64xf32, #tpu.memory_space<hbm>> -> memref<20480x64xf32, #tpu.memory_space<hbm>>
        tpu.enqueue_indirect_dma source(%dma_start3A_139 : memref<20480x64xf32, #tpu.memory_space<hbm>>) target(%dma_start3A_129 : memref<128x64xf32, #tpu.memory_space<vmem>>) offsets(%dma_start3A_132 : memref<128xi32, #tpu.memory_space<vmem>>) semaphore(%arg11 : memref<!tpu.dma_semaphore, #tpu.memory_space<semaphore_mem>>)
      } else {
      }
      %add3A_119 = arith.constant 1 : i32
      %add3A_120 = arith.addi %add3A_63, %add3A_119 : i32
      %run_scoped3A_121 = arith.constant 1 : i32
      "tpu.region"() ({
        %run_scoped3A_122 = tpu.sem_alloc : memref<!tpu.dma_semaphore, #tpu.memory_space<semaphore_mem>>
        %dma_start3A_123 = arith.constant 0 : i32
        %dma_start3A_124 = arith.constant 0 : i32
        %dma_start3A_125 = tpu.memref_slice %arg9[%run_scoped3A_121, %dma_start3A_123, %dma_start3A_124] : memref<2x128x64xf32, #tpu.memory_space<vmem>> -> memref<1x128x64xf32, #tpu.memory_space<vmem>>
        %dma_start3A_126 = tpu.memref_squeeze %dma_start3A_125 : memref<1x128x64xf32, #tpu.memory_space<vmem>> -> memref<128x64xf32, #tpu.memory_space<vmem>>
        %dma_start3A_127 = arith.constant 0 : i32
        %dma_start3A_128 = tpu.memref_slice %arg8[%add3A_120, %dma_start3A_127] : memref<158x128xi32, #tpu.memory_space<vmem>> -> memref<1x128xi32, #tpu.memory_space<vmem>>
        %dma_start3A_129 = tpu.memref_squeeze %dma_start3A_128 : memref<1x128xi32, #tpu.memory_space<vmem>> -> memref<128xi32, #tpu.memory_space<vmem>>
        %dma_start3A_130 = arith.constant 0 : i32
        %dma_start3A_131 = arith.constant 0 : i32
        %dma_start3A_132 = tpu.memref_slice %arg10[%dma_start3A_130, %dma_start3A_131] : memref<10240x64xf32, #tpu.memory_space<vmem_shared>> -> memref<10240x64xf32, #tpu.memory_space<vmem_shared>>
        tpu.enqueue_indirect_dma source(%dma_start3A_126 : memref<128x64xf32, #tpu.memory_space<vmem>>) target(%dma_start3A_132 : memref<10240x64xf32, #tpu.memory_space<vmem_shared>>) offsets(%dma_start3A_129 : memref<128xi32, #tpu.memory_space<vmem>>) semaphore(%run_scoped3A_122 : memref<!tpu.dma_semaphore, #tpu.memory_space<semaphore_mem>>) {add = true}
        %dma_wait3A_133 = arith.constant 0 : i32
        %dma_wait3A_134 = arith.constant 0 : i32
        %dma_wait3A_135 = tpu.memref_slice %arg9[%run_scoped3A_121, %dma_wait3A_133, %dma_wait3A_134] : memref<2x128x64xf32, #tpu.memory_space<vmem>> -> memref<1x128x64xf32, #tpu.memory_space<vmem>>
        %dma_wait3A_136 = tpu.memref_squeeze %dma_wait3A_135 : memref<1x128x64xf32, #tpu.memory_space<vmem>> -> memref<128x64xf32, #tpu.memory_space<vmem>>
        %dma_wait3A_137 = arith.constant 0 : i32
        %dma_wait3A_138 = tpu.memref_slice %arg8[%add3A_120, %dma_wait3A_137] : memref<158x128xi32, #tpu.memory_space<vmem>> -> memref<1x128xi32, #tpu.memory_space<vmem>>
        %dma_wait3A_139 = tpu.memref_squeeze %dma_wait3A_138 : memref<1x128xi32, #tpu.memory_space<vmem>> -> memref<128xi32, #tpu.memory_space<vmem>>
        %dma_wait3A_140 = arith.constant 0 : i32
        %dma_wait3A_141 = arith.constant 0 : i32
        %dma_wait3A_142 = tpu.memref_slice %arg10[%dma_wait3A_140, %dma_wait3A_141] : memref<10240x64xf32, #tpu.memory_space<vmem_shared>> -> memref<10240x64xf32, #tpu.memory_space<vmem_shared>>
        tpu.wait_indirect_dma semaphore(%run_scoped3A_122 : memref<!tpu.dma_semaphore, #tpu.memory_space<semaphore_mem>>) src(%dma_wait3A_136 : memref<128x64xf32, #tpu.memory_space<vmem>>) dst(%dma_wait3A_142 : memref<10240x64xf32, #tpu.memory_space<vmem_shared>>)
        tpu.yield
      }) : () -> ()
    }
    %scan3A_54 = arith.constant 79 : i32
    %barrier3A_55 = arith.constant 0 : index
    tpu.barrier barrier_id(%barrier3A_55)
    %mul3A_56 = arith.constant 640 : i32
    %mul3A_57 = arith.muli %arg1, %mul3A_56 : i32
    %mul3A_58 = arith.constant 640 : i32
    %mul3A_59 = arith.muli %arg1, %mul3A_58 : i32
    "tpu.region"() ({
      %run_scoped3A = tpu.sem_alloc : memref<!tpu.dma_semaphore, #tpu.memory_space<semaphore_mem>>
      %dma_start3A_60 = arith.constant 0 : i32
      %dma_start3A_61 = arith.constant 0 : i32
      %dma_start3A_62 = tpu.memref_slice %arg6[%arg0, %dma_start3A_60, %dma_start3A_61] : memref<2x10240x128xf32, #tpu.memory_space<hbm>> -> memref<1x10240x128xf32, #tpu.memory_space<hbm>>
      %dma_start3A_63 = tpu.memref_squeeze %dma_start3A_62 : memref<1x10240x128xf32, #tpu.memory_space<hbm>> -> memref<10240x128xf32, #tpu.memory_space<hbm>>
      %dma_start3A_64 = arith.constant 64 : i32
      %dma_start3A_65 = tpu.memref_slice %dma_start3A_63[%mul3A_59, %dma_start3A_64] : memref<10240x128xf32, #tpu.memory_space<hbm>> -> memref<640x64xf32, #tpu.memory_space<hbm>>
      %dma_start3A_66 = arith.constant 0 : i32
      %dma_start3A_67 = tpu.memref_slice %arg10[%mul3A_57, %dma_start3A_66] : memref<10240x64xf32, #tpu.memory_space<vmem_shared>> -> memref<640x64xf32, #tpu.memory_space<vmem_shared>>
      tpu.enqueue_dma source(%dma_start3A_67 : memref<640x64xf32, #tpu.memory_space<vmem_shared>>) target(%dma_start3A_65 : memref<640x64xf32, #tpu.memory_space<hbm>>) target_semaphore(%run_scoped3A : memref<!tpu.dma_semaphore, #tpu.memory_space<semaphore_mem>>)
      %dma_wait3A = arith.constant 0 : i32
      %dma_wait3A_68 = arith.constant 0 : i32
      %dma_wait3A_69 = tpu.memref_slice %arg6[%arg0, %dma_wait3A, %dma_wait3A_68] : memref<2x10240x128xf32, #tpu.memory_space<hbm>> -> memref<1x10240x128xf32, #tpu.memory_space<hbm>>
      %dma_wait3A_70 = tpu.memref_squeeze %dma_wait3A_69 : memref<1x10240x128xf32, #tpu.memory_space<hbm>> -> memref<10240x128xf32, #tpu.memory_space<hbm>>
      %dma_wait3A_71 = arith.constant 64 : i32
      %dma_wait3A_72 = tpu.memref_slice %dma_wait3A_70[%mul3A_59, %dma_wait3A_71] : memref<10240x128xf32, #tpu.memory_space<hbm>> -> memref<640x64xf32, #tpu.memory_space<hbm>>
      %dma_wait3A_73 = arith.constant 0 : i32
      %dma_wait3A_74 = tpu.memref_slice %arg10[%mul3A_57, %dma_wait3A_73] : memref<10240x64xf32, #tpu.memory_space<vmem_shared>> -> memref<640x64xf32, #tpu.memory_space<vmem_shared>>
      tpu.wait_dma2 semaphore(%run_scoped3A : memref<!tpu.dma_semaphore, #tpu.memory_space<semaphore_mem>>) src(%dma_wait3A_74 : memref<640x64xf32, #tpu.memory_space<vmem_shared>>) dst(%dma_wait3A_72 : memref<640x64xf32, #tpu.memory_space<hbm>>)
      tpu.yield
    }) : () -> ()
    return
  }
}

#map = affine_map<(d0, d1) -> (0, 0, 0)>
#map1 = affine_map<(d0, d1) -> (0, 0, 0, 0, 0)>
#map2 = affine_map<(d0, d1) -> (0, 0, 0, 0)>
#map3 = affine_map<(d0, d1) -> (0, 0)>
module attributes {stable_mosaic.version = 14 : i64} {
  func.func @sc_seg(%arg0: i32, %arg1: i32, %arg2: memref<2x20480x64xf32, #tpu.memory_space<hbm>>, %arg3: memref<2x16x2x158x128xi32, #tpu.memory_space<hbm>>, %arg4: memref<2x16x158x128xi32, #tpu.memory_space<hbm>>, %arg5: memref<10240x64xf32, #tpu.memory_space<hbm>>, %arg6: memref<2x10240x128xf32, #tpu.memory_space<hbm>>, %arg7: memref<2x158x128xi32, #tpu.memory_space<vmem>>, %arg8: memref<158x128xi32, #tpu.memory_space<vmem>>, %arg9: memref<2x128x64xf32, #tpu.memory_space<vmem>>, %arg10: memref<10240x64xf32, #tpu.memory_space<vmem_shared>>, %arg11: memref<!tpu.dma_semaphore, #tpu.memory_space<semaphore_mem>>, %arg12: memref<!tpu.dma_semaphore, #tpu.memory_space<semaphore_mem>>) attributes {dimension_semantics = [#tpu.dimension_semantics<core_parallel>, #tpu.dimension_semantics<subcore_parallel>], iteration_bounds = array<i64: 2, 16>, scalar_prefetch = 0 : i64, scratch_operands = 6 : i64, tpu.core_type = #tpu.core_type<sc_vector_subcore>, window_params = [{transform_indices = #map}, {transform_indices = #map1}, {transform_indices = #map2}, {transform_indices = #map3}, {transform_indices = #map}]} {
    "tpu.region"() ({
      %run_scoped3A = tpu.sem_alloc : memref<!tpu.dma_semaphore, #tpu.memory_space<semaphore_mem>>
      %dma_start3A_60 = arith.constant 0 : i32
      %dma_start3A_61 = arith.constant 0 : i32
      %dma_start3A_62 = arith.constant 0 : i32
      %dma_start3A_63 = tpu.memref_slice %arg3[%arg0, %arg1, %dma_start3A_60, %dma_start3A_61, %dma_start3A_62] : memref<2x16x2x158x128xi32, #tpu.memory_space<hbm>> -> memref<1x1x2x158x128xi32, #tpu.memory_space<hbm>>
      %dma_start3A_64 = tpu.memref_squeeze %dma_start3A_63 : memref<1x1x2x158x128xi32, #tpu.memory_space<hbm>> -> memref<2x158x128xi32, #tpu.memory_space<hbm>>
      %dma_start3A_65 = arith.constant 0 : i32
      %dma_start3A_66 = arith.constant 0 : i32
      %dma_start3A_67 = arith.constant 0 : i32
      %dma_start3A_68 = tpu.memref_slice %arg3[%arg0, %arg1, %dma_start3A_65, %dma_start3A_66, %dma_start3A_67] : memref<2x16x2x158x128xi32, #tpu.memory_space<hbm>> -> memref<1x1x2x158x128xi32, #tpu.memory_space<hbm>>
      %dma_start3A_69 = tpu.memref_squeeze %dma_start3A_68 : memref<1x1x2x158x128xi32, #tpu.memory_space<hbm>> -> memref<2x158x128xi32, #tpu.memory_space<hbm>>
      tpu.enqueue_dma source(%dma_start3A_69 : memref<2x158x128xi32, #tpu.memory_space<hbm>>) target(%arg7 : memref<2x158x128xi32, #tpu.memory_space<vmem>>) target_semaphore(%run_scoped3A : memref<!tpu.dma_semaphore, #tpu.memory_space<semaphore_mem>>)
      %dma_wait3A = arith.constant 0 : i32
      %dma_wait3A_70 = arith.constant 0 : i32
      %dma_wait3A_71 = arith.constant 0 : i32
      %dma_wait3A_72 = tpu.memref_slice %arg3[%arg0, %arg1, %dma_wait3A, %dma_wait3A_70, %dma_wait3A_71] : memref<2x16x2x158x128xi32, #tpu.memory_space<hbm>> -> memref<1x1x2x158x128xi32, #tpu.memory_space<hbm>>
      %dma_wait3A_73 = tpu.memref_squeeze %dma_wait3A_72 : memref<1x1x2x158x128xi32, #tpu.memory_space<hbm>> -> memref<2x158x128xi32, #tpu.memory_space<hbm>>
      %dma_wait3A_74 = arith.constant 0 : i32
      %dma_wait3A_75 = arith.constant 0 : i32
      %dma_wait3A_76 = arith.constant 0 : i32
      %dma_wait3A_77 = tpu.memref_slice %arg3[%arg0, %arg1, %dma_wait3A_74, %dma_wait3A_75, %dma_wait3A_76] : memref<2x16x2x158x128xi32, #tpu.memory_space<hbm>> -> memref<1x1x2x158x128xi32, #tpu.memory_space<hbm>>
      %dma_wait3A_78 = tpu.memref_squeeze %dma_wait3A_77 : memref<1x1x2x158x128xi32, #tpu.memory_space<hbm>> -> memref<2x158x128xi32, #tpu.memory_space<hbm>>
      tpu.wait_dma2 semaphore(%run_scoped3A : memref<!tpu.dma_semaphore, #tpu.memory_space<semaphore_mem>>) src(%dma_wait3A_78 : memref<2x158x128xi32, #tpu.memory_space<hbm>>) dst(%arg7 : memref<2x158x128xi32, #tpu.memory_space<vmem>>)
      tpu.yield
    }) : () -> ()
    "tpu.region"() ({
      %run_scoped3A = tpu.sem_alloc : memref<!tpu.dma_semaphore, #tpu.memory_space<semaphore_mem>>
      %dma_start3A_60 = arith.constant 0 : i32
      %dma_start3A_61 = arith.constant 0 : i32
      %dma_start3A_62 = tpu.memref_slice %arg4[%arg0, %arg1, %dma_start3A_60, %dma_start3A_61] : memref<2x16x158x128xi32, #tpu.memory_space<hbm>> -> memref<1x1x158x128xi32, #tpu.memory_space<hbm>>
      %dma_start3A_63 = tpu.memref_squeeze %dma_start3A_62 : memref<1x1x158x128xi32, #tpu.memory_space<hbm>> -> memref<158x128xi32, #tpu.memory_space<hbm>>
      %dma_start3A_64 = arith.constant 0 : i32
      %dma_start3A_65 = arith.constant 0 : i32
      %dma_start3A_66 = tpu.memref_slice %arg4[%arg0, %arg1, %dma_start3A_64, %dma_start3A_65] : memref<2x16x158x128xi32, #tpu.memory_space<hbm>> -> memref<1x1x158x128xi32, #tpu.memory_space<hbm>>
      %dma_start3A_67 = tpu.memref_squeeze %dma_start3A_66 : memref<1x1x158x128xi32, #tpu.memory_space<hbm>> -> memref<158x128xi32, #tpu.memory_space<hbm>>
      tpu.enqueue_dma source(%dma_start3A_67 : memref<158x128xi32, #tpu.memory_space<hbm>>) target(%arg8 : memref<158x128xi32, #tpu.memory_space<vmem>>) target_semaphore(%run_scoped3A : memref<!tpu.dma_semaphore, #tpu.memory_space<semaphore_mem>>)
      %dma_wait3A = arith.constant 0 : i32
      %dma_wait3A_68 = arith.constant 0 : i32
      %dma_wait3A_69 = tpu.memref_slice %arg4[%arg0, %arg1, %dma_wait3A, %dma_wait3A_68] : memref<2x16x158x128xi32, #tpu.memory_space<hbm>> -> memref<1x1x158x128xi32, #tpu.memory_space<hbm>>
      %dma_wait3A_70 = tpu.memref_squeeze %dma_wait3A_69 : memref<1x1x158x128xi32, #tpu.memory_space<hbm>> -> memref<158x128xi32, #tpu.memory_space<hbm>>
      %dma_wait3A_71 = arith.constant 0 : i32
      %dma_wait3A_72 = arith.constant 0 : i32
      %dma_wait3A_73 = tpu.memref_slice %arg4[%arg0, %arg1, %dma_wait3A_71, %dma_wait3A_72] : memref<2x16x158x128xi32, #tpu.memory_space<hbm>> -> memref<1x1x158x128xi32, #tpu.memory_space<hbm>>
      %dma_wait3A_74 = tpu.memref_squeeze %dma_wait3A_73 : memref<1x1x158x128xi32, #tpu.memory_space<hbm>> -> memref<158x128xi32, #tpu.memory_space<hbm>>
      tpu.wait_dma2 semaphore(%run_scoped3A : memref<!tpu.dma_semaphore, #tpu.memory_space<semaphore_mem>>) src(%dma_wait3A_74 : memref<158x128xi32, #tpu.memory_space<hbm>>) dst(%arg8 : memref<158x128xi32, #tpu.memory_space<vmem>>)
      tpu.yield
    }) : () -> ()
    %mul3A = arith.constant 640 : i32
    %mul3A_0 = arith.muli %arg1, %mul3A : i32
    %mul3A_1 = arith.constant 640 : i32
    %mul3A_2 = arith.muli %arg1, %mul3A_1 : i32
    "tpu.region"() ({
      %run_scoped3A = tpu.sem_alloc : memref<!tpu.dma_semaphore, #tpu.memory_space<semaphore_mem>>
      %dma_start3A_60 = arith.constant 0 : i32
      %dma_start3A_61 = tpu.memref_slice %arg10[%mul3A_2, %dma_start3A_60] : memref<10240x64xf32, #tpu.memory_space<vmem_shared>> -> memref<640x64xf32, #tpu.memory_space<vmem_shared>>
      %dma_start3A_62 = arith.constant 0 : i32
      %dma_start3A_63 = tpu.memref_slice %arg5[%mul3A_0, %dma_start3A_62] : memref<10240x64xf32, #tpu.memory_space<hbm>> -> memref<640x64xf32, #tpu.memory_space<hbm>>
      tpu.enqueue_dma source(%dma_start3A_63 : memref<640x64xf32, #tpu.memory_space<hbm>>) target(%dma_start3A_61 : memref<640x64xf32, #tpu.memory_space<vmem_shared>>) target_semaphore(%run_scoped3A : memref<!tpu.dma_semaphore, #tpu.memory_space<semaphore_mem>>)
      %dma_wait3A = arith.constant 0 : i32
      %dma_wait3A_64 = tpu.memref_slice %arg10[%mul3A_2, %dma_wait3A] : memref<10240x64xf32, #tpu.memory_space<vmem_shared>> -> memref<640x64xf32, #tpu.memory_space<vmem_shared>>
      %dma_wait3A_65 = arith.constant 0 : i32
      %dma_wait3A_66 = tpu.memref_slice %arg5[%mul3A_0, %dma_wait3A_65] : memref<10240x64xf32, #tpu.memory_space<hbm>> -> memref<640x64xf32, #tpu.memory_space<hbm>>
      tpu.wait_dma2 semaphore(%run_scoped3A : memref<!tpu.dma_semaphore, #tpu.memory_space<semaphore_mem>>) src(%dma_wait3A_66 : memref<640x64xf32, #tpu.memory_space<hbm>>) dst(%dma_wait3A_64 : memref<640x64xf32, #tpu.memory_space<vmem_shared>>)
      tpu.yield
    }) : () -> ()
    %barrier3A = arith.constant 0 : index
    tpu.barrier barrier_id(%barrier3A)
    %dma_start3A = arith.constant 0 : i32
    %dma_start3A_3 = arith.constant 0 : i32
    %dma_start3A_4 = arith.constant 0 : i32
    %dma_start3A_5 = arith.constant 0 : i32
    %dma_start3A_6 = arith.constant 0 : i32
    %dma_start3A_7 = tpu.memref_slice %arg9[%dma_start3A_4, %dma_start3A_5, %dma_start3A_6] : memref<2x128x64xf32, #tpu.memory_space<vmem>> -> memref<1x128x64xf32, #tpu.memory_space<vmem>>
    %dma_start3A_8 = tpu.memref_squeeze %dma_start3A_7 : memref<1x128x64xf32, #tpu.memory_space<vmem>> -> memref<128x64xf32, #tpu.memory_space<vmem>>
    %dma_start3A_9 = arith.constant 0 : i32
    %dma_start3A_10 = tpu.memref_slice %arg7[%dma_start3A, %dma_start3A_3, %dma_start3A_9] : memref<2x158x128xi32, #tpu.memory_space<vmem>> -> memref<1x1x128xi32, #tpu.memory_space<vmem>>
    %dma_start3A_11 = tpu.memref_squeeze %dma_start3A_10 : memref<1x1x128xi32, #tpu.memory_space<vmem>> -> memref<128xi32, #tpu.memory_space<vmem>>
    %dma_start3A_12 = arith.constant 0 : i32
    %dma_start3A_13 = arith.constant 0 : i32
    %dma_start3A_14 = tpu.memref_slice %arg2[%arg0, %dma_start3A_12, %dma_start3A_13] : memref<2x20480x64xf32, #tpu.memory_space<hbm>> -> memref<1x20480x64xf32, #tpu.memory_space<hbm>>
    %dma_start3A_15 = tpu.memref_squeeze %dma_start3A_14 : memref<1x20480x64xf32, #tpu.memory_space<hbm>> -> memref<20480x64xf32, #tpu.memory_space<hbm>>
    %dma_start3A_16 = arith.constant 0 : i32
    %dma_start3A_17 = arith.constant 0 : i32
    %dma_start3A_18 = tpu.memref_slice %dma_start3A_15[%dma_start3A_16, %dma_start3A_17] : memref<20480x64xf32, #tpu.memory_space<hbm>> -> memref<20480x64xf32, #tpu.memory_space<hbm>>
    tpu.enqueue_indirect_dma source(%dma_start3A_18 : memref<20480x64xf32, #tpu.memory_space<hbm>>) target(%dma_start3A_8 : memref<128x64xf32, #tpu.memory_space<vmem>>) offsets(%dma_start3A_11 : memref<128xi32, #tpu.memory_space<vmem>>) semaphore(%arg11 : memref<!tpu.dma_semaphore, #tpu.memory_space<semaphore_mem>>)
    %scan3A = arith.constant 0 : i32
    %scan3A_19 = arith.constant 79 : i32
    %scan3A_20 = arith.addi %scan3A, %scan3A_19 : i32
    %scan3A_21 = arith.constant 1 : i32
    scf.for %scan3A_60 = %scan3A to %scan3A_20 step %scan3A_21  : i32 {
      %mul3A_61 = arith.constant 2 : i32
      %mul3A_62 = arith.muli %scan3A_60, %mul3A_61 : i32
      %add3A = arith.constant 0 : i32
      %add3A_63 = arith.addi %add3A, %mul3A_62 : i32
      %dma_wait3A = arith.constant 0 : i32
      %dma_wait3A_64 = arith.constant 0 : i32
      %dma_wait3A_65 = arith.constant 0 : i32
      %dma_wait3A_66 = arith.constant 0 : i32
      %dma_wait3A_67 = tpu.memref_slice %arg9[%dma_wait3A_64, %dma_wait3A_65, %dma_wait3A_66] : memref<2x128x64xf32, #tpu.memory_space<vmem>> -> memref<1x128x64xf32, #tpu.memory_space<vmem>>
      %dma_wait3A_68 = tpu.memref_squeeze %dma_wait3A_67 : memref<1x128x64xf32, #tpu.memory_space<vmem>> -> memref<128x64xf32, #tpu.memory_space<vmem>>
      %dma_wait3A_69 = arith.constant 0 : i32
      %dma_wait3A_70 = tpu.memref_slice %arg7[%dma_wait3A, %add3A_63, %dma_wait3A_69] : memref<2x158x128xi32, #tpu.memory_space<vmem>> -> memref<1x1x128xi32, #tpu.memory_space<vmem>>
      %dma_wait3A_71 = tpu.memref_squeeze %dma_wait3A_70 : memref<1x1x128xi32, #tpu.memory_space<vmem>> -> memref<128xi32, #tpu.memory_space<vmem>>
      %dma_wait3A_72 = arith.constant 0 : i32
      %dma_wait3A_73 = arith.constant 0 : i32
      %dma_wait3A_74 = tpu.memref_slice %arg2[%arg0, %dma_wait3A_72, %dma_wait3A_73] : memref<2x20480x64xf32, #tpu.memory_space<hbm>> -> memref<1x20480x64xf32, #tpu.memory_space<hbm>>
      %dma_wait3A_75 = tpu.memref_squeeze %dma_wait3A_74 : memref<1x20480x64xf32, #tpu.memory_space<hbm>> -> memref<20480x64xf32, #tpu.memory_space<hbm>>
      %dma_wait3A_76 = arith.constant 0 : i32
      %dma_wait3A_77 = arith.constant 0 : i32
      %dma_wait3A_78 = tpu.memref_slice %dma_wait3A_75[%dma_wait3A_76, %dma_wait3A_77] : memref<20480x64xf32, #tpu.memory_space<hbm>> -> memref<20480x64xf32, #tpu.memory_space<hbm>>
      tpu.wait_indirect_dma semaphore(%arg11 : memref<!tpu.dma_semaphore, #tpu.memory_space<semaphore_mem>>) src(%dma_wait3A_78 : memref<20480x64xf32, #tpu.memory_space<hbm>>) dst(%dma_wait3A_68 : memref<128x64xf32, #tpu.memory_space<vmem>>)
      %add3A_79 = arith.constant 1 : i32
      %add3A_80 = arith.addi %add3A_63, %add3A_79 : i32
      %dma_start3A_81 = arith.constant 0 : i32
      %dma_start3A_82 = arith.constant 1 : i32
      %dma_start3A_83 = arith.constant 0 : i32
      %dma_start3A_84 = arith.constant 0 : i32
      %dma_start3A_85 = tpu.memref_slice %arg9[%dma_start3A_82, %dma_start3A_83, %dma_start3A_84] : memref<2x128x64xf32, #tpu.memory_space<vmem>> -> memref<1x128x64xf32, #tpu.memory_space<vmem>>
      %dma_start3A_86 = tpu.memref_squeeze %dma_start3A_85 : memref<1x128x64xf32, #tpu.memory_space<vmem>> -> memref<128x64xf32, #tpu.memory_space<vmem>>
      %dma_start3A_87 = arith.constant 0 : i32
      %dma_start3A_88 = tpu.memref_slice %arg7[%dma_start3A_81, %add3A_80, %dma_start3A_87] : memref<2x158x128xi32, #tpu.memory_space<vmem>> -> memref<1x1x128xi32, #tpu.memory_space<vmem>>
      %dma_start3A_89 = tpu.memref_squeeze %dma_start3A_88 : memref<1x1x128xi32, #tpu.memory_space<vmem>> -> memref<128xi32, #tpu.memory_space<vmem>>
      %dma_start3A_90 = arith.constant 0 : i32
      %dma_start3A_91 = arith.constant 0 : i32
      %dma_start3A_92 = tpu.memref_slice %arg2[%arg0, %dma_start3A_90, %dma_start3A_91] : memref<2x20480x64xf32, #tpu.memory_space<hbm>> -> memref<1x20480x64xf32, #tpu.memory_space<hbm>>
      %dma_start3A_93 = tpu.memref_squeeze %dma_start3A_92 : memref<1x20480x64xf32, #tpu.memory_space<hbm>> -> memref<20480x64xf32, #tpu.memory_space<hbm>>
      %dma_start3A_94 = arith.constant 0 : i32
      %dma_start3A_95 = arith.constant 0 : i32
      %dma_start3A_96 = tpu.memref_slice %dma_start3A_93[%dma_start3A_94, %dma_start3A_95] : memref<20480x64xf32, #tpu.memory_space<hbm>> -> memref<20480x64xf32, #tpu.memory_space<hbm>>
      tpu.enqueue_indirect_dma source(%dma_start3A_96 : memref<20480x64xf32, #tpu.memory_space<hbm>>) target(%dma_start3A_86 : memref<128x64xf32, #tpu.memory_space<vmem>>) offsets(%dma_start3A_89 : memref<128xi32, #tpu.memory_space<vmem>>) semaphore(%arg12 : memref<!tpu.dma_semaphore, #tpu.memory_space<semaphore_mem>>)
      %run_scoped3A = arith.constant 0 : i32
      "tpu.region"() ({
        %run_scoped3A_122 = tpu.sem_alloc : memref<!tpu.dma_semaphore, #tpu.memory_space<semaphore_mem>>
        %dma_start3A_123 = arith.constant 0 : i32
        %dma_start3A_124 = arith.constant 0 : i32
        %dma_start3A_125 = tpu.memref_slice %arg9[%run_scoped3A, %dma_start3A_123, %dma_start3A_124] : memref<2x128x64xf32, #tpu.memory_space<vmem>> -> memref<1x128x64xf32, #tpu.memory_space<vmem>>
        %dma_start3A_126 = tpu.memref_squeeze %dma_start3A_125 : memref<1x128x64xf32, #tpu.memory_space<vmem>> -> memref<128x64xf32, #tpu.memory_space<vmem>>
        %dma_start3A_127 = arith.constant 0 : i32
        %dma_start3A_128 = tpu.memref_slice %arg8[%add3A_63, %dma_start3A_127] : memref<158x128xi32, #tpu.memory_space<vmem>> -> memref<1x128xi32, #tpu.memory_space<vmem>>
        %dma_start3A_129 = tpu.memref_squeeze %dma_start3A_128 : memref<1x128xi32, #tpu.memory_space<vmem>> -> memref<128xi32, #tpu.memory_space<vmem>>
        %dma_start3A_130 = arith.constant 0 : i32
        %dma_start3A_131 = arith.constant 0 : i32
        %dma_start3A_132 = tpu.memref_slice %arg10[%dma_start3A_130, %dma_start3A_131] : memref<10240x64xf32, #tpu.memory_space<vmem_shared>> -> memref<10240x64xf32, #tpu.memory_space<vmem_shared>>
        tpu.enqueue_indirect_dma source(%dma_start3A_126 : memref<128x64xf32, #tpu.memory_space<vmem>>) target(%dma_start3A_132 : memref<10240x64xf32, #tpu.memory_space<vmem_shared>>) offsets(%dma_start3A_129 : memref<128xi32, #tpu.memory_space<vmem>>) semaphore(%run_scoped3A_122 : memref<!tpu.dma_semaphore, #tpu.memory_space<semaphore_mem>>) {add = true}
        %dma_wait3A_133 = arith.constant 0 : i32
        %dma_wait3A_134 = arith.constant 0 : i32
        %dma_wait3A_135 = tpu.memref_slice %arg9[%run_scoped3A, %dma_wait3A_133, %dma_wait3A_134] : memref<2x128x64xf32, #tpu.memory_space<vmem>> -> memref<1x128x64xf32, #tpu.memory_space<vmem>>
        %dma_wait3A_136 = tpu.memref_squeeze %dma_wait3A_135 : memref<1x128x64xf32, #tpu.memory_space<vmem>> -> memref<128x64xf32, #tpu.memory_space<vmem>>
        %dma_wait3A_137 = arith.constant 0 : i32
        %dma_wait3A_138 = tpu.memref_slice %arg8[%add3A_63, %dma_wait3A_137] : memref<158x128xi32, #tpu.memory_space<vmem>> -> memref<1x128xi32, #tpu.memory_space<vmem>>
        %dma_wait3A_139 = tpu.memref_squeeze %dma_wait3A_138 : memref<1x128xi32, #tpu.memory_space<vmem>> -> memref<128xi32, #tpu.memory_space<vmem>>
        %dma_wait3A_140 = arith.constant 0 : i32
        %dma_wait3A_141 = arith.constant 0 : i32
        %dma_wait3A_142 = tpu.memref_slice %arg10[%dma_wait3A_140, %dma_wait3A_141] : memref<10240x64xf32, #tpu.memory_space<vmem_shared>> -> memref<10240x64xf32, #tpu.memory_space<vmem_shared>>
        tpu.wait_indirect_dma semaphore(%run_scoped3A_122 : memref<!tpu.dma_semaphore, #tpu.memory_space<semaphore_mem>>) src(%dma_wait3A_136 : memref<128x64xf32, #tpu.memory_space<vmem>>) dst(%dma_wait3A_142 : memref<10240x64xf32, #tpu.memory_space<vmem_shared>>)
        tpu.yield
      }) : () -> ()
      %add3A_97 = arith.constant 1 : i32
      %add3A_98 = arith.addi %add3A_63, %add3A_97 : i32
      %dma_wait3A_99 = arith.constant 0 : i32
      %dma_wait3A_100 = arith.constant 1 : i32
      %dma_wait3A_101 = arith.constant 0 : i32
      %dma_wait3A_102 = arith.constant 0 : i32
      %dma_wait3A_103 = tpu.memref_slice %arg9[%dma_wait3A_100, %dma_wait3A_101, %dma_wait3A_102] : memref<2x128x64xf32, #tpu.memory_space<vmem>> -> memref<1x128x64xf32, #tpu.memory_space<vmem>>
      %dma_wait3A_104 = tpu.memref_squeeze %dma_wait3A_103 : memref<1x128x64xf32, #tpu.memory_space<vmem>> -> memref<128x64xf32, #tpu.memory_space<vmem>>
      %dma_wait3A_105 = arith.constant 0 : i32
      %dma_wait3A_106 = tpu.memref_slice %arg7[%dma_wait3A_99, %add3A_98, %dma_wait3A_105] : memref<2x158x128xi32, #tpu.memory_space<vmem>> -> memref<1x1x128xi32, #tpu.memory_space<vmem>>
      %dma_wait3A_107 = tpu.memref_squeeze %dma_wait3A_106 : memref<1x1x128xi32, #tpu.memory_space<vmem>> -> memref<128xi32, #tpu.memory_space<vmem>>
      %dma_wait3A_108 = arith.constant 0 : i32
      %dma_wait3A_109 = arith.constant 0 : i32
      %dma_wait3A_110 = tpu.memref_slice %arg2[%arg0, %dma_wait3A_108, %dma_wait3A_109] : memref<2x20480x64xf32, #tpu.memory_space<hbm>> -> memref<1x20480x64xf32, #tpu.memory_space<hbm>>
      %dma_wait3A_111 = tpu.memref_squeeze %dma_wait3A_110 : memref<1x20480x64xf32, #tpu.memory_space<hbm>> -> memref<20480x64xf32, #tpu.memory_space<hbm>>
      %dma_wait3A_112 = arith.constant 0 : i32
      %dma_wait3A_113 = arith.constant 0 : i32
      %dma_wait3A_114 = tpu.memref_slice %dma_wait3A_111[%dma_wait3A_112, %dma_wait3A_113] : memref<20480x64xf32, #tpu.memory_space<hbm>> -> memref<20480x64xf32, #tpu.memory_space<hbm>>
      tpu.wait_indirect_dma semaphore(%arg12 : memref<!tpu.dma_semaphore, #tpu.memory_space<semaphore_mem>>) src(%dma_wait3A_114 : memref<20480x64xf32, #tpu.memory_space<hbm>>) dst(%dma_wait3A_104 : memref<128x64xf32, #tpu.memory_space<vmem>>)
      %add3A_115 = arith.constant 2 : i32
      %add3A_116 = arith.addi %add3A_63, %add3A_115 : i32
      %lt3A = arith.constant 158 : i32
      %lt3A_117 = arith.cmpi slt, %add3A_116, %lt3A : i32
      %convert_element_type3A = arith.extui %lt3A_117 : i1 to i32
      %cond3A = arith.constant 0 : i32
      %cond3A_118 = arith.cmpi ne, %convert_element_type3A, %cond3A : i32
      scf.if %cond3A_118 {
        %add3A_122 = arith.constant 2 : i32
        %add3A_123 = arith.addi %add3A_63, %add3A_122 : i32
        %dma_start3A_124 = arith.constant 0 : i32
        %dma_start3A_125 = arith.constant 0 : i32
        %dma_start3A_126 = arith.constant 0 : i32
        %dma_start3A_127 = arith.constant 0 : i32
        %dma_start3A_128 = tpu.memref_slice %arg9[%dma_start3A_125, %dma_start3A_126, %dma_start3A_127] : memref<2x128x64xf32, #tpu.memory_space<vmem>> -> memref<1x128x64xf32, #tpu.memory_space<vmem>>
        %dma_start3A_129 = tpu.memref_squeeze %dma_start3A_128 : memref<1x128x64xf32, #tpu.memory_space<vmem>> -> memref<128x64xf32, #tpu.memory_space<vmem>>
        %dma_start3A_130 = arith.constant 0 : i32
        %dma_start3A_131 = tpu.memref_slice %arg7[%dma_start3A_124, %add3A_123, %dma_start3A_130] : memref<2x158x128xi32, #tpu.memory_space<vmem>> -> memref<1x1x128xi32, #tpu.memory_space<vmem>>
        %dma_start3A_132 = tpu.memref_squeeze %dma_start3A_131 : memref<1x1x128xi32, #tpu.memory_space<vmem>> -> memref<128xi32, #tpu.memory_space<vmem>>
        %dma_start3A_133 = arith.constant 0 : i32
        %dma_start3A_134 = arith.constant 0 : i32
        %dma_start3A_135 = tpu.memref_slice %arg2[%arg0, %dma_start3A_133, %dma_start3A_134] : memref<2x20480x64xf32, #tpu.memory_space<hbm>> -> memref<1x20480x64xf32, #tpu.memory_space<hbm>>
        %dma_start3A_136 = tpu.memref_squeeze %dma_start3A_135 : memref<1x20480x64xf32, #tpu.memory_space<hbm>> -> memref<20480x64xf32, #tpu.memory_space<hbm>>
        %dma_start3A_137 = arith.constant 0 : i32
        %dma_start3A_138 = arith.constant 0 : i32
        %dma_start3A_139 = tpu.memref_slice %dma_start3A_136[%dma_start3A_137, %dma_start3A_138] : memref<20480x64xf32, #tpu.memory_space<hbm>> -> memref<20480x64xf32, #tpu.memory_space<hbm>>
        tpu.enqueue_indirect_dma source(%dma_start3A_139 : memref<20480x64xf32, #tpu.memory_space<hbm>>) target(%dma_start3A_129 : memref<128x64xf32, #tpu.memory_space<vmem>>) offsets(%dma_start3A_132 : memref<128xi32, #tpu.memory_space<vmem>>) semaphore(%arg11 : memref<!tpu.dma_semaphore, #tpu.memory_space<semaphore_mem>>)
      } else {
      }
      %add3A_119 = arith.constant 1 : i32
      %add3A_120 = arith.addi %add3A_63, %add3A_119 : i32
      %run_scoped3A_121 = arith.constant 1 : i32
      "tpu.region"() ({
        %run_scoped3A_122 = tpu.sem_alloc : memref<!tpu.dma_semaphore, #tpu.memory_space<semaphore_mem>>
        %dma_start3A_123 = arith.constant 0 : i32
        %dma_start3A_124 = arith.constant 0 : i32
        %dma_start3A_125 = tpu.memref_slice %arg9[%run_scoped3A_121, %dma_start3A_123, %dma_start3A_124] : memref<2x128x64xf32, #tpu.memory_space<vmem>> -> memref<1x128x64xf32, #tpu.memory_space<vmem>>
        %dma_start3A_126 = tpu.memref_squeeze %dma_start3A_125 : memref<1x128x64xf32, #tpu.memory_space<vmem>> -> memref<128x64xf32, #tpu.memory_space<vmem>>
        %dma_start3A_127 = arith.constant 0 : i32
        %dma_start3A_128 = tpu.memref_slice %arg8[%add3A_120, %dma_start3A_127] : memref<158x128xi32, #tpu.memory_space<vmem>> -> memref<1x128xi32, #tpu.memory_space<vmem>>
        %dma_start3A_129 = tpu.memref_squeeze %dma_start3A_128 : memref<1x128xi32, #tpu.memory_space<vmem>> -> memref<128xi32, #tpu.memory_space<vmem>>
        %dma_start3A_130 = arith.constant 0 : i32
        %dma_start3A_131 = arith.constant 0 : i32
        %dma_start3A_132 = tpu.memref_slice %arg10[%dma_start3A_130, %dma_start3A_131] : memref<10240x64xf32, #tpu.memory_space<vmem_shared>> -> memref<10240x64xf32, #tpu.memory_space<vmem_shared>>
        tpu.enqueue_indirect_dma source(%dma_start3A_126 : memref<128x64xf32, #tpu.memory_space<vmem>>) target(%dma_start3A_132 : memref<10240x64xf32, #tpu.memory_space<vmem_shared>>) offsets(%dma_start3A_129 : memref<128xi32, #tpu.memory_space<vmem>>) semaphore(%run_scoped3A_122 : memref<!tpu.dma_semaphore, #tpu.memory_space<semaphore_mem>>) {add = true}
        %dma_wait3A_133 = arith.constant 0 : i32
        %dma_wait3A_134 = arith.constant 0 : i32
        %dma_wait3A_135 = tpu.memref_slice %arg9[%run_scoped3A_121, %dma_wait3A_133, %dma_wait3A_134] : memref<2x128x64xf32, #tpu.memory_space<vmem>> -> memref<1x128x64xf32, #tpu.memory_space<vmem>>
        %dma_wait3A_136 = tpu.memref_squeeze %dma_wait3A_135 : memref<1x128x64xf32, #tpu.memory_space<vmem>> -> memref<128x64xf32, #tpu.memory_space<vmem>>
        %dma_wait3A_137 = arith.constant 0 : i32
        %dma_wait3A_138 = tpu.memref_slice %arg8[%add3A_120, %dma_wait3A_137] : memref<158x128xi32, #tpu.memory_space<vmem>> -> memref<1x128xi32, #tpu.memory_space<vmem>>
        %dma_wait3A_139 = tpu.memref_squeeze %dma_wait3A_138 : memref<1x128xi32, #tpu.memory_space<vmem>> -> memref<128xi32, #tpu.memory_space<vmem>>
        %dma_wait3A_140 = arith.constant 0 : i32
        %dma_wait3A_141 = arith.constant 0 : i32
        %dma_wait3A_142 = tpu.memref_slice %arg10[%dma_wait3A_140, %dma_wait3A_141] : memref<10240x64xf32, #tpu.memory_space<vmem_shared>> -> memref<10240x64xf32, #tpu.memory_space<vmem_shared>>
        tpu.wait_indirect_dma semaphore(%run_scoped3A_122 : memref<!tpu.dma_semaphore, #tpu.memory_space<semaphore_mem>>) src(%dma_wait3A_136 : memref<128x64xf32, #tpu.memory_space<vmem>>) dst(%dma_wait3A_142 : memref<10240x64xf32, #tpu.memory_space<vmem_shared>>)
        tpu.yield
      }) : () -> ()
    }
    %scan3A_22 = arith.constant 79 : i32
    %barrier3A_23 = arith.constant 0 : index
    tpu.barrier barrier_id(%barrier3A_23)
    %mul3A_24 = arith.constant 640 : i32
    %mul3A_25 = arith.muli %arg1, %mul3A_24 : i32
    %mul3A_26 = arith.constant 640 : i32
    %mul3A_27 = arith.muli %arg1, %mul3A_26 : i32
    "tpu.region"() ({
      %run_scoped3A = tpu.sem_alloc : memref<!tpu.dma_semaphore, #tpu.memory_space<semaphore_mem>>
      %dma_start3A_60 = arith.constant 0 : i32
      %dma_start3A_61 = arith.constant 0 : i32
      %dma_start3A_62 = tpu.memref_slice %arg6[%arg0, %dma_start3A_60, %dma_start3A_61] : memref<2x10240x128xf32, #tpu.memory_space<hbm>> -> memref<1x10240x128xf32, #tpu.memory_space<hbm>>
      %dma_start3A_63 = tpu.memref_squeeze %dma_start3A_62 : memref<1x10240x128xf32, #tpu.memory_space<hbm>> -> memref<10240x128xf32, #tpu.memory_space<hbm>>
      %dma_start3A_64 = arith.constant 0 : i32
      %dma_start3A_65 = tpu.memref_slice %dma_start3A_63[%mul3A_27, %dma_start3A_64] : memref<10240x128xf32, #tpu.memory_space<hbm>> -> memref<640x64xf32, #tpu.memory_space<hbm>>
      %dma_start3A_66 = arith.constant 0 : i32
      %dma_start3A_67 = tpu.memref_slice %arg10[%mul3A_25, %dma_start3A_66] : memref<10240x64xf32, #tpu.memory_space<vmem_shared>> -> memref<640x64xf32, #tpu.memory_space<vmem_shared>>
      tpu.enqueue_dma source(%dma_start3A_67 : memref<640x64xf32, #tpu.memory_space<vmem_shared>>) target(%dma_start3A_65 : memref<640x64xf32, #tpu.memory_space<hbm>>) target_semaphore(%run_scoped3A : memref<!tpu.dma_semaphore, #tpu.memory_space<semaphore_mem>>)
      %dma_wait3A = arith.constant 0 : i32
      %dma_wait3A_68 = arith.constant 0 : i32
      %dma_wait3A_69 = tpu.memref_slice %arg6[%arg0, %dma_wait3A, %dma_wait3A_68] : memref<2x10240x128xf32, #tpu.memory_space<hbm>> -> memref<1x10240x128xf32, #tpu.memory_space<hbm>>
      %dma_wait3A_70 = tpu.memref_squeeze %dma_wait3A_69 : memref<1x10240x128xf32, #tpu.memory_space<hbm>> -> memref<10240x128xf32, #tpu.memory_space<hbm>>
      %dma_wait3A_71 = arith.constant 0 : i32
      %dma_wait3A_72 = tpu.memref_slice %dma_wait3A_70[%mul3A_27, %dma_wait3A_71] : memref<10240x128xf32, #tpu.memory_space<hbm>> -> memref<640x64xf32, #tpu.memory_space<hbm>>
      %dma_wait3A_73 = arith.constant 0 : i32
      %dma_wait3A_74 = tpu.memref_slice %arg10[%mul3A_25, %dma_wait3A_73] : memref<10240x64xf32, #tpu.memory_space<vmem_shared>> -> memref<640x64xf32, #tpu.memory_space<vmem_shared>>
      tpu.wait_dma2 semaphore(%run_scoped3A : memref<!tpu.dma_semaphore, #tpu.memory_space<semaphore_mem>>) src(%dma_wait3A_74 : memref<640x64xf32, #tpu.memory_space<vmem_shared>>) dst(%dma_wait3A_72 : memref<640x64xf32, #tpu.memory_space<hbm>>)
      tpu.yield
    }) : () -> ()
    %mul3A_28 = arith.constant 640 : i32
    %mul3A_29 = arith.muli %arg1, %mul3A_28 : i32
    %mul3A_30 = arith.constant 640 : i32
    %mul3A_31 = arith.muli %arg1, %mul3A_30 : i32
    "tpu.region"() ({
      %run_scoped3A = tpu.sem_alloc : memref<!tpu.dma_semaphore, #tpu.memory_space<semaphore_mem>>
      %dma_start3A_60 = arith.constant 0 : i32
      %dma_start3A_61 = tpu.memref_slice %arg10[%mul3A_31, %dma_start3A_60] : memref<10240x64xf32, #tpu.memory_space<vmem_shared>> -> memref<640x64xf32, #tpu.memory_space<vmem_shared>>
      %dma_start3A_62 = arith.constant 0 : i32
      %dma_start3A_63 = tpu.memref_slice %arg5[%mul3A_29, %dma_start3A_62] : memref<10240x64xf32, #tpu.memory_space<hbm>> -> memref<640x64xf32, #tpu.memory_space<hbm>>
      tpu.enqueue_dma source(%dma_start3A_63 : memref<640x64xf32, #tpu.memory_space<hbm>>) target(%dma_start3A_61 : memref<640x64xf32, #tpu.memory_space<vmem_shared>>) target_semaphore(%run_scoped3A : memref<!tpu.dma_semaphore, #tpu.memory_space<semaphore_mem>>)
      %dma_wait3A = arith.constant 0 : i32
      %dma_wait3A_64 = tpu.memref_slice %arg10[%mul3A_31, %dma_wait3A] : memref<10240x64xf32, #tpu.memory_space<vmem_shared>> -> memref<640x64xf32, #tpu.memory_space<vmem_shared>>
      %dma_wait3A_65 = arith.constant 0 : i32
      %dma_wait3A_66 = tpu.memref_slice %arg5[%mul3A_29, %dma_wait3A_65] : memref<10240x64xf32, #tpu.memory_space<hbm>> -> memref<640x64xf32, #tpu.memory_space<hbm>>
      tpu.wait_dma2 semaphore(%run_scoped3A : memref<!tpu.dma_semaphore, #tpu.memory_space<semaphore_mem>>) src(%dma_wait3A_66 : memref<640x64xf32, #tpu.memory_space<hbm>>) dst(%dma_wait3A_64 : memref<640x64xf32, #tpu.memory_space<vmem_shared>>)
      tpu.yield
    }) : () -> ()
    %barrier3A_32 = arith.constant 0 : index
    tpu.barrier barrier_id(%barrier3A_32)
    %dma_start3A_33 = arith.constant 1 : i32
    %dma_start3A_34 = arith.constant 0 : i32
    %dma_start3A_35 = arith.constant 0 : i32
    %dma_start3A_36 = arith.constant 0 : i32
    %dma_start3A_37 = arith.constant 0 : i32
    %dma_start3A_38 = tpu.memref_slice %arg9[%dma_start3A_35, %dma_start3A_36, %dma_start3A_37] : memref<2x128x64xf32, #tpu.memory_space<vmem>> -> memref<1x128x64xf32, #tpu.memory_space<vmem>>
    %dma_start3A_39 = tpu.memref_squeeze %dma_start3A_38 : memref<1x128x64xf32, #tpu.memory_space<vmem>> -> memref<128x64xf32, #tpu.memory_space<vmem>>
    %dma_start3A_40 = arith.constant 0 : i32
    %dma_start3A_41 = tpu.memref_slice %arg7[%dma_start3A_33, %dma_start3A_34, %dma_start3A_40] : memref<2x158x128xi32, #tpu.memory_space<vmem>> -> memref<1x1x128xi32, #tpu.memory_space<vmem>>
    %dma_start3A_42 = tpu.memref_squeeze %dma_start3A_41 : memref<1x1x128xi32, #tpu.memory_space<vmem>> -> memref<128xi32, #tpu.memory_space<vmem>>
    %dma_start3A_43 = arith.constant 0 : i32
    %dma_start3A_44 = arith.constant 0 : i32
    %dma_start3A_45 = tpu.memref_slice %arg2[%arg0, %dma_start3A_43, %dma_start3A_44] : memref<2x20480x64xf32, #tpu.memory_space<hbm>> -> memref<1x20480x64xf32, #tpu.memory_space<hbm>>
    %dma_start3A_46 = tpu.memref_squeeze %dma_start3A_45 : memref<1x20480x64xf32, #tpu.memory_space<hbm>> -> memref<20480x64xf32, #tpu.memory_space<hbm>>
    %dma_start3A_47 = arith.constant 0 : i32
    %dma_start3A_48 = arith.constant 0 : i32
    %dma_start3A_49 = tpu.memref_slice %dma_start3A_46[%dma_start3A_47, %dma_start3A_48] : memref<20480x64xf32, #tpu.memory_space<hbm>> -> memref<20480x64xf32, #tpu.memory_space<hbm>>
    tpu.enqueue_indirect_dma source(%dma_start3A_49 : memref<20480x64xf32, #tpu.memory_space<hbm>>) target(%dma_start3A_39 : memref<128x64xf32, #tpu.memory_space<vmem>>) offsets(%dma_start3A_42 : memref<128xi32, #tpu.memory_space<vmem>>) semaphore(%arg11 : memref<!tpu.dma_semaphore, #tpu.memory_space<semaphore_mem>>)
    %scan3A_50 = arith.constant 0 : i32
    %scan3A_51 = arith.constant 79 : i32
    %scan3A_52 = arith.addi %scan3A_50, %scan3A_51 : i32
    %scan3A_53 = arith.constant 1 : i32
    scf.for %scan3A_60 = %scan3A_50 to %scan3A_52 step %scan3A_53  : i32 {
      %mul3A_61 = arith.constant 2 : i32
      %mul3A_62 = arith.muli %scan3A_60, %mul3A_61 : i32
      %add3A = arith.constant 0 : i32
      %add3A_63 = arith.addi %add3A, %mul3A_62 : i32
      %dma_wait3A = arith.constant 1 : i32
      %dma_wait3A_64 = arith.constant 0 : i32
      %dma_wait3A_65 = arith.constant 0 : i32
      %dma_wait3A_66 = arith.constant 0 : i32
      %dma_wait3A_67 = tpu.memref_slice %arg9[%dma_wait3A_64, %dma_wait3A_65, %dma_wait3A_66] : memref<2x128x64xf32, #tpu.memory_space<vmem>> -> memref<1x128x64xf32, #tpu.memory_space<vmem>>
      %dma_wait3A_68 = tpu.memref_squeeze %dma_wait3A_67 : memref<1x128x64xf32, #tpu.memory_space<vmem>> -> memref<128x64xf32, #tpu.memory_space<vmem>>
      %dma_wait3A_69 = arith.constant 0 : i32
      %dma_wait3A_70 = tpu.memref_slice %arg7[%dma_wait3A, %add3A_63, %dma_wait3A_69] : memref<2x158x128xi32, #tpu.memory_space<vmem>> -> memref<1x1x128xi32, #tpu.memory_space<vmem>>
      %dma_wait3A_71 = tpu.memref_squeeze %dma_wait3A_70 : memref<1x1x128xi32, #tpu.memory_space<vmem>> -> memref<128xi32, #tpu.memory_space<vmem>>
      %dma_wait3A_72 = arith.constant 0 : i32
      %dma_wait3A_73 = arith.constant 0 : i32
      %dma_wait3A_74 = tpu.memref_slice %arg2[%arg0, %dma_wait3A_72, %dma_wait3A_73] : memref<2x20480x64xf32, #tpu.memory_space<hbm>> -> memref<1x20480x64xf32, #tpu.memory_space<hbm>>
      %dma_wait3A_75 = tpu.memref_squeeze %dma_wait3A_74 : memref<1x20480x64xf32, #tpu.memory_space<hbm>> -> memref<20480x64xf32, #tpu.memory_space<hbm>>
      %dma_wait3A_76 = arith.constant 0 : i32
      %dma_wait3A_77 = arith.constant 0 : i32
      %dma_wait3A_78 = tpu.memref_slice %dma_wait3A_75[%dma_wait3A_76, %dma_wait3A_77] : memref<20480x64xf32, #tpu.memory_space<hbm>> -> memref<20480x64xf32, #tpu.memory_space<hbm>>
      tpu.wait_indirect_dma semaphore(%arg11 : memref<!tpu.dma_semaphore, #tpu.memory_space<semaphore_mem>>) src(%dma_wait3A_78 : memref<20480x64xf32, #tpu.memory_space<hbm>>) dst(%dma_wait3A_68 : memref<128x64xf32, #tpu.memory_space<vmem>>)
      %add3A_79 = arith.constant 1 : i32
      %add3A_80 = arith.addi %add3A_63, %add3A_79 : i32
      %dma_start3A_81 = arith.constant 1 : i32
      %dma_start3A_82 = arith.constant 1 : i32
      %dma_start3A_83 = arith.constant 0 : i32
      %dma_start3A_84 = arith.constant 0 : i32
      %dma_start3A_85 = tpu.memref_slice %arg9[%dma_start3A_82, %dma_start3A_83, %dma_start3A_84] : memref<2x128x64xf32, #tpu.memory_space<vmem>> -> memref<1x128x64xf32, #tpu.memory_space<vmem>>
      %dma_start3A_86 = tpu.memref_squeeze %dma_start3A_85 : memref<1x128x64xf32, #tpu.memory_space<vmem>> -> memref<128x64xf32, #tpu.memory_space<vmem>>
      %dma_start3A_87 = arith.constant 0 : i32
      %dma_start3A_88 = tpu.memref_slice %arg7[%dma_start3A_81, %add3A_80, %dma_start3A_87] : memref<2x158x128xi32, #tpu.memory_space<vmem>> -> memref<1x1x128xi32, #tpu.memory_space<vmem>>
      %dma_start3A_89 = tpu.memref_squeeze %dma_start3A_88 : memref<1x1x128xi32, #tpu.memory_space<vmem>> -> memref<128xi32, #tpu.memory_space<vmem>>
      %dma_start3A_90 = arith.constant 0 : i32
      %dma_start3A_91 = arith.constant 0 : i32
      %dma_start3A_92 = tpu.memref_slice %arg2[%arg0, %dma_start3A_90, %dma_start3A_91] : memref<2x20480x64xf32, #tpu.memory_space<hbm>> -> memref<1x20480x64xf32, #tpu.memory_space<hbm>>
      %dma_start3A_93 = tpu.memref_squeeze %dma_start3A_92 : memref<1x20480x64xf32, #tpu.memory_space<hbm>> -> memref<20480x64xf32, #tpu.memory_space<hbm>>
      %dma_start3A_94 = arith.constant 0 : i32
      %dma_start3A_95 = arith.constant 0 : i32
      %dma_start3A_96 = tpu.memref_slice %dma_start3A_93[%dma_start3A_94, %dma_start3A_95] : memref<20480x64xf32, #tpu.memory_space<hbm>> -> memref<20480x64xf32, #tpu.memory_space<hbm>>
      tpu.enqueue_indirect_dma source(%dma_start3A_96 : memref<20480x64xf32, #tpu.memory_space<hbm>>) target(%dma_start3A_86 : memref<128x64xf32, #tpu.memory_space<vmem>>) offsets(%dma_start3A_89 : memref<128xi32, #tpu.memory_space<vmem>>) semaphore(%arg12 : memref<!tpu.dma_semaphore, #tpu.memory_space<semaphore_mem>>)
      %run_scoped3A = arith.constant 0 : i32
      "tpu.region"() ({
        %run_scoped3A_122 = tpu.sem_alloc : memref<!tpu.dma_semaphore, #tpu.memory_space<semaphore_mem>>
        %dma_start3A_123 = arith.constant 0 : i32
        %dma_start3A_124 = arith.constant 0 : i32
        %dma_start3A_125 = tpu.memref_slice %arg9[%run_scoped3A, %dma_start3A_123, %dma_start3A_124] : memref<2x128x64xf32, #tpu.memory_space<vmem>> -> memref<1x128x64xf32, #tpu.memory_space<vmem>>
        %dma_start3A_126 = tpu.memref_squeeze %dma_start3A_125 : memref<1x128x64xf32, #tpu.memory_space<vmem>> -> memref<128x64xf32, #tpu.memory_space<vmem>>
        %dma_start3A_127 = arith.constant 0 : i32
        %dma_start3A_128 = tpu.memref_slice %arg8[%add3A_63, %dma_start3A_127] : memref<158x128xi32, #tpu.memory_space<vmem>> -> memref<1x128xi32, #tpu.memory_space<vmem>>
        %dma_start3A_129 = tpu.memref_squeeze %dma_start3A_128 : memref<1x128xi32, #tpu.memory_space<vmem>> -> memref<128xi32, #tpu.memory_space<vmem>>
        %dma_start3A_130 = arith.constant 0 : i32
        %dma_start3A_131 = arith.constant 0 : i32
        %dma_start3A_132 = tpu.memref_slice %arg10[%dma_start3A_130, %dma_start3A_131] : memref<10240x64xf32, #tpu.memory_space<vmem_shared>> -> memref<10240x64xf32, #tpu.memory_space<vmem_shared>>
        tpu.enqueue_indirect_dma source(%dma_start3A_126 : memref<128x64xf32, #tpu.memory_space<vmem>>) target(%dma_start3A_132 : memref<10240x64xf32, #tpu.memory_space<vmem_shared>>) offsets(%dma_start3A_129 : memref<128xi32, #tpu.memory_space<vmem>>) semaphore(%run_scoped3A_122 : memref<!tpu.dma_semaphore, #tpu.memory_space<semaphore_mem>>) {add = true}
        %dma_wait3A_133 = arith.constant 0 : i32
        %dma_wait3A_134 = arith.constant 0 : i32
        %dma_wait3A_135 = tpu.memref_slice %arg9[%run_scoped3A, %dma_wait3A_133, %dma_wait3A_134] : memref<2x128x64xf32, #tpu.memory_space<vmem>> -> memref<1x128x64xf32, #tpu.memory_space<vmem>>
        %dma_wait3A_136 = tpu.memref_squeeze %dma_wait3A_135 : memref<1x128x64xf32, #tpu.memory_space<vmem>> -> memref<128x64xf32, #tpu.memory_space<vmem>>
        %dma_wait3A_137 = arith.constant 0 : i32
        %dma_wait3A_138 = tpu.memref_slice %arg8[%add3A_63, %dma_wait3A_137] : memref<158x128xi32, #tpu.memory_space<vmem>> -> memref<1x128xi32, #tpu.memory_space<vmem>>
        %dma_wait3A_139 = tpu.memref_squeeze %dma_wait3A_138 : memref<1x128xi32, #tpu.memory_space<vmem>> -> memref<128xi32, #tpu.memory_space<vmem>>
        %dma_wait3A_140 = arith.constant 0 : i32
        %dma_wait3A_141 = arith.constant 0 : i32
        %dma_wait3A_142 = tpu.memref_slice %arg10[%dma_wait3A_140, %dma_wait3A_141] : memref<10240x64xf32, #tpu.memory_space<vmem_shared>> -> memref<10240x64xf32, #tpu.memory_space<vmem_shared>>
        tpu.wait_indirect_dma semaphore(%run_scoped3A_122 : memref<!tpu.dma_semaphore, #tpu.memory_space<semaphore_mem>>) src(%dma_wait3A_136 : memref<128x64xf32, #tpu.memory_space<vmem>>) dst(%dma_wait3A_142 : memref<10240x64xf32, #tpu.memory_space<vmem_shared>>)
        tpu.yield
      }) : () -> ()
      %add3A_97 = arith.constant 1 : i32
      %add3A_98 = arith.addi %add3A_63, %add3A_97 : i32
      %dma_wait3A_99 = arith.constant 1 : i32
      %dma_wait3A_100 = arith.constant 1 : i32
      %dma_wait3A_101 = arith.constant 0 : i32
      %dma_wait3A_102 = arith.constant 0 : i32
      %dma_wait3A_103 = tpu.memref_slice %arg9[%dma_wait3A_100, %dma_wait3A_101, %dma_wait3A_102] : memref<2x128x64xf32, #tpu.memory_space<vmem>> -> memref<1x128x64xf32, #tpu.memory_space<vmem>>
      %dma_wait3A_104 = tpu.memref_squeeze %dma_wait3A_103 : memref<1x128x64xf32, #tpu.memory_space<vmem>> -> memref<128x64xf32, #tpu.memory_space<vmem>>
      %dma_wait3A_105 = arith.constant 0 : i32
      %dma_wait3A_106 = tpu.memref_slice %arg7[%dma_wait3A_99, %add3A_98, %dma_wait3A_105] : memref<2x158x128xi32, #tpu.memory_space<vmem>> -> memref<1x1x128xi32, #tpu.memory_space<vmem>>
      %dma_wait3A_107 = tpu.memref_squeeze %dma_wait3A_106 : memref<1x1x128xi32, #tpu.memory_space<vmem>> -> memref<128xi32, #tpu.memory_space<vmem>>
      %dma_wait3A_108 = arith.constant 0 : i32
      %dma_wait3A_109 = arith.constant 0 : i32
      %dma_wait3A_110 = tpu.memref_slice %arg2[%arg0, %dma_wait3A_108, %dma_wait3A_109] : memref<2x20480x64xf32, #tpu.memory_space<hbm>> -> memref<1x20480x64xf32, #tpu.memory_space<hbm>>
      %dma_wait3A_111 = tpu.memref_squeeze %dma_wait3A_110 : memref<1x20480x64xf32, #tpu.memory_space<hbm>> -> memref<20480x64xf32, #tpu.memory_space<hbm>>
      %dma_wait3A_112 = arith.constant 0 : i32
      %dma_wait3A_113 = arith.constant 0 : i32
      %dma_wait3A_114 = tpu.memref_slice %dma_wait3A_111[%dma_wait3A_112, %dma_wait3A_113] : memref<20480x64xf32, #tpu.memory_space<hbm>> -> memref<20480x64xf32, #tpu.memory_space<hbm>>
      tpu.wait_indirect_dma semaphore(%arg12 : memref<!tpu.dma_semaphore, #tpu.memory_space<semaphore_mem>>) src(%dma_wait3A_114 : memref<20480x64xf32, #tpu.memory_space<hbm>>) dst(%dma_wait3A_104 : memref<128x64xf32, #tpu.memory_space<vmem>>)
      %add3A_115 = arith.constant 2 : i32
      %add3A_116 = arith.addi %add3A_63, %add3A_115 : i32
      %lt3A = arith.constant 158 : i32
      %lt3A_117 = arith.cmpi slt, %add3A_116, %lt3A : i32
      %convert_element_type3A = arith.extui %lt3A_117 : i1 to i32
      %cond3A = arith.constant 0 : i32
      %cond3A_118 = arith.cmpi ne, %convert_element_type3A, %cond3A : i32
      scf.if %cond3A_118 {
        %add3A_122 = arith.constant 2 : i32
        %add3A_123 = arith.addi %add3A_63, %add3A_122 : i32
        %dma_start3A_124 = arith.constant 1 : i32
        %dma_start3A_125 = arith.constant 0 : i32
        %dma_start3A_126 = arith.constant 0 : i32
        %dma_start3A_127 = arith.constant 0 : i32
        %dma_start3A_128 = tpu.memref_slice %arg9[%dma_start3A_125, %dma_start3A_126, %dma_start3A_127] : memref<2x128x64xf32, #tpu.memory_space<vmem>> -> memref<1x128x64xf32, #tpu.memory_space<vmem>>
        %dma_start3A_129 = tpu.memref_squeeze %dma_start3A_128 : memref<1x128x64xf32, #tpu.memory_space<vmem>> -> memref<128x64xf32, #tpu.memory_space<vmem>>
        %dma_start3A_130 = arith.constant 0 : i32
        %dma_start3A_131 = tpu.memref_slice %arg7[%dma_start3A_124, %add3A_123, %dma_start3A_130] : memref<2x158x128xi32, #tpu.memory_space<vmem>> -> memref<1x1x128xi32, #tpu.memory_space<vmem>>
        %dma_start3A_132 = tpu.memref_squeeze %dma_start3A_131 : memref<1x1x128xi32, #tpu.memory_space<vmem>> -> memref<128xi32, #tpu.memory_space<vmem>>
        %dma_start3A_133 = arith.constant 0 : i32
        %dma_start3A_134 = arith.constant 0 : i32
        %dma_start3A_135 = tpu.memref_slice %arg2[%arg0, %dma_start3A_133, %dma_start3A_134] : memref<2x20480x64xf32, #tpu.memory_space<hbm>> -> memref<1x20480x64xf32, #tpu.memory_space<hbm>>
        %dma_start3A_136 = tpu.memref_squeeze %dma_start3A_135 : memref<1x20480x64xf32, #tpu.memory_space<hbm>> -> memref<20480x64xf32, #tpu.memory_space<hbm>>
        %dma_start3A_137 = arith.constant 0 : i32
        %dma_start3A_138 = arith.constant 0 : i32
        %dma_start3A_139 = tpu.memref_slice %dma_start3A_136[%dma_start3A_137, %dma_start3A_138] : memref<20480x64xf32, #tpu.memory_space<hbm>> -> memref<20480x64xf32, #tpu.memory_space<hbm>>
        tpu.enqueue_indirect_dma source(%dma_start3A_139 : memref<20480x64xf32, #tpu.memory_space<hbm>>) target(%dma_start3A_129 : memref<128x64xf32, #tpu.memory_space<vmem>>) offsets(%dma_start3A_132 : memref<128xi32, #tpu.memory_space<vmem>>) semaphore(%arg11 : memref<!tpu.dma_semaphore, #tpu.memory_space<semaphore_mem>>)
      } else {
      }
      %add3A_119 = arith.constant 1 : i32
      %add3A_120 = arith.addi %add3A_63, %add3A_119 : i32
      %run_scoped3A_121 = arith.constant 1 : i32
      "tpu.region"() ({
        %run_scoped3A_122 = tpu.sem_alloc : memref<!tpu.dma_semaphore, #tpu.memory_space<semaphore_mem>>
        %dma_start3A_123 = arith.constant 0 : i32
        %dma_start3A_124 = arith.constant 0 : i32
        %dma_start3A_125 = tpu.memref_slice %arg9[%run_scoped3A_121, %dma_start3A_123, %dma_start3A_124] : memref<2x128x64xf32, #tpu.memory_space<vmem>> -> memref<1x128x64xf32, #tpu.memory_space<vmem>>
        %dma_start3A_126 = tpu.memref_squeeze %dma_start3A_125 : memref<1x128x64xf32, #tpu.memory_space<vmem>> -> memref<128x64xf32, #tpu.memory_space<vmem>>
        %dma_start3A_127 = arith.constant 0 : i32
        %dma_start3A_128 = tpu.memref_slice %arg8[%add3A_120, %dma_start3A_127] : memref<158x128xi32, #tpu.memory_space<vmem>> -> memref<1x128xi32, #tpu.memory_space<vmem>>
        %dma_start3A_129 = tpu.memref_squeeze %dma_start3A_128 : memref<1x128xi32, #tpu.memory_space<vmem>> -> memref<128xi32, #tpu.memory_space<vmem>>
        %dma_start3A_130 = arith.constant 0 : i32
        %dma_start3A_131 = arith.constant 0 : i32
        %dma_start3A_132 = tpu.memref_slice %arg10[%dma_start3A_130, %dma_start3A_131] : memref<10240x64xf32, #tpu.memory_space<vmem_shared>> -> memref<10240x64xf32, #tpu.memory_space<vmem_shared>>
        tpu.enqueue_indirect_dma source(%dma_start3A_126 : memref<128x64xf32, #tpu.memory_space<vmem>>) target(%dma_start3A_132 : memref<10240x64xf32, #tpu.memory_space<vmem_shared>>) offsets(%dma_start3A_129 : memref<128xi32, #tpu.memory_space<vmem>>) semaphore(%run_scoped3A_122 : memref<!tpu.dma_semaphore, #tpu.memory_space<semaphore_mem>>) {add = true}
        %dma_wait3A_133 = arith.constant 0 : i32
        %dma_wait3A_134 = arith.constant 0 : i32
        %dma_wait3A_135 = tpu.memref_slice %arg9[%run_scoped3A_121, %dma_wait3A_133, %dma_wait3A_134] : memref<2x128x64xf32, #tpu.memory_space<vmem>> -> memref<1x128x64xf32, #tpu.memory_space<vmem>>
        %dma_wait3A_136 = tpu.memref_squeeze %dma_wait3A_135 : memref<1x128x64xf32, #tpu.memory_space<vmem>> -> memref<128x64xf32, #tpu.memory_space<vmem>>
        %dma_wait3A_137 = arith.constant 0 : i32
        %dma_wait3A_138 = tpu.memref_slice %arg8[%add3A_120, %dma_wait3A_137] : memref<158x128xi32, #tpu.memory_space<vmem>> -> memref<1x128xi32, #tpu.memory_space<vmem>>
        %dma_wait3A_139 = tpu.memref_squeeze %dma_wait3A_138 : memref<1x128xi32, #tpu.memory_space<vmem>> -> memref<128xi32, #tpu.memory_space<vmem>>
        %dma_wait3A_140 = arith.constant 0 : i32
        %dma_wait3A_141 = arith.constant 0 : i32
        %dma_wait3A_142 = tpu.memref_slice %arg10[%dma_wait3A_140, %dma_wait3A_141] : memref<10240x64xf32, #tpu.memory_space<vmem_shared>> -> memref<10240x64xf32, #tpu.memory_space<vmem_shared>>
        tpu.wait_indirect_dma semaphore(%run_scoped3A_122 : memref<!tpu.dma_semaphore, #tpu.memory_space<semaphore_mem>>) src(%dma_wait3A_136 : memref<128x64xf32, #tpu.memory_space<vmem>>) dst(%dma_wait3A_142 : memref<10240x64xf32, #tpu.memory_space<vmem_shared>>)
        tpu.yield
      }) : () -> ()
    }
    %scan3A_54 = arith.constant 79 : i32
    %barrier3A_55 = arith.constant 0 : index
    tpu.barrier barrier_id(%barrier3A_55)
    %mul3A_56 = arith.constant 640 : i32
    %mul3A_57 = arith.muli %arg1, %mul3A_56 : i32
    %mul3A_58 = arith.constant 640 : i32
    %mul3A_59 = arith.muli %arg1, %mul3A_58 : i32
    "tpu.region"() ({
      %run_scoped3A = tpu.sem_alloc : memref<!tpu.dma_semaphore, #tpu.memory_space<semaphore_mem>>
      %dma_start3A_60 = arith.constant 0 : i32
      %dma_start3A_61 = arith.constant 0 : i32
      %dma_start3A_62 = tpu.memref_slice %arg6[%arg0, %dma_start3A_60, %dma_start3A_61] : memref<2x10240x128xf32, #tpu.memory_space<hbm>> -> memref<1x10240x128xf32, #tpu.memory_space<hbm>>
      %dma_start3A_63 = tpu.memref_squeeze %dma_start3A_62 : memref<1x10240x128xf32, #tpu.memory_space<hbm>> -> memref<10240x128xf32, #tpu.memory_space<hbm>>
      %dma_start3A_64 = arith.constant 64 : i32
      %dma_start3A_65 = tpu.memref_slice %dma_start3A_63[%mul3A_59, %dma_start3A_64] : memref<10240x128xf32, #tpu.memory_space<hbm>> -> memref<640x64xf32, #tpu.memory_space<hbm>>
      %dma_start3A_66 = arith.constant 0 : i32
      %dma_start3A_67 = tpu.memref_slice %arg10[%mul3A_57, %dma_start3A_66] : memref<10240x64xf32, #tpu.memory_space<vmem_shared>> -> memref<640x64xf32, #tpu.memory_space<vmem_shared>>
      tpu.enqueue_dma source(%dma_start3A_67 : memref<640x64xf32, #tpu.memory_space<vmem_shared>>) target(%dma_start3A_65 : memref<640x64xf32, #tpu.memory_space<hbm>>) target_semaphore(%run_scoped3A : memref<!tpu.dma_semaphore, #tpu.memory_space<semaphore_mem>>)
      %dma_wait3A = arith.constant 0 : i32
      %dma_wait3A_68 = arith.constant 0 : i32
      %dma_wait3A_69 = tpu.memref_slice %arg6[%arg0, %dma_wait3A, %dma_wait3A_68] : memref<2x10240x128xf32, #tpu.memory_space<hbm>> -> memref<1x10240x128xf32, #tpu.memory_space<hbm>>
      %dma_wait3A_70 = tpu.memref_squeeze %dma_wait3A_69 : memref<1x10240x128xf32, #tpu.memory_space<hbm>> -> memref<10240x128xf32, #tpu.memory_space<hbm>>
      %dma_wait3A_71 = arith.constant 64 : i32
      %dma_wait3A_72 = tpu.memref_slice %dma_wait3A_70[%mul3A_59, %dma_wait3A_71] : memref<10240x128xf32, #tpu.memory_space<hbm>> -> memref<640x64xf32, #tpu.memory_space<hbm>>
      %dma_wait3A_73 = arith.constant 0 : i32
      %dma_wait3A_74 = tpu.memref_slice %arg10[%mul3A_57, %dma_wait3A_73] : memref<10240x64xf32, #tpu.memory_space<vmem_shared>> -> memref<640x64xf32, #tpu.memory_space<vmem_shared>>
      tpu.wait_dma2 semaphore(%run_scoped3A : memref<!tpu.dma_semaphore, #tpu.memory_space<semaphore_mem>>) src(%dma_wait3A_74 : memref<640x64xf32, #tpu.memory_space<vmem_shared>>) dst(%dma_wait3A_72 : memref<640x64xf32, #tpu.memory_space<hbm>>)
      tpu.yield
    }) : () -> ()
    return
  }
}

module attributes {stable_mosaic.version = 14 : i64} {
  func.func @_tc_in_body(%arg0: i32, %arg1: i32, %arg2: memref<1x1024x128xf32, #tpu.memory_space<vmem>>, %arg3: memref<1x128x128xf32, #tpu.memory_space<vmem>>, %arg4: memref<1x1024x128xf32, #tpu.memory_space<vmem>>) attributes {dimension_semantics = [#tpu.dimension_semantics<arbitrary>, #tpu.dimension_semantics<arbitrary>], iteration_bounds = array<i64: 2, 10>, scalar_prefetch = 0 : i64, scratch_operands = 0 : i64, tpu.core_type = #tpu.core_type<tc>, window_params = [{transform_indices = @transform_0, window_bounds = array<i64: 1, 1024, 128>}, {transform_indices = @transform_1, window_bounds = array<i64: 1, 128, 128>}, {transform_indices = @transform_2, window_bounds = array<i64: 1, 1024, 128>}]} {
    %get3A = arith.constant 0 : index
    %get3A_0 = arith.constant 0 : index
    %get3A_1 = arith.constant 0 : index
    %get3A_2 = vector.load %arg2[%get3A, %get3A_0, %get3A_1] : memref<1x1024x128xf32, #tpu.memory_space<vmem>>, vector<1x1024x128xf32>
    %get3A_3 = vector.shape_cast %get3A_2 : vector<1x1024x128xf32> to vector<1024x128xf32>
    %get3A_4 = arith.constant 0 : index
    %get3A_5 = arith.constant 0 : index
    %get3A_6 = arith.constant 0 : index
    %get3A_7 = vector.load %arg3[%get3A_4, %get3A_5, %get3A_6] : memref<1x128x128xf32, #tpu.memory_space<vmem>>, vector<1x128x128xf32>
    %get3A_8 = vector.shape_cast %get3A_7 : vector<1x128x128xf32> to vector<128x128xf32>
    %dot_general3A = arith.constant dense<0.000000e+00> : vector<1024x128xf32>
    %dot_general3A_9 = tpu.matmul %get3A_3, %get3A_8, %dot_general3A {dimension_numbers = #tpu.dot_dimension_numbers<[1], [0], [0], [1], [0, 0, 1, 1], [], []>, precision = #tpu.contract_precision<fp32>, transpose_lhs_hint = false} : vector<1024x128xf32>, vector<128x128xf32>, vector<1024x128xf32> -> vector<1024x128xf32>
    %max3A = arith.constant 0.000000e+00 : f32
    %max3A_10 = vector.broadcast %max3A : f32 to vector<1024x128xf32>
    %max3A_11 = arith.maximumf %dot_general3A_9, %max3A_10 : vector<1024x128xf32>
    %swap3A = arith.constant 0 : index
    %swap3A_12 = arith.constant 0 : index
    %swap3A_13 = arith.constant 0 : index
    %swap3A_14 = vector.load %arg4[%swap3A, %swap3A_12, %swap3A_13] : memref<1x1024x128xf32, #tpu.memory_space<vmem>>, vector<1x1024x128xf32>
    %swap3A_15 = vector.shape_cast %swap3A_14 : vector<1x1024x128xf32> to vector<1024x128xf32>
    %swap3A_16 = vector.shape_cast %max3A_11 : vector<1024x128xf32> to vector<1x1024x128xf32>
    tpu.vector_store %arg4[%swap3A, %swap3A_12, %swap3A_13], %swap3A_16 {strides = array<i32>} : memref<1x1024x128xf32, #tpu.memory_space<vmem>>, vector<1x1024x128xf32>,
    return
  }
  func.func @transform_0(%arg0: i32, %arg1: i32) -> (i32, i32, i32) {
    %c0_i32 = arith.constant 0 : i32
    %c0_i32_0 = arith.constant 0 : i32
    return %arg0, %arg1, %c0_i32 : i32, i32, i32
  }
  func.func @transform_1(%arg0: i32, %arg1: i32) -> (i32, i32, i32) {
    %c0_i32 = arith.constant 0 : i32
    %c0_i32_0 = arith.constant 0 : i32
    %c0_i32_1 = arith.constant 0 : i32
    return %arg0, %c0_i32, %c0_i32_0 : i32, i32, i32
  }
  func.func @transform_2(%arg0: i32, %arg1: i32) -> (i32, i32, i32) {
    %c0_i32 = arith.constant 0 : i32
    %c0_i32_0 = arith.constant 0 : i32
    return %arg0, %arg1, %c0_i32 : i32, i32, i32
  }
}

module attributes {stable_mosaic.version = 14 : i64} {
  func.func @_tc_update_body(%arg0: i32, %arg1: i32, %arg2: memref<1x1024x128xf32, #tpu.memory_space<vmem>>, %arg3: memref<1x1024x128xf32, #tpu.memory_space<vmem>>, %arg4: memref<1x128x128xf32, #tpu.memory_space<vmem>>, %arg5: memref<1x1024x128xf32, #tpu.memory_space<vmem>>) attributes {dimension_semantics = [#tpu.dimension_semantics<arbitrary>, #tpu.dimension_semantics<arbitrary>], iteration_bounds = array<i64: 2, 10>, scalar_prefetch = 0 : i64, scratch_operands = 0 : i64, tpu.core_type = #tpu.core_type<tc>, window_params = [{transform_indices = @transform_0, window_bounds = array<i64: 1, 1024, 128>}, {transform_indices = @transform_1, window_bounds = array<i64: 1, 1024, 128>}, {transform_indices = @transform_2, window_bounds = array<i64: 1, 128, 128>}, {transform_indices = @transform_3, window_bounds = array<i64: 1, 1024, 128>}]} {
    %get3A = arith.constant 0 : index
    %get3A_0 = arith.constant 0 : index
    %get3A_1 = arith.constant 0 : index
    %get3A_2 = vector.load %arg3[%get3A, %get3A_0, %get3A_1] : memref<1x1024x128xf32, #tpu.memory_space<vmem>>, vector<1x1024x128xf32>
    %get3A_3 = vector.shape_cast %get3A_2 : vector<1x1024x128xf32> to vector<1024x128xf32>
    %get3A_4 = arith.constant 0 : index
    %get3A_5 = arith.constant 0 : index
    %get3A_6 = arith.constant 0 : index
    %get3A_7 = vector.load %arg2[%get3A_4, %get3A_5, %get3A_6] : memref<1x1024x128xf32, #tpu.memory_space<vmem>>, vector<1x1024x128xf32>
    %get3A_8 = vector.shape_cast %get3A_7 : vector<1x1024x128xf32> to vector<1024x128xf32>
    %get3A_9 = arith.constant 0 : index
    %get3A_10 = arith.constant 0 : index
    %get3A_11 = arith.constant 0 : index
    %get3A_12 = vector.load %arg4[%get3A_9, %get3A_10, %get3A_11] : memref<1x128x128xf32, #tpu.memory_space<vmem>>, vector<1x128x128xf32>
    %get3A_13 = vector.shape_cast %get3A_12 : vector<1x128x128xf32> to vector<128x128xf32>
    %dot_general3A = arith.constant dense<0.000000e+00> : vector<1024x128xf32>
    %dot_general3A_14 = tpu.matmul %get3A_8, %get3A_13, %dot_general3A {dimension_numbers = #tpu.dot_dimension_numbers<[1], [0], [0], [1], [0, 0, 1, 1], [], []>, precision = #tpu.contract_precision<fp32>, transpose_lhs_hint = false} : vector<1024x128xf32>, vector<128x128xf32>, vector<1024x128xf32> -> vector<1024x128xf32>
    %add3A = arith.addf %get3A_3, %dot_general3A_14 : vector<1024x128xf32>
    %max3A = arith.constant 0.000000e+00 : f32
    %max3A_15 = vector.broadcast %max3A : f32 to vector<1024x128xf32>
    %max3A_16 = arith.maximumf %add3A, %max3A_15 : vector<1024x128xf32>
    %swap3A = arith.constant 0 : index
    %swap3A_17 = arith.constant 0 : index
    %swap3A_18 = arith.constant 0 : index
    %swap3A_19 = vector.load %arg5[%swap3A, %swap3A_17, %swap3A_18] : memref<1x1024x128xf32, #tpu.memory_space<vmem>>, vector<1x1024x128xf32>
    %swap3A_20 = vector.shape_cast %swap3A_19 : vector<1x1024x128xf32> to vector<1024x128xf32>
    %swap3A_21 = vector.shape_cast %max3A_16 : vector<1024x128xf32> to vector<1x1024x128xf32>
    tpu.vector_store %arg5[%swap3A, %swap3A_17, %swap3A_18], %swap3A_21 {strides = array<i32>} : memref<1x1024x128xf32, #tpu.memory_space<vmem>>, vector<1x1024x128xf32>,
    return
  }
  func.func @transform_0(%arg0: i32, %arg1: i32) -> (i32, i32, i32) {
    %c0_i32 = arith.constant 0 : i32
    %c0_i32_0 = arith.constant 0 : i32
    return %arg0, %arg1, %c0_i32 : i32, i32, i32
  }
  func.func @transform_1(%arg0: i32, %arg1: i32) -> (i32, i32, i32) {
    %c0_i32 = arith.constant 0 : i32
    %c0_i32_0 = arith.constant 0 : i32
    return %arg0, %arg1, %c0_i32 : i32, i32, i32
  }
  func.func @transform_2(%arg0: i32, %arg1: i32) -> (i32, i32, i32) {
    %c0_i32 = arith.constant 0 : i32
    %c0_i32_0 = arith.constant 0 : i32
    %c0_i32_1 = arith.constant 0 : i32
    return %arg0, %c0_i32, %c0_i32_0 : i32, i32, i32
  }
  func.func @transform_3(%arg0: i32, %arg1: i32) -> (i32, i32, i32) {
    %c0_i32 = arith.constant 0 : i32
    %c0_i32_0 = arith.constant 0 : i32
    return %arg0, %arg1, %c0_i32 : i32, i32, i32
  }
}

module attributes {stable_mosaic.version = 14 : i64} {
  func.func @_tc_readout_body(%arg0: i32, %arg1: i32, %arg2: memref<1x1024x128xf32, #tpu.memory_space<vmem>>, %arg3: memref<1024x1xi32, #tpu.memory_space<vmem>>, %arg4: memref<1x128x128xf32, #tpu.memory_space<vmem>>, %arg5: memref<128x128xf32, #tpu.memory_space<vmem>>, %arg6: memref<128x128xf32, #tpu.memory_space<vmem>>) attributes {dimension_semantics = [#tpu.dimension_semantics<arbitrary>, #tpu.dimension_semantics<arbitrary>], iteration_bounds = array<i64: 2, 10>, scalar_prefetch = 0 : i64, scratch_operands = 2 : i64, tpu.core_type = #tpu.core_type<tc>, window_params = [{transform_indices = @transform_0, window_bounds = array<i64: 1, 1024, 128>}, {transform_indices = @transform_1, window_bounds = array<i64: 1024, 1>}, {transform_indices = @transform_2, window_bounds = array<i64: 1, 128, 128>}]} {
    %eq3A = arith.constant 0 : i32
    %eq3A_0 = arith.cmpi eq, %arg1, %eq3A : i32
    %convert_element_type3A = arith.extui %eq3A_0 : i1 to i32
    %cond3A = arith.constant 0 : i32
    %cond3A_1 = arith.cmpi ne, %convert_element_type3A, %cond3A : i32
    scf.if %cond3A_1 {
      %broadcast_in_dim3A_34 = arith.constant 0.000000e+00 : f32
      %broadcast_in_dim3A_35 = vector.broadcast %broadcast_in_dim3A_34 : f32 to vector<128x128xf32>
      %swap3A_36 = arith.constant 0 : index
      %swap3A_37 = arith.constant 0 : index
      %swap3A_38 = vector.load %arg5[%swap3A_36, %swap3A_37] : memref<128x128xf32, #tpu.memory_space<vmem>>, vector<128x128xf32>
      tpu.vector_store %arg5[%swap3A_36, %swap3A_37], %broadcast_in_dim3A_35 {strides = array<i32>} : memref<128x128xf32, #tpu.memory_space<vmem>>, vector<128x128xf32>,
      %broadcast_in_dim3A_39 = arith.constant 0.000000e+00 : f32
      %broadcast_in_dim3A_40 = vector.broadcast %broadcast_in_dim3A_39 : f32 to vector<128x128xf32>
      %swap3A_41 = arith.constant 0 : index
      %swap3A_42 = arith.constant 0 : index
      %swap3A_43 = vector.load %arg6[%swap3A_41, %swap3A_42] : memref<128x128xf32, #tpu.memory_space<vmem>>, vector<128x128xf32>
      tpu.vector_store %arg6[%swap3A_41, %swap3A_42], %broadcast_in_dim3A_40 {strides = array<i32>} : memref<128x128xf32, #tpu.memory_space<vmem>>, vector<128x128xf32>,
    } else {
    }
    %get3A = arith.constant 0 : index
    %get3A_2 = arith.constant 0 : index
    %get3A_3 = vector.load %arg3[%get3A, %get3A_2] : memref<1024x1xi32, #tpu.memory_space<vmem>>, vector<1024x1xi32>
    %iota3A = tpu.iota {dimensions = array<i32: 1>} : vector<1024x128xi32>
    %eq3A_4 = vector.broadcast %get3A_3 : vector<1024x1xi32> to vector<1024x128xi32>
    %eq3A_5 = arith.cmpi eq, %eq3A_4, %iota3A : vector<1024x128xi32>
    %convert_element_type3A_6 = arith.extui %eq3A_5 : vector<1024x128xi1> to vector<1024x128xi32>
    %convert_element_type3A_7 = arith.sitofp %convert_element_type3A_6 : vector<1024x128xi32> to vector<1024x128xf32>
    %get3A_8 = arith.constant 0 : index
    %get3A_9 = arith.constant 0 : index
    %get3A_10 = vector.load %arg5[%get3A_8, %get3A_9] : memref<128x128xf32, #tpu.memory_space<vmem>>, vector<128x128xf32>
    %get3A_11 = arith.constant 0 : index
    %get3A_12 = arith.constant 0 : index
    %get3A_13 = arith.constant 0 : index
    %get3A_14 = vector.load %arg2[%get3A_11, %get3A_12, %get3A_13] : memref<1x1024x128xf32, #tpu.memory_space<vmem>>, vector<1x1024x128xf32>
    %get3A_15 = vector.shape_cast %get3A_14 : vector<1x1024x128xf32> to vector<1024x128xf32>
    %dot_general3A = arith.constant dense<0.000000e+00> : vector<128x128xf32>
    %dot_general3A_16 = tpu.matmul %convert_element_type3A_7, %get3A_15, %dot_general3A {dimension_numbers = #tpu.dot_dimension_numbers<[0], [0], [1], [1], [0, 1, 1, 1], [], []>, precision = #tpu.contract_precision<fp32>, transpose_lhs_hint = false} : vector<1024x128xf32>, vector<1024x128xf32>, vector<128x128xf32> -> vector<128x128xf32>
    %add3A = arith.addf %get3A_10, %dot_general3A_16 : vector<128x128xf32>
    %swap3A = arith.constant 0 : index
    %swap3A_17 = arith.constant 0 : index
    %swap3A_18 = vector.load %arg5[%swap3A, %swap3A_17] : memref<128x128xf32, #tpu.memory_space<vmem>>, vector<128x128xf32>
    tpu.vector_store %arg5[%swap3A, %swap3A_17], %add3A {strides = array<i32>} : memref<128x128xf32, #tpu.memory_space<vmem>>, vector<128x128xf32>,
    %get3A_19 = arith.constant 0 : index
    %get3A_20 = arith.constant 0 : index
    %get3A_21 = vector.load %arg6[%get3A_19, %get3A_20] : memref<128x128xf32, #tpu.memory_space<vmem>>, vector<128x128xf32>
    %broadcast_in_dim3A = arith.constant 1.000000e+00 : f32
    %broadcast_in_dim3A_22 = vector.broadcast %broadcast_in_dim3A : f32 to vector<1024x128xf32>
    %dot_general3A_23 = arith.constant dense<0.000000e+00> : vector<128x128xf32>
    %dot_general3A_24 = tpu.matmul %convert_element_type3A_7, %broadcast_in_dim3A_22, %dot_general3A_23 {dimension_numbers = #tpu.dot_dimension_numbers<[0], [0], [1], [1], [0, 1, 1, 1], [], []>, precision = #tpu.contract_precision<fp32>, transpose_lhs_hint = false} : vector<1024x128xf32>, vector<1024x128xf32>, vector<128x128xf32> -> vector<128x128xf32>
    %add3A_25 = arith.addf %get3A_21, %dot_general3A_24 : vector<128x128xf32>
    %swap3A_26 = arith.constant 0 : index
    %swap3A_27 = arith.constant 0 : index
    %swap3A_28 = vector.load %arg6[%swap3A_26, %swap3A_27] : memref<128x128xf32, #tpu.memory_space<vmem>>, vector<128x128xf32>
    tpu.vector_store %arg6[%swap3A_26, %swap3A_27], %add3A_25 {strides = array<i32>} : memref<128x128xf32, #tpu.memory_space<vmem>>, vector<128x128xf32>,
    %eq3A_29 = arith.constant 9 : i32
    %eq3A_30 = arith.cmpi eq, %arg1, %eq3A_29 : i32
    %convert_element_type3A_31 = arith.extui %eq3A_30 : i1 to i32
    %cond3A_32 = arith.constant 0 : i32
    %cond3A_33 = arith.cmpi ne, %convert_element_type3A_31, %cond3A_32 : i32
    scf.if %cond3A_33 {
      %get3A_34 = arith.constant 0 : index
      %get3A_35 = arith.constant 0 : index
      %get3A_36 = vector.load %arg5[%get3A_34, %get3A_35] : memref<128x128xf32, #tpu.memory_space<vmem>>, vector<128x128xf32>
      %get3A_37 = arith.constant 0 : index
      %get3A_38 = arith.constant 0 : index
      %get3A_39 = vector.load %arg6[%get3A_37, %get3A_38] : memref<128x128xf32, #tpu.memory_space<vmem>>, vector<128x128xf32>
      %max3A = arith.constant 1.000000e+00 : f32
      %max3A_40 = vector.broadcast %max3A : f32 to vector<128x128xf32>
      %max3A_41 = arith.maximumf %get3A_39, %max3A_40 : vector<128x128xf32>
      %div3A = arith.divf %get3A_36, %max3A_41 : vector<128x128xf32>
      %swap3A_42 = arith.constant 0 : index
      %swap3A_43 = arith.constant 0 : index
      %swap3A_44 = arith.constant 0 : index
      %swap3A_45 = vector.load %arg4[%swap3A_42, %swap3A_43, %swap3A_44] : memref<1x128x128xf32, #tpu.memory_space<vmem>>, vector<1x128x128xf32>
      %swap3A_46 = vector.shape_cast %swap3A_45 : vector<1x128x128xf32> to vector<128x128xf32>
      %swap3A_47 = vector.shape_cast %div3A : vector<128x128xf32> to vector<1x128x128xf32>
      tpu.vector_store %arg4[%swap3A_42, %swap3A_43, %swap3A_44], %swap3A_47 {strides = array<i32>} : memref<1x128x128xf32, #tpu.memory_space<vmem>>, vector<1x128x128xf32>,
    } else {
    }
    return
  }
  func.func @transform_0(%arg0: i32, %arg1: i32) -> (i32, i32, i32) {
    %c0_i32 = arith.constant 0 : i32
    %c0_i32_0 = arith.constant 0 : i32
    return %arg0, %arg1, %c0_i32 : i32, i32, i32
  }
  func.func @transform_1(%arg0: i32, %arg1: i32) -> (i32, i32) {
    %c0_i32 = arith.constant 0 : i32
    %c0_i32_0 = arith.constant 0 : i32
    return %arg1, %c0_i32 : i32, i32
  }
  func.func @transform_2(%arg0: i32, %arg1: i32) -> (i32, i32, i32) {
    %c0_i32 = arith.constant 0 : i32
    %c0_i32_0 = arith.constant 0 : i32
    %c0_i32_1 = arith.constant 0 : i32
    return %arg0, %c0_i32, %c0_i32_0 : i32, i32, i32
  }
}

module attributes {stable_mosaic.version = 14 : i64} {
  func.func @_tc_mlp_body(%arg0: memref<2x128x128xf32, #tpu.memory_space<vmem>>, %arg1: memref<128x300xf32, #tpu.memory_space<vmem>>, %arg2: memref<128x300xf32, #tpu.memory_space<vmem>>, %arg3: memref<1x300xf32, #tpu.memory_space<vmem>>, %arg4: memref<300x300xf32, #tpu.memory_space<vmem>>, %arg5: memref<1x300xf32, #tpu.memory_space<vmem>>, %arg6: memref<1x300xf32, #tpu.memory_space<vmem>>, %arg7: memref<1x1xf32, #tpu.memory_space<vmem>>, %arg8: memref<128x1xf32, #tpu.memory_space<vmem>>) attributes {dimension_semantics = [], scalar_prefetch = 0 : i64, scratch_operands = 0 : i64, tpu.core_type = #tpu.core_type<tc>} {
    %get3A = arith.constant 0 : index
    %get3A_0 = arith.constant 0 : index
    %get3A_1 = arith.constant 0 : index
    %get3A_2 = vector.load %arg0[%get3A, %get3A_0, %get3A_1] : memref<2x128x128xf32, #tpu.memory_space<vmem>>, vector<1x128x128xf32>
    %get3A_3 = vector.shape_cast %get3A_2 : vector<1x128x128xf32> to vector<128x128xf32>
    %get3A_4 = arith.constant 0 : index
    %get3A_5 = arith.constant 0 : index
    %get3A_6 = vector.load %arg1[%get3A_4, %get3A_5] : memref<128x300xf32, #tpu.memory_space<vmem>>, vector<128x300xf32>
    %dot_general3A = arith.constant dense<0.000000e+00> : vector<128x300xf32>
    %dot_general3A_7 = tpu.matmul %get3A_3, %get3A_6, %dot_general3A {dimension_numbers = #tpu.dot_dimension_numbers<[1], [0], [0], [1], [0, 0, 1, 1], [], []>, precision = #tpu.contract_precision<fp32>, transpose_lhs_hint = false} : vector<128x128xf32>, vector<128x300xf32>, vector<128x300xf32> -> vector<128x300xf32>
    %get3A_8 = arith.constant 1 : index
    %get3A_9 = arith.constant 0 : index
    %get3A_10 = arith.constant 0 : index
    %get3A_11 = vector.load %arg0[%get3A_8, %get3A_9, %get3A_10] : memref<2x128x128xf32, #tpu.memory_space<vmem>>, vector<1x128x128xf32>
    %get3A_12 = vector.shape_cast %get3A_11 : vector<1x128x128xf32> to vector<128x128xf32>
    %get3A_13 = arith.constant 0 : index
    %get3A_14 = arith.constant 0 : index
    %get3A_15 = vector.load %arg2[%get3A_13, %get3A_14] : memref<128x300xf32, #tpu.memory_space<vmem>>, vector<128x300xf32>
    %dot_general3A_16 = arith.constant dense<0.000000e+00> : vector<128x300xf32>
    %dot_general3A_17 = tpu.matmul %get3A_12, %get3A_15, %dot_general3A_16 {dimension_numbers = #tpu.dot_dimension_numbers<[1], [0], [0], [1], [0, 0, 1, 1], [], []>, precision = #tpu.contract_precision<fp32>, transpose_lhs_hint = false} : vector<128x128xf32>, vector<128x300xf32>, vector<128x300xf32> -> vector<128x300xf32>
    %add3A = arith.addf %dot_general3A_7, %dot_general3A_17 : vector<128x300xf32>
    %get3A_18 = arith.constant 0 : index
    %get3A_19 = arith.constant 0 : index
    %get3A_20 = vector.load %arg3[%get3A_18, %get3A_19] : memref<1x300xf32, #tpu.memory_space<vmem>>, vector<1x300xf32>
    %add3A_21 = vector.broadcast %get3A_20 : vector<1x300xf32> to vector<128x300xf32>
    %add3A_22 = arith.addf %add3A, %add3A_21 : vector<128x300xf32>
    %max3A = arith.constant 0.000000e+00 : f32
    %max3A_23 = vector.broadcast %max3A : f32 to vector<128x300xf32>
    %max3A_24 = arith.maximumf %add3A_22, %max3A_23 : vector<128x300xf32>
    %get3A_25 = arith.constant 0 : index
    %get3A_26 = arith.constant 0 : index
    %get3A_27 = vector.load %arg4[%get3A_25, %get3A_26] : memref<300x300xf32, #tpu.memory_space<vmem>>, vector<300x300xf32>
    %dot_general3A_28 = arith.constant dense<0.000000e+00> : vector<128x300xf32>
    %dot_general3A_29 = tpu.matmul %max3A_24, %get3A_27, %dot_general3A_28 {dimension_numbers = #tpu.dot_dimension_numbers<[1], [0], [0], [1], [0, 0, 1, 1], [], []>, precision = #tpu.contract_precision<fp32>, transpose_lhs_hint = false} : vector<128x300xf32>, vector<300x300xf32>, vector<128x300xf32> -> vector<128x300xf32>
    %get3A_30 = arith.constant 0 : index
    %get3A_31 = arith.constant 0 : index
    %get3A_32 = vector.load %arg5[%get3A_30, %get3A_31] : memref<1x300xf32, #tpu.memory_space<vmem>>, vector<1x300xf32>
    %add3A_33 = vector.broadcast %get3A_32 : vector<1x300xf32> to vector<128x300xf32>
    %add3A_34 = arith.addf %dot_general3A_29, %add3A_33 : vector<128x300xf32>
    %max3A_35 = arith.constant 0.000000e+00 : f32
    %max3A_36 = vector.broadcast %max3A_35 : f32 to vector<128x300xf32>
    %max3A_37 = arith.maximumf %add3A_34, %max3A_36 : vector<128x300xf32>
    %get3A_38 = arith.constant 0 : index
    %get3A_39 = arith.constant 0 : index
    %get3A_40 = vector.load %arg6[%get3A_38, %get3A_39] : memref<1x300xf32, #tpu.memory_space<vmem>>, vector<1x300xf32>
    %mul3A = vector.broadcast %get3A_40 : vector<1x300xf32> to vector<128x300xf32>
    %mul3A_41 = arith.mulf %max3A_37, %mul3A : vector<128x300xf32>
    %reduce_sum3A = arith.constant dense<0.000000e+00> : vector<128xf32>
    %reduce_sum3A_42 = vector.multi_reduction <add>, %mul3A_41, %reduce_sum3A [1] : vector<128x300xf32> to vector<128xf32>
    %broadcast_in_dim3A = vector.shape_cast %reduce_sum3A_42 : vector<128xf32> to vector<128x1xf32>
    %get3A_43 = arith.constant 0 : index
    %get3A_44 = arith.constant 0 : index
    %get3A_45 = vector.load %arg7[%get3A_43, %get3A_44] : memref<1x1xf32, #tpu.memory_space<vmem>>, vector<1x1xf32>
    %add3A_46 = vector.broadcast %get3A_45 : vector<1x1xf32> to vector<128x1xf32>
    %add3A_47 = arith.addf %broadcast_in_dim3A, %add3A_46 : vector<128x1xf32>
    %swap3A = arith.constant 0 : index
    %swap3A_48 = arith.constant 0 : index
    %swap3A_49 = vector.load %arg8[%swap3A, %swap3A_48] : memref<128x1xf32, #tpu.memory_space<vmem>>, vector<128x1xf32>
    tpu.vector_store %arg8[%swap3A, %swap3A_48], %add3A_47 {strides = array<i32>} : memref<128x1xf32, #tpu.memory_space<vmem>>, vector<128x1xf32>,
    return
  }
}

</mosaic_0001>

<sc_bundles>
// kernel: kernel.11.cloned.1.call-start
scs
__scs_entry_jumppad:
0x0: {  	(pc) =	sbr.rel $0x88, $3  }
0x1: {  	(tag) =	ssettag $0x0;
	lr =	simm.s32 $0x1  }
0x2: {  	[smem:$0x3F92] =	sst lr;
	_ =	strace $0xD0000000  }
0x3: {  	_ = 	snop  }
0x4: {  	_ = 	snop  }
0x5: {  	_ = 	snop  }
0x6: {  	_ = 	snop  }
0x7: {  	_ = 	snop  }
__scs_overlays_trampoline_lowered:
0x8: {  	[smem:$0x3FA1] =	sst s0  }
0x9: {  	[smem:$0x3FA2] =	sst s1  }
0xa: {  	[smem:$0x3FA3] =	sst s2  }
0xb: {  	[smem:$0x3FA4] =	sst s3  }
0xc: {  	[smem:$0x3FA5] =	sst s4  }
0xd: {  	[smem:$0x3FA6] =	sst s5  }
0xe: {  	[smem:$0x3FA7] =	sst s6  }
0xf: {  	[smem:$0x3FA8] =	sst s7  }
0x10: {  	[smem:$0x3FA9] =	sst s8  }
0x11: {  	[smem:$0x3FAA] =	sst s9;
	s0 =	simm.s32 @!p0 $0x0  }
0x12: {  	s1 =	sld [smem:$0x3F90];
	s0 =	simm.s32 @p0 $0x1  }
0x13: {  	[smem:$0x3FAB] =	sst s0;
	s0 =	simm.s32 @!p1 $0x0  }
0x14: {  	s2 =	sld [smem:$0x3F8F];
	s0 =	simm.s32 @p1 $0x1  }
0x15: {  	[smem:$0x3FAC] =	sst s0;
	s0 =	simm.s32 @!p2 $0x0  }
0x16: {  	s3 =	sld [smem:$0x3FDB];
	s0 =	simm.s32 @p2 $0x1  }
0x17: {  	s4 =	simm.s32 $0x1BF5;
	[smem:$0x3FAE] =	sst s0  }
0x18: {  	s0 =	sld [smem:$0x3F91];
	_ =	swait.ge [sflag:s4], $0x0  }
0x19: {  	s7 =	sld [smem:$0x3F92]  }
0x1a: {  	s8 =	sadd.s32 $0xFFFFE003, lr  }
0x1b: {  	s9 =	sadd.s32 $0xFFFFFEF7, lr;
	s5 =	simm.s32 $0xFFFFFFFF;
	p2 =	slt.u32 s8, $0xFFFFF086  }
0x1c: {  	p1 =	slt.u32 s9, $0xF7A;
	s5 =	simm.s32 @!p2 $0x0  }
0x1d: {  	s5 =	simm.s32 @p1 $0x1;
	p0 =	seq.s32 s7, s2  }
0x1e: {  	s7 =	smul.u32 @!p0 $0xF7A, s2;
	p2 =	seq.s32 @!p0 s5, $0x0  }
0x1f: {  	s9 =	smul.u32 $0xF7A, s1;
	s8 =	simm.s32 @!p0 $0x1BF5;
	p2 =	por !p2, p0  }
0x20: {  	[sflag:s8] =	ssyncset.s32 @!p0 $0xFFFFF086;
	s6 =	sadd.s32 @!p0 s3, s7;
	s7 =	simm.s32 @!p0 $0x108  }
0x21: {  	s3 =	sadd.s32 s3, s9;
	s6 =	sadd.s32 @!p0 $0x88, s6;
	s7 =	simm.s32 @p2 $0x1082  }
0x22: {  	[simem:s7], [sflag:s8] =	dma.local @!p0 [hbm:s6], $0xF7A  }
0x23: {  	s9 =	sor.u32 $0xD0000000, s2;
	s6 =	simm.s32 $0x108;
	_ =	swait.ge @!p0 [sflag:s8], $0x0  }
0x24: {  	s3 =	sadd.s32 $0x88, s3;
	s6 =	simm.s32 @!p1 $0x1082;
	[sflag:s4] =	ssyncset.s32 $0xFFFFF086  }
0x25: {  	[simem:s6], [sflag:s4] =	dma.local [hbm:s3], $0xF7A  }
0x26: {  	[smem:$0x3F92] =	sst s1;
	(tag) =	ssettag s2;
	_ =	strace s9  }
0x27: {  	s1 =	sld [smem:$0x3FA2]  }
0x28: {  	s2 =	sld [smem:$0x3FA3]  }
0x29: {  	s4 =	sld [smem:$0x3FA5]  }
0x2a: {  	p0 =	seq.s32 s5, $0x0;
	s5 =	sld [smem:$0x3FA6]  }
0x2b: {  	s6 =	sld [smem:$0x3FA7]  }
0x2c: {  	s7 =	sld [smem:$0x3FA8]  }
0x2d: {  	s3 =	simm.s32 $0x108;
	s8 =	sld [smem:$0x3FA9]  }
0x2e: {  	s3 =	simm.s32 @!p0 $0x1082;
	s9 =	sld [smem:$0x3FAA]  }
0x2f: {  	lr =	sadd.s32 s0, s3;
	s0 =	sld [smem:$0x3FA1]  }
0x30: {  	s3 =	sld [smem:$0x3FA4]  }
0x31: {  	[smem:$0x3FAD] =	sst s10  }
0x32: {  	s10 =	sld [smem:$0x3FAB];
	_ =	sdelay $0x3  }
0x33: {  	p0 =	seq.s32 s10, $0x1;
	s10 =	sld [smem:$0x3FAD];
	_ =	sdelay $0x3  }
0x34: {  	[smem:$0x3FAD] =	sst s10  }
0x35: {  	s10 =	sld [smem:$0x3FAC];
	_ =	sdelay $0x3  }
0x36: {  	p1 =	seq.s32 s10, $0x1;
	s10 =	sld [smem:$0x3FAD];
	_ =	sdelay $0x3  }
0x37: {  	[smem:$0x3FAD] =	sst s10  }
0x38: {  	s10 =	sld [smem:$0x3FAE]  }
0x39: {  	_ = 	snop;
	(pc) =	sbr.ind lr, $3  }
0x3a: {  	_ = 	snop  }
0x3b: {  	_ = 	snop  }
0x3c: {  	p2 =	seq.s32 s10, $0x1;
	s10 =	sld [smem:$0x3FAD]  }
0x3d: {  	_ =	shalt  }
0x3e: {  	_ =	shalt  }
0x3f: {  	_ =	shalt  }
0x40: {  	_ =	shalt  }
0x41: {  	_ =	shalt  }
0x42: {  	_ =	shalt  }
0x43: {  	_ =	shalt  }
0x44: {  	_ =	shalt  }
0x45: {  	_ =	shalt  }
0x46: {  	_ =	shalt  }
0x47: {  	_ =	shalt  }
0x48: {  	_ =	shalt  }
0x49: {  	_ =	shalt  }
0x4a: {  	_ =	shalt  }
0x4b: {  	_ =	shalt  }
0x4c: {  	_ =	shalt  }
0x4d: {  	_ =	shalt  }
0x4e: {  	_ =	shalt  }
0x4f: {  	_ =	shalt  }
0x50: {  	_ =	shalt  }
0x51: {  	_ =	shalt  }
0x52: {  	_ =	shalt  }
0x53: {  	_ =	shalt  }
0x54: {  	_ =	shalt  }
0x55: {  	_ =	shalt  }
0x56: {  	_ =	shalt  }
0x57: {  	_ =	shalt  }
0x58: {  	_ =	shalt  }
0x59: {  	_ =	shalt  }
0x5a: {  	_ =	shalt  }
0x5b: {  	_ =	shalt  }
0x5c: {  	_ =	shalt  }
0x5d: {  	_ =	shalt  }
0x5e: {  	_ =	shalt  }
0x5f: {  	_ =	shalt  }
0x60: {  	_ =	shalt  }
0x61: {  	_ =	shalt  }
0x62: {  	_ =	shalt  }
0x63: {  	_ =	shalt  }
0x64: {  	_ =	shalt  }
0x65: {  	_ =	shalt  }
0x66: {  	_ =	shalt  }
0x67: {  	_ =	shalt  }
0x68: {  	_ =	shalt  }
0x69: {  	_ =	shalt  }
0x6a: {  	_ =	shalt  }
0x6b: {  	_ =	shalt  }
0x6c: {  	_ =	shalt  }
0x6d: {  	_ =	shalt  }
0x6e: {  	_ =	shalt  }
0x6f: {  	_ =	shalt  }
0x70: {  	_ =	shalt  }
0x71: {  	_ =	shalt  }
0x72: {  	_ =	shalt  }
0x73: {  	_ =	shalt  }
0x74: {  	_ =	shalt  }
0x75: {  	_ =	shalt  }
0x76: {  	_ =	shalt  }
0x77: {  	_ =	shalt  }
0x78: {  	_ =	shalt  }
0x79: {  	_ =	shalt  }
0x7a: {  	_ =	shalt  }
0x7b: {  	_ =	shalt  }
0x7c: {  	_ =	shalt  }
0x7d: {  	_ =	shalt  }
0x7e: {  	_ =	shalt  }
0x7f: {  	_ =	shalt  }
0x80: {  	_ =	shalt  }
0x81: {  	_ =	shalt  }
0x82: {  	_ =	shalt  }
0x83: {  	_ =	shalt  }
0x84: {  	_ =	shalt  }
0x85: {  	_ =	shalt  }
0x86: {  	_ =	shalt  }
0x87: {  	_ =	shalt  }
.Lfunc_end0:
.L_simem_size_0:
called_computation_lowered:
.L_overlay_start_0:
0x88: {  	s2 =	sld [smem:$0x3FD9]  }
0x89: {  	s3 =	sld [smem:$0x3FFE];
	_ =	sdelay $0x1  }
0x8a: {  	s1 =	srdreg.scid  }
0x8b: {  	s0 =	sand.u32 $0x1, s1  }
0x8c: {  	s16 =	sshll.u32 s0, $0xA;
	s2 =	sadd.s32 s3, s2  }
0x8d: {  	s2 =	sadd.s32 s2, s16  }
0x8e: {  	[smem:$0x3FB9] =	sst s2  }
0x8f: {  	_ = 	snop  }
0x90: {  	(tm) =	ssettm $0x1  }
0x91: {  	s17 =	sld [smem:$0x3FFB];
	_ =	sdelay $0x3  }
0x92: {  	_ =	strace s17  }
0x93: {  	s2 =	sld [smem:$0x3FFC];
	_ =	sdelay $0x3  }
0x94: {  	_ =	strace s2  }
0x95: {  	s2 =	sld [smem:$0x3FFD];
	_ =	sdelay $0x3  }
0x96: {  	_ =	strace s2  }
0x97: {  	_ =	strace $0x8FFFFFFF  }
0x98: {  	s18 =	sld [smem:$0x3FDB];
	_ =	sdelay $0x1  }
0x99: {  	s19 =	simm.s32 $_scs_section_size  }
0x9a: {  	s4 =	simm.s32 $_size__tile_overlayer_lowered;
	s5 =	simm.s32 $_tile_overlayer_lowered  }
0x9b: {  	s22 =	simm.s32 $0x1BFF;
	s21 =	sshll.u32 s5, $0x1;
	s2 =	sadd.s32 s19, s18  }
0x9c: {  	s6 =	simm.s32 $0x0;
	s20 =	sshll.u32 s4, $0x1;
	s4 =	sadd.s32 s21, s2  }
0x9d: {  	[timem:s6], [sflag:s22] =	dma.local [hbm:s4], s20  }
0x9e: {  	_ =	swait.ge [sflag:s22], s20  }
0x9f: {  	s3 =	ssub.s32 $0x0, s20;
	[sflag:s22] =	ssyncset.done $0x0  }
0xa0: {  	[sflag:s22] =	ssyncadd.s32 s3;
	_ =	sdelay $0x1  }
0xa1: {  	s23 =	simm.s32 $0x1B8B  }
0xa2: {  	_ =	swait.ge [sflag:s23], $0x1  }
0xa3: {  	[sflag:s23] =	ssyncset.done $0x0  }
0xa4: {  	s25 =	simm.s32 $0x1B8E;
	s24 =	sld [smem:$0x3FFE];
	[sflag:s23] =	ssyncadd.s32 $0xFFFFFFFF  }
0xa5: {  	s26 =	simm.s32 $execute0_lowered;
	[smem:$0x3FD2] =	sst s25  }
0xa6: {  	s4 =	sshll.u32 s26, $0x1;
	_ =	strace $0x80000046;
	[dreg:$0x1] =	wrdreg $0xFFFFFFFF  }
0xa7: {  	s28 =	simm.s32 $_size_execute0_lowered;
	s2 =	sadd.s32 s2, s4;
	[dreg:$0x0] =	wrdreg $0x0  }
0xa8: {  	s4 =	sshll.u32 s28, $0x1;
	[dreg:$0x2] =	wrdreg s2  }
0xa9: {  	[dreg:$0x3] =	wrdreg s4  }
0xaa: {  	[dreg:$0x4] =	wrdreg $0xC0  }
0xab: {  	_ =	task [dreg:s6], $0x5FFFF  }
0xac: {  	[dreg:$0x1] =	wrdreg $0xFFFFFFFF  }
0xad: {  	[dreg:$0x0] =	wrdreg $0x60  }
0xae: {  	[dreg:$0x2] =	wrdreg s24  }
0xaf: {  	[dreg:$0x3] =	wrdreg $0x12D000  }
0xb0: {  	[dreg:$0x4] =	wrdreg $0x9  }
0xb1: {  	_ =	task.clear_ibuf [dreg:s6], $0x5FFFF;
	_ =	strace $0x90000046  }
0xb2: {  	s29 =	simm.s32 $0x9;
	_ =	strace $0x80000048  }
0xb3: {  	_ =	swait.ge [sflag:s29], $0x1  }
0xb4: {  	[sflag:s29] =	ssyncadd.s32 $0xFFFFFFFF  }
0xb5: {  	_ =	strace $0x90000048  }
0xb6: {  	_ =	sfence  }
0xb7: {  	s30 =	sld [smem:$0x0];
	_ =	sdelay $0x2  }
0xb8: {  	s31 =	sshll.u32 s1, $0xD;
	s1 =	sshrl.u32 s1, $0x2  }
0xb9: {  	s3 =	sand.u32 $0x4000, s31;
	s1 =	sadd.s32 s1, s30  }
0xba: {  	s0 =	sor.u32 s3, s0;
	s1 =	sshll.u32 s1, $0x11  }
0xbb: {  	s0 =	sor.u32 s1, s0  }
0xbc: {  	s0 =	sadd.s32 $0x8F2B, s0  }
0xbd: {  	[sflag:s0] =	ssyncadd.remote.s32 $0x1  }
0xbe: {  	_ =	sfence.sel $0xFFFF  }
0xbf: {  	[dreg:$0x0] =	wrdreg $0xFFFFFFFF;
	(pc) =	sbr.abs _section_cstart, $3  }
0xc0: {  	[dreg:$0x1] =	wrdreg $0xFFFFFFFF  }
0xc1: {  	_ =	task.clear_ibuf [dreg:s6], $0x2FFFF;
	_ =	strace $0x9FFFFFFF  }
0xc2: {  	(tm) =	ssettm $0x7FFFFFFF  }
0xc3: {  	_ =	shalt  }
tec
execute0_lowered:
.L_overlay_start_1:
0x0: {  	(tag) =	ssettag $0x1  }
0x1: {  	s4 =	rddreg [dreg:$0x0]  }
0x2: {  	s2 =	rddreg [dreg:$0x1]  }
0x3: {  	s0 =	srdreg.scid;
	s1 =	rddreg [dreg:$0x2];
	s3 =	simm.s32 $0x0  }
0x4: {  	s13 =	simm.s32 $0x80;
	s14 =	simm.s32 $0xED00;
	s5 =	sand.u32 $0x1, s0  }
0x5: {  	s15 =	simm.s32 $0x1;
	s0 =	stileid.u32;
	s6 =	smul.u32 $0x9E000, s5  }
0x6: {  	s16 =	simm.s32 $0x10D00;
	s17 =	simm.s32 $0x2;
	s7 =	smul.u32 $0x9E00, s0  }
0x7: {  	s18 =	simm.s32 $0x4E80;
	s19 =	simm.s32 $0xEC00;
	s8 =	smul.u32 $0x4F000, s5  }
0x8: {  	s20 =	simm.s32 $0xEC80;
	s22 =	simm.s32 $0x10;
	s9 =	smul.u32 $0x4F00, s0  }
0x9: {  	s23 =	simm.s32 $0x8;
	[smem:$0x7FF] =	sst s3;
	s26 =	smul.u32 $0xA000, s0  }
0xa: {  	s28 =	simm.s32 $0x0;
	_ =	strace $0x80000047;
	s29 =	smul.u32 $0x28000, s5  }
0xb: {  	s5 =	ssub.s32 $0x2, s5;
	s21 =	smul.u32 $0x2800, s0;
	s31 =	sshll.u32 s0, $0x6  }
0xc: {  	s30 =	sshrl.u32 s5, $0x1;
	s6 =	sadd.s32 s7, s6;
	s25 =	sadd.s32 s9, s8  }
0xd: {  	s10 =	sshrl.u32 s26, $0x3;
	s9 =	sadd.s32 s29, s4;
	s11 =	ssub.s32 s5, s30  }
0xe: {  	s12 =	sadd.s32 s26, s2;
	s26 =	simm.s32 $0x9D80;
	s6 =	sshrl.u32 s6, $0x3  }
0xf: {  	s7 =	sshrl.u32 s25, $0x3;
	s10 =	sadd.s32 s10, s4;
	s24 =	sadd.s32 $0xA2400, s9  }
0x10: {  	s25 =	sor.u32 $0x8, s21;
	s8 =	smax.u32 s11, $0x1;
	s11 =	sor.u32 $0x1C03, s31  }
0x11: {  	s12 =	sshrl.u32 s12, $0x3;
	s6 =	sadd.s32 s6, s4;
	s7 =	sadd.s32 s7, s4  }
0x12: {  	s21 =	sadd.s32 s21, s24;
	s24 =	sadd.s32 s24, s25;
	s25 =	simm.s32 $0x4F00  }
0x13: {  	s4 =	sadd.s32 $0x3000, s6;
	s5 =	sadd.s32 $0x2A800, s7;
	s6 =	sadd.s32 $0x8E400, s10  }
0x14: {  	s7 =	sadd.s32 $0x3E400, s9;
	s9 =	simm.s32 $0x3;
	s10 =	simm.s32 $0x9E00  }
.LBB2_1:
0x15: {  	[tilespmem:s3], [sflag:$0x3] =	stream.linear.gather [hbm4b:s4+s3], $0x9E00, $0x38;
	[tilespmem:$0x1CD00] =	vst v63  }
0x16: {  	_ =	swait.ge [sflag:s9], $0x9E00  }
0x17: {  	[sflag:s9] =	ssyncset.done $0x0  }
0x18: {  	[sflag:s9] =	ssyncadd.s32 $0xFFFF6200  }
0x19: {  	[tilespmem:s10], [sflag:$0x3] =	stream.linear.gather [hbm4b:s5+s3], $0x4F00, $0x38;
	[tilespmem:$0x1CD00] =	vst v63  }
0x1a: {  	_ =	swait.ge [sflag:s9], $0x4F00  }
0x1b: {  	[sflag:s9] =	ssyncset.done $0x0  }
0x1c: {  	[sflag:s9] =	ssyncadd.s32 $0xFFFFB100  }
0x1d: {  	[spmem:s12], [sflag:s11] =	dma.local [hbm:s6], $0x1400  }
0x1e: {  	_ =	swait.ge [sflag:s9], $0x1400  }
0x1f: {  	[sflag:s9] =	ssyncset.done $0x0  }
0x20: {  	[sflag:s9] =	ssyncadd.s32 $0xFFFFEC00  }
0x21: {  	[bflag:$0x0] =	sbarrier.arrive $0xFFFF  }
0x22: {  	[tilespmem:s14], [sflag:$0x1] =	stream.indirect.gather [hbm4b:s7+s13], $0x40, s3, s13, $0xb8;
	[tilespmem:$0x1CD00] =	vst v63  }
0x23: {  	_ =	swait.ge [sflag:s15], $0x2000  }
0x24: {  	[sflag:s15] =	ssyncset.done $0x0  }
0x25: {  	s29 =	simm.s32 $0x80;
	[sflag:s15] =	ssyncadd.s32 $0xFFFFE000  }
0x26: {  	[tilespmem:s16], [sflag:$0x2] =	stream.indirect.gather [hbm4b:s7+s13], $0x40, s29, s13, $0xb8;
	[tilespmem:$0x1CD00] =	vst v63  }
0x27: {  	s29 =	simm.s32 $0x9E00  }
0x28: {  	[spmem:s2] =	stream.indirect.scatter.add.f32 [tilespmem:s14], [sflag:$0x3], $0x40, s29, s13, $0xb8;
	[tilespmem:$0x1CD00] =	vst v63  }
0x29: {  	_ =	swait.ge [sflag:s9], $0x2000  }
0x2a: {  	[sflag:s9] =	ssyncset.done $0x0  }
0x2b: {  	[sflag:s9] =	ssyncadd.s32 $0xFFFFE000  }
0x2c: {  	_ =	swait.ge [sflag:s17], $0x2000  }
0x2d: {  	[sflag:s17] =	ssyncset.done $0x0  }
0x2e: {  	s29 =	simm.s32 $0x100;
	[sflag:s17] =	ssyncadd.s32 $0xFFFFE000  }
0x2f: {  	[tilespmem:s14], [sflag:$0x1] =	stream.indirect.gather [hbm4b:s7+s13], $0x40, s29, s13, $0xb8;
	[tilespmem:$0x1CD00] =	vst v63  }
0x30: {  	s29 =	simm.s32 $0x9E80  }
0x31: {  	[spmem:s2] =	stream.indirect.scatter.add.f32 [tilespmem:s16], [sflag:$0x3], $0x40, s29, s13, $0xb8;
	[tilespmem:$0x1CD00] =	vst v63  }
0x32: {  	_ =	swait.ge [sflag:s9], $0x2000  }
0x33: {  	s29 =	simm.s32 $0x400;
	[sflag:s9] =	ssyncset.done $0x0  }
.LBB2_2:
0x34: {  	p0 =	sne.s32 s29, $0x13400  }
0x35: {  	[sflag:s9] =	ssyncadd.s32 $0xFFFFE000;
	s30 =	smov.u32 s29;
	s29 =	sadd.s32 $0x400, s29  }
0x36: {  	_ = 	snop  }
0x37: {  	_ =	swait.ge [sflag:s15], $0x2000  }
0x38: {  	s30 =	sshra.s32 s30, $0x2;
	[sflag:s15] =	ssyncset.done $0x0  }
0x39: {  	s31 =	sadd.s32 $0x80, s30;
	[sflag:s15] =	ssyncadd.s32 $0xFFFFE000  }
0x3a: {  	[tilespmem:s16], [sflag:$0x2] =	stream.indirect.gather [hbm4b:s7+s13], $0x40, s31, s13, $0xb8;
	[tilespmem:$0x1CD00] =	vst v63  }
0x3b: {  	s31 =	sadd.s32 $0x9E00, s30  }
0x3c: {  	[spmem:s2] =	stream.indirect.scatter.add.f32 [tilespmem:s14], [sflag:$0x3], $0x40, s31, s13, $0xb8;
	[tilespmem:$0x1CD00] =	vst v63  }
0x3d: {  	_ =	swait.ge [sflag:s9], $0x2000  }
0x3e: {  	[sflag:s9] =	ssyncset.done $0x0  }
0x3f: {  	[sflag:s9] =	ssyncadd.s32 $0xFFFFE000  }
0x40: {  	_ =	swait.ge [sflag:s17], $0x2000  }
0x41: {  	[sflag:s17] =	ssyncset.done $0x0  }
0x42: {  	s31 =	sadd.s32 $0x100, s30;
	[sflag:s17] =	ssyncadd.s32 $0xFFFFE000  }
0x43: {  	[tilespmem:s14], [sflag:$0x1] =	stream.indirect.gather [hbm4b:s7+s13], $0x40, s31, s13, $0xb8;
	[tilespmem:$0x1CD00] =	vst v63  }
.Ltmp0:
0x44: {  	_ = 	snop;
	(pc) =	sbr.rel @p0 .LBB2_2-.Ltmp0, $4  }
0x45: {  	s30 =	sadd.s32 $0x9E80, s30  }
0x46: {  	[spmem:s2] =	stream.indirect.scatter.add.f32 [tilespmem:s16], [sflag:$0x3], $0x40, s30, s13, $0xb8;
	[tilespmem:$0x1CD00] =	vst v63  }
0x47: {  	_ =	swait.ge [sflag:s9], $0x2000  }
0x48: {  	[sflag:s9] =	ssyncset.done $0x0  }
0x49: {  	[sflag:s9] =	ssyncadd.s32 $0xFFFFE000  }
0x4a: {  	_ =	swait.ge [sflag:s15], $0x2000  }
0x4b: {  	[sflag:s15] =	ssyncset.done $0x0  }
0x4c: {  	[sflag:s15] =	ssyncadd.s32 $0xFFFFE000  }
0x4d: {  	[tilespmem:s16], [sflag:$0x2] =	stream.indirect.gather [hbm4b:s7+s13], $0x40, s18, s13, $0xb8;
	[tilespmem:$0x1CD00] =	vst v63  }
0x4e: {  	_ = 	snop  }
0x4f: {  	[spmem:s2] =	stream.indirect.scatter.add.f32 [tilespmem:s14], [sflag:$0x3], $0x40, s19, s13, $0xb8;
	[tilespmem:$0x1CD00] =	vst v63  }
0x50: {  	_ =	swait.ge [sflag:s9], $0x2000  }
0x51: {  	[sflag:s9] =	ssyncset.done $0x0  }
0x52: {  	[sflag:s9] =	ssyncadd.s32 $0xFFFFE000  }
0x53: {  	_ =	swait.ge [sflag:s17], $0x2000  }
0x54: {  	[sflag:s17] =	ssyncset.done $0x0  }
0x55: {  	[sflag:s17] =	ssyncadd.s32 $0xFFFFE000  }
0x56: {  	[spmem:s2] =	stream.indirect.scatter.add.f32 [tilespmem:s16], [sflag:$0x3], $0x40, s20, s13, $0xb8;
	[tilespmem:$0x1CD00] =	vst v63  }
0x57: {  	_ =	swait.ge [sflag:s9], $0x2000  }
0x58: {  	[sflag:s9] =	ssyncset.done $0x0  }
0x59: {  	[sflag:s9] =	ssyncadd.s32 $0xFFFFE000  }
0x5a: {  	[bflag:$0x0] =	sbarrier.arrive $0xFFFF  }
0x5b: {  	[hbm:s21@s22], [sflag:s11] =	dma.strided [spmem:s12@s23], $0x1400, s15, $0x8   }
0x5c: {  	_ =	swait.ge [sflag:s9], $0x1400  }
0x5d: {  	[sflag:s9] =	ssyncset.done $0x0  }
0x5e: {  	[sflag:s9] =	ssyncadd.s32 $0xFFFFEC00  }
0x5f: {  	[spmem:s12], [sflag:s11] =	dma.local [hbm:s6], $0x1400  }
0x60: {  	_ =	swait.ge [sflag:s9], $0x1400  }
0x61: {  	[sflag:s9] =	ssyncset.done $0x0  }
0x62: {  	[sflag:s9] =	ssyncadd.s32 $0xFFFFEC00  }
0x63: {  	[bflag:$0x0] =	sbarrier.arrive $0xFFFF  }
0x64: {  	[tilespmem:s14], [sflag:$0x1] =	stream.indirect.gather [hbm4b:s7+s13], $0x40, s25, s13, $0xb8;
	[tilespmem:$0x1CD00] =	vst v63  }
0x65: {  	_ =	swait.ge [sflag:s15], $0x2000  }
0x66: {  	[sflag:s15] =	ssyncset.done $0x0  }
0x67: {  	s29 =	simm.s32 $0x4F80;
	[sflag:s15] =	ssyncadd.s32 $0xFFFFE000  }
0x68: {  	[tilespmem:s16], [sflag:$0x2] =	stream.indirect.gather [hbm4b:s7+s13], $0x40, s29, s13, $0xb8;
	[tilespmem:$0x1CD00] =	vst v63  }
0x69: {  	s29 =	simm.s32 $0x9E00  }
0x6a: {  	[spmem:s2] =	stream.indirect.scatter.add.f32 [tilespmem:s14], [sflag:$0x3], $0x40, s29, s13, $0xb8;
	[tilespmem:$0x1CD00] =	vst v63  }
0x6b: {  	_ =	swait.ge [sflag:s9], $0x2000  }
0x6c: {  	[sflag:s9] =	ssyncset.done $0x0  }
0x6d: {  	[sflag:s9] =	ssyncadd.s32 $0xFFFFE000  }
0x6e: {  	_ =	swait.ge [sflag:s17], $0x2000  }
0x6f: {  	[sflag:s17] =	ssyncset.done $0x0  }
0x70: {  	s29 =	simm.s32 $0x5000;
	[sflag:s17] =	ssyncadd.s32 $0xFFFFE000  }
0x71: {  	[tilespmem:s14], [sflag:$0x1] =	stream.indirect.gather [hbm4b:s7+s13], $0x40, s29, s13, $0xb8;
	[tilespmem:$0x1CD00] =	vst v63  }
0x72: {  	s29 =	simm.s32 $0x9E80  }
0x73: {  	[spmem:s2] =	stream.indirect.scatter.add.f32 [tilespmem:s16], [sflag:$0x3], $0x40, s29, s13, $0xb8;
	[tilespmem:$0x1CD00] =	vst v63  }
0x74: {  	_ =	swait.ge [sflag:s9], $0x2000  }
0x75: {  	s29 =	simm.s32 $0x400;
	[sflag:s9] =	ssyncset.done $0x0  }
.LBB2_4:
0x76: {  	p0 =	sne.s32 s29, $0x13400  }
0x77: {  	[sflag:s9] =	ssyncadd.s32 $0xFFFFE000;
	s30 =	smov.u32 s29;
	s29 =	sadd.s32 $0x400, s29  }
0x78: {  	_ = 	snop  }
0x79: {  	_ =	swait.ge [sflag:s15], $0x2000  }
0x7a: {  	s30 =	sshra.s32 s30, $0x2;
	[sflag:s15] =	ssyncset.done $0x0  }
0x7b: {  	s31 =	sadd.s32 $0x4F80, s30;
	[sflag:s15] =	ssyncadd.s32 $0xFFFFE000  }
0x7c: {  	[tilespmem:s16], [sflag:$0x2] =	stream.indirect.gather [hbm4b:s7+s13], $0x40, s31, s13, $0xb8;
	[tilespmem:$0x1CD00] =	vst v63  }
0x7d: {  	s31 =	sadd.s32 $0x9E00, s30  }
0x7e: {  	[spmem:s2] =	stream.indirect.scatter.add.f32 [tilespmem:s14], [sflag:$0x3], $0x40, s31, s13, $0xb8;
	[tilespmem:$0x1CD00] =	vst v63  }
0x7f: {  	_ =	swait.ge [sflag:s9], $0x2000  }
0x80: {  	[sflag:s9] =	ssyncset.done $0x0  }
0x81: {  	[sflag:s9] =	ssyncadd.s32 $0xFFFFE000  }
0x82: {  	_ =	swait.ge [sflag:s17], $0x2000  }
0x83: {  	[sflag:s17] =	ssyncset.done $0x0  }
0x84: {  	s31 =	sadd.s32 $0x5000, s30;
	[sflag:s17] =	ssyncadd.s32 $0xFFFFE000  }
0x85: {  	[tilespmem:s14], [sflag:$0x1] =	stream.indirect.gather [hbm4b:s7+s13], $0x40, s31, s13, $0xb8;
	[tilespmem:$0x1CD00] =	vst v63  }
.Ltmp1:
0x86: {  	_ = 	snop;
	(pc) =	sbr.rel @p0 .LBB2_4-.Ltmp1, $4  }
0x87: {  	s30 =	sadd.s32 $0x9E80, s30  }
0x88: {  	[spmem:s2] =	stream.indirect.scatter.add.f32 [tilespmem:s16], [sflag:$0x3], $0x40, s30, s13, $0xb8;
	[tilespmem:$0x1CD00] =	vst v63  }
0x89: {  	_ =	swait.ge [sflag:s9], $0x2000  }
0x8a: {  	[sflag:s9] =	ssyncset.done $0x0  }
0x8b: {  	[sflag:s9] =	ssyncadd.s32 $0xFFFFE000  }
0x8c: {  	_ =	swait.ge [sflag:s15], $0x2000  }
0x8d: {  	[sflag:s15] =	ssyncset.done $0x0  }
0x8e: {  	[sflag:s15] =	ssyncadd.s32 $0xFFFFE000  }
0x8f: {  	[tilespmem:s16], [sflag:$0x2] =	stream.indirect.gather [hbm4b:s7+s13], $0x40, s26, s13, $0xb8;
	[tilespmem:$0x1CD00] =	vst v63  }
0x90: {  	_ = 	snop  }
0x91: {  	[spmem:s2] =	stream.indirect.scatter.add.f32 [tilespmem:s14], [sflag:$0x3], $0x40, s19, s13, $0xb8;
	[tilespmem:$0x1CD00] =	vst v63  }
0x92: {  	_ =	swait.ge [sflag:s9], $0x2000  }
0x93: {  	[sflag:s9] =	ssyncset.done $0x0  }
0x94: {  	[sflag:s9] =	ssyncadd.s32 $0xFFFFE000  }
0x95: {  	_ =	swait.ge [sflag:s17], $0x2000  }
0x96: {  	[sflag:s17] =	ssyncset.done $0x0  }
0x97: {  	[sflag:s17] =	ssyncadd.s32 $0xFFFFE000  }
0x98: {  	[spmem:s2] =	stream.indirect.scatter.add.f32 [tilespmem:s16], [sflag:$0x3], $0x40, s20, s13, $0xb8;
	[tilespmem:$0x1CD00] =	vst v63  }
0x99: {  	_ =	swait.ge [sflag:s9], $0x2000  }
0x9a: {  	s28 =	sadd.s32 $0x1, s28;
	[sflag:s9] =	ssyncset.done $0x0  }
0x9b: {  	p0 =	sne.s32 s28, s8;
	[sflag:s9] =	ssyncadd.s32 $0xFFFFE000  }
.Ltmp2:
0x9c: {  	[bflag:$0x0] =	sbarrier.arrive $0xFFFF;
	(pc) =	sbr.rel @p0 .LBB2_1-.Ltmp2, $4  }
0x9d: {  	[hbm:s24@s22], [sflag:s11] =	dma.strided [spmem:s12@s23], $0x1400, s15, $0x8   }
0x9e: {  	_ =	swait.ge [sflag:s9], $0x1400  }
0x9f: {  	[sflag:s9] =	ssyncset.done $0x0  }
0xa0: {  	[sflag:s9] =	ssyncadd.s32 $0xFFFFEC00  }
0xa1: {  	_ =	sfence.sel $0x180000  }
0xa2: {  	[bflag:$0x0] =	sbarrier.arrive $0xFFFF  }
0xa3: {  	p0 =	sne.s32 s0, $0x0;
	_ =	strace $0x90000047  }
0xa4: {  	s0 =	sadd.s32 @!p0 $0x100000, s1;
	[bflag:$0x2] =	sbarrier.arrive $0xFFFF  }
0xa5: {  	[sflag:s0] =	ssyncadd.tile.s32 @!p0 $0x1;
	_ =	shalt  }
.Lfunc_end2:
_tile_overlayer_lowered:
.L_overlay_start_2:
0xa6: {  	(tag) =	ssettag $0x2  }
0xa7: {  	s0 =	rddreg [dreg:$0x0];
	s2 =	stileid.u32  }
0xa8: {  	s1 =	rddreg [dreg:$0x1];
	p0 =	sne.s32 s2, $0x0  }
0xa9: {  	s3 =	rddreg [dreg:$0x2];
	[bflag:$0x3] =	sbarrier.arrive $0xFFFF;
	s2 =	simm.s32 @!p0 $0x1C03  }
0xaa: {  	[timem:s3], [sflag:s2] =	dma.local @!p0 [hbm:s0], s1  }
0xab: {  	s0 =	simm.s32 @!p0 $0x3  }
0xac: {  	_ =	swait.ge @!p0 [sflag:s0], s1  }
0xad: {  	s1 =	ssub.s32 @!p0 $0x0, s1;
	[sflag:s0] =	ssyncset.done @!p0 $0x0  }
0xae: {  	[sflag:s0] =	ssyncadd.s32 @!p0 s1  }
0xaf: {  	[bflag:$0x3] =	sbarrier.arrive $0xFFFF  }
0xb0: {  	_ =	shalt  }

// kernel: kernel.14.cloned.1.call-start
scs
__scs_entry_jumppad:
0x0: {  	(pc) =	sbr.rel $0x88, $3  }
0x1: {  	(tag) =	ssettag $0x0;
	lr =	simm.s32 $0x1  }
0x2: {  	[smem:$0x3F92] =	sst lr;
	_ =	strace $0xD0000000  }
0x3: {  	_ = 	snop  }
0x4: {  	_ = 	snop  }
0x5: {  	_ = 	snop  }
0x6: {  	_ = 	snop  }
0x7: {  	_ = 	snop  }
__scs_overlays_trampoline_lowered:
0x8: {  	[smem:$0x3FA1] =	sst s0  }
0x9: {  	[smem:$0x3FA2] =	sst s1  }
0xa: {  	[smem:$0x3FA3] =	sst s2  }
0xb: {  	[smem:$0x3FA4] =	sst s3  }
0xc: {  	[smem:$0x3FA5] =	sst s4  }
0xd: {  	[smem:$0x3FA6] =	sst s5  }
0xe: {  	[smem:$0x3FA7] =	sst s6  }
0xf: {  	[smem:$0x3FA8] =	sst s7  }
0x10: {  	[smem:$0x3FA9] =	sst s8  }
0x11: {  	[smem:$0x3FAA] =	sst s9;
	s0 =	simm.s32 @!p0 $0x0  }
0x12: {  	s1 =	sld [smem:$0x3F90];
	s0 =	simm.s32 @p0 $0x1  }
0x13: {  	[smem:$0x3FAB] =	sst s0;
	s0 =	simm.s32 @!p1 $0x0  }
0x14: {  	s2 =	sld [smem:$0x3F8F];
	s0 =	simm.s32 @p1 $0x1  }
0x15: {  	[smem:$0x3FAC] =	sst s0;
	s0 =	simm.s32 @!p2 $0x0  }
0x16: {  	s3 =	sld [smem:$0x3FDB];
	s0 =	simm.s32 @p2 $0x1  }
0x17: {  	s4 =	simm.s32 $0x1BF5;
	[smem:$0x3FAE] =	sst s0  }
0x18: {  	s0 =	sld [smem:$0x3F91];
	_ =	swait.ge [sflag:s4], $0x0  }
0x19: {  	s7 =	sld [smem:$0x3F92]  }
0x1a: {  	s8 =	sadd.s32 $0xFFFFE003, lr  }
0x1b: {  	s9 =	sadd.s32 $0xFFFFFEF7, lr;
	s5 =	simm.s32 $0xFFFFFFFF;
	p2 =	slt.u32 s8, $0xFFFFF086  }
0x1c: {  	p1 =	slt.u32 s9, $0xF7A;
	s5 =	simm.s32 @!p2 $0x0  }
0x1d: {  	s5 =	simm.s32 @p1 $0x1;
	p0 =	seq.s32 s7, s2  }
0x1e: {  	s7 =	smul.u32 @!p0 $0xF7A, s2;
	p2 =	seq.s32 @!p0 s5, $0x0  }
0x1f: {  	s9 =	smul.u32 $0xF7A, s1;
	s8 =	simm.s32 @!p0 $0x1BF5;
	p2 =	por !p2, p0  }
0x20: {  	[sflag:s8] =	ssyncset.s32 @!p0 $0xFFFFF086;
	s6 =	sadd.s32 @!p0 s3, s7;
	s7 =	simm.s32 @!p0 $0x108  }
0x21: {  	s3 =	sadd.s32 s3, s9;
	s6 =	sadd.s32 @!p0 $0x88, s6;
	s7 =	simm.s32 @p2 $0x1082  }
0x22: {  	[simem:s7], [sflag:s8] =	dma.local @!p0 [hbm:s6], $0xF7A  }
0x23: {  	s9 =	sor.u32 $0xD0000000, s2;
	s6 =	simm.s32 $0x108;
	_ =	swait.ge @!p0 [sflag:s8], $0x0  }
0x24: {  	s3 =	sadd.s32 $0x88, s3;
	s6 =	simm.s32 @!p1 $0x1082;
	[sflag:s4] =	ssyncset.s32 $0xFFFFF086  }
0x25: {  	[simem:s6], [sflag:s4] =	dma.local [hbm:s3], $0xF7A  }
0x26: {  	[smem:$0x3F92] =	sst s1;
	(tag) =	ssettag s2;
	_ =	strace s9  }
0x27: {  	s1 =	sld [smem:$0x3FA2]  }
0x28: {  	s2 =	sld [smem:$0x3FA3]  }
0x29: {  	s4 =	sld [smem:$0x3FA5]  }
0x2a: {  	p0 =	seq.s32 s5, $0x0;
	s5 =	sld [smem:$0x3FA6]  }
0x2b: {  	s6 =	sld [smem:$0x3FA7]  }
0x2c: {  	s7 =	sld [smem:$0x3FA8]  }
0x2d: {  	s3 =	simm.s32 $0x108;
	s8 =	sld [smem:$0x3FA9]  }
0x2e: {  	s3 =	simm.s32 @!p0 $0x1082;
	s9 =	sld [smem:$0x3FAA]  }
0x2f: {  	lr =	sadd.s32 s0, s3;
	s0 =	sld [smem:$0x3FA1]  }
0x30: {  	s3 =	sld [smem:$0x3FA4]  }
0x31: {  	[smem:$0x3FAD] =	sst s10  }
0x32: {  	s10 =	sld [smem:$0x3FAB];
	_ =	sdelay $0x3  }
0x33: {  	p0 =	seq.s32 s10, $0x1;
	s10 =	sld [smem:$0x3FAD];
	_ =	sdelay $0x3  }
0x34: {  	[smem:$0x3FAD] =	sst s10  }
0x35: {  	s10 =	sld [smem:$0x3FAC];
	_ =	sdelay $0x3  }
0x36: {  	p1 =	seq.s32 s10, $0x1;
	s10 =	sld [smem:$0x3FAD];
	_ =	sdelay $0x3  }
0x37: {  	[smem:$0x3FAD] =	sst s10  }
0x38: {  	s10 =	sld [smem:$0x3FAE]  }
0x39: {  	_ = 	snop;
	(pc) =	sbr.ind lr, $3  }
0x3a: {  	_ = 	snop  }
0x3b: {  	_ = 	snop  }
0x3c: {  	p2 =	seq.s32 s10, $0x1;
	s10 =	sld [smem:$0x3FAD]  }
0x3d: {  	_ =	shalt  }
0x3e: {  	_ =	shalt  }
0x3f: {  	_ =	shalt  }
0x40: {  	_ =	shalt  }
0x41: {  	_ =	shalt  }
0x42: {  	_ =	shalt  }
0x43: {  	_ =	shalt  }
0x44: {  	_ =	shalt  }
0x45: {  	_ =	shalt  }
0x46: {  	_ =	shalt  }
0x47: {  	_ =	shalt  }
0x48: {  	_ =	shalt  }
0x49: {  	_ =	shalt  }
0x4a: {  	_ =	shalt  }
0x4b: {  	_ =	shalt  }
0x4c: {  	_ =	shalt  }
0x4d: {  	_ =	shalt  }
0x4e: {  	_ =	shalt  }
0x4f: {  	_ =	shalt  }
0x50: {  	_ =	shalt  }
0x51: {  	_ =	shalt  }
0x52: {  	_ =	shalt  }
0x53: {  	_ =	shalt  }
0x54: {  	_ =	shalt  }
0x55: {  	_ =	shalt  }
0x56: {  	_ =	shalt  }
0x57: {  	_ =	shalt  }
0x58: {  	_ =	shalt  }
0x59: {  	_ =	shalt  }
0x5a: {  	_ =	shalt  }
0x5b: {  	_ =	shalt  }
0x5c: {  	_ =	shalt  }
0x5d: {  	_ =	shalt  }
0x5e: {  	_ =	shalt  }
0x5f: {  	_ =	shalt  }
0x60: {  	_ =	shalt  }
0x61: {  	_ =	shalt  }
0x62: {  	_ =	shalt  }
0x63: {  	_ =	shalt  }
0x64: {  	_ =	shalt  }
0x65: {  	_ =	shalt  }
0x66: {  	_ =	shalt  }
0x67: {  	_ =	shalt  }
0x68: {  	_ =	shalt  }
0x69: {  	_ =	shalt  }
0x6a: {  	_ =	shalt  }
0x6b: {  	_ =	shalt  }
0x6c: {  	_ =	shalt  }
0x6d: {  	_ =	shalt  }
0x6e: {  	_ =	shalt  }
0x6f: {  	_ =	shalt  }
0x70: {  	_ =	shalt  }
0x71: {  	_ =	shalt  }
0x72: {  	_ =	shalt  }
0x73: {  	_ =	shalt  }
0x74: {  	_ =	shalt  }
0x75: {  	_ =	shalt  }
0x76: {  	_ =	shalt  }
0x77: {  	_ =	shalt  }
0x78: {  	_ =	shalt  }
0x79: {  	_ =	shalt  }
0x7a: {  	_ =	shalt  }
0x7b: {  	_ =	shalt  }
0x7c: {  	_ =	shalt  }
0x7d: {  	_ =	shalt  }
0x7e: {  	_ =	shalt  }
0x7f: {  	_ =	shalt  }
0x80: {  	_ =	shalt  }
0x81: {  	_ =	shalt  }
0x82: {  	_ =	shalt  }
0x83: {  	_ =	shalt  }
0x84: {  	_ =	shalt  }
0x85: {  	_ =	shalt  }
0x86: {  	_ =	shalt  }
0x87: {  	_ =	shalt  }
.Lfunc_end0:
.L_simem_size_0:
called_computation.1_lowered:
.L_overlay_start_0:
0x88: {  	s2 =	sld [smem:$0x3FD9]  }
0x89: {  	s3 =	sld [smem:$0x3FFE];
	_ =	sdelay $0x1  }
0x8a: {  	s1 =	srdreg.scid  }
0x8b: {  	s0 =	sand.u32 $0x1, s1  }
0x8c: {  	s16 =	sshll.u32 s0, $0xA;
	s2 =	sadd.s32 s3, s2  }
0x8d: {  	s2 =	sadd.s32 s2, s16  }
0x8e: {  	[smem:$0x3FB9] =	sst s2  }
0x8f: {  	_ = 	snop  }
0x90: {  	(tm) =	ssettm $0x1  }
0x91: {  	s17 =	sld [smem:$0x3FFB];
	_ =	sdelay $0x3  }
0x92: {  	_ =	strace s17  }
0x93: {  	s2 =	sld [smem:$0x3FFC];
	_ =	sdelay $0x3  }
0x94: {  	_ =	strace s2  }
0x95: {  	s2 =	sld [smem:$0x3FFD];
	_ =	sdelay $0x3  }
0x96: {  	_ =	strace s2  }
0x97: {  	_ =	strace $0x8FFFFFFF  }
0x98: {  	s18 =	sld [smem:$0x3FDB];
	_ =	sdelay $0x1  }
0x99: {  	s19 =	simm.s32 $_scs_section_size  }
0x9a: {  	s4 =	simm.s32 $_size__tile_overlayer_lowered;
	s5 =	simm.s32 $_tile_overlayer_lowered  }
0x9b: {  	s22 =	simm.s32 $0x1BFF;
	s21 =	sshll.u32 s5, $0x1;
	s2 =	sadd.s32 s19, s18  }
0x9c: {  	s6 =	simm.s32 $0x0;
	s20 =	sshll.u32 s4, $0x1;
	s4 =	sadd.s32 s21, s2  }
0x9d: {  	[timem:s6], [sflag:s22] =	dma.local [hbm:s4], s20  }
0x9e: {  	_ =	swait.ge [sflag:s22], s20  }
0x9f: {  	s3 =	ssub.s32 $0x0, s20;
	[sflag:s22] =	ssyncset.done $0x0  }
0xa0: {  	[sflag:s22] =	ssyncadd.s32 s3;
	_ =	sdelay $0x1  }
0xa1: {  	s23 =	simm.s32 $0x1B8B  }
0xa2: {  	_ =	swait.ge [sflag:s23], $0x1  }
0xa3: {  	[sflag:s23] =	ssyncset.done $0x0  }
0xa4: {  	s25 =	simm.s32 $0x1B8E;
	s24 =	sld [smem:$0x3FFE];
	[sflag:s23] =	ssyncadd.s32 $0xFFFFFFFF  }
0xa5: {  	s26 =	simm.s32 $execute0_lowered;
	[smem:$0x3FD2] =	sst s25  }
0xa6: {  	s4 =	sshll.u32 s26, $0x1;
	_ =	strace $0x80000049;
	[dreg:$0x1] =	wrdreg $0xFFFFFFFF  }
0xa7: {  	s28 =	simm.s32 $_size_execute0_lowered;
	s2 =	sadd.s32 s2, s4;
	[dreg:$0x0] =	wrdreg $0x0  }
0xa8: {  	s4 =	sshll.u32 s28, $0x1;
	[dreg:$0x2] =	wrdreg s2  }
0xa9: {  	[dreg:$0x3] =	wrdreg s4  }
0xaa: {  	[dreg:$0x4] =	wrdreg $0xC0  }
0xab: {  	_ =	task [dreg:s6], $0x5FFFF  }
0xac: {  	[dreg:$0x1] =	wrdreg $0xFFFFFFFF  }
0xad: {  	[dreg:$0x0] =	wrdreg $0x60  }
0xae: {  	[dreg:$0x2] =	wrdreg s24  }
0xaf: {  	[dreg:$0x3] =	wrdreg $0x12D000  }
0xb0: {  	[dreg:$0x4] =	wrdreg $0x9  }
0xb1: {  	_ =	task.clear_ibuf [dreg:s6], $0x5FFFF;
	_ =	strace $0x90000049  }
0xb2: {  	s29 =	simm.s32 $0x9;
	_ =	strace $0x8000004B  }
0xb3: {  	_ =	swait.ge [sflag:s29], $0x1  }
0xb4: {  	[sflag:s29] =	ssyncadd.s32 $0xFFFFFFFF  }
0xb5: {  	_ =	strace $0x9000004B  }
0xb6: {  	_ =	sfence  }
0xb7: {  	s30 =	sld [smem:$0x0];
	_ =	sdelay $0x2  }
0xb8: {  	s31 =	sshll.u32 s1, $0xD;
	s1 =	sshrl.u32 s1, $0x2  }
0xb9: {  	s3 =	sand.u32 $0x4000, s31;
	s1 =	sadd.s32 s1, s30  }
0xba: {  	s0 =	sor.u32 s3, s0;
	s1 =	sshll.u32 s1, $0x11  }
0xbb: {  	s0 =	sor.u32 s1, s0  }
0xbc: {  	s0 =	sadd.s32 $0x8F2B, s0  }
0xbd: {  	[sflag:s0] =	ssyncadd.remote.s32 $0x1  }
0xbe: {  	_ =	sfence.sel $0xFFFF  }
0xbf: {  	[dreg:$0x0] =	wrdreg $0xFFFFFFFF;
	(pc) =	sbr.abs _section_cstart, $3  }
0xc0: {  	[dreg:$0x1] =	wrdreg $0xFFFFFFFF  }
0xc1: {  	_ =	task.clear_ibuf [dreg:s6], $0x2FFFF;
	_ =	strace $0x9FFFFFFF  }
0xc2: {  	(tm) =	ssettm $0x7FFFFFFF  }
0xc3: {  	_ =	shalt  }
tec
execute0_lowered:
.L_overlay_start_1:
0x0: {  	(tag) =	ssettag $0x1  }
0x1: {  	s4 =	rddreg [dreg:$0x0]  }
0x2: {  	s2 =	rddreg [dreg:$0x1]  }
0x3: {  	s0 =	srdreg.scid;
	s1 =	rddreg [dreg:$0x2];
	s3 =	simm.s32 $0x0  }
0x4: {  	s13 =	simm.s32 $0x80;
	s14 =	simm.s32 $0xED00;
	s5 =	sand.u32 $0x1, s0  }
0x5: {  	s15 =	simm.s32 $0x1;
	s0 =	stileid.u32;
	s6 =	smul.u32 $0x9E000, s5  }
0x6: {  	s16 =	simm.s32 $0x10D00;
	s17 =	simm.s32 $0x2;
	s7 =	smul.u32 $0x9E00, s0  }
0x7: {  	s18 =	simm.s32 $0x4E80;
	s19 =	simm.s32 $0xEC00;
	s8 =	smul.u32 $0x4F000, s5  }
0x8: {  	s20 =	simm.s32 $0xEC80;
	s22 =	simm.s32 $0x10;
	s9 =	smul.u32 $0x4F00, s0  }
0x9: {  	s23 =	simm.s32 $0x8;
	[smem:$0x7FF] =	sst s3;
	s26 =	smul.u32 $0xA000, s0  }
0xa: {  	s28 =	simm.s32 $0x0;
	_ =	strace $0x8000004A;
	s29 =	smul.u32 $0x28000, s5  }
0xb: {  	s5 =	ssub.s32 $0x2, s5;
	s21 =	smul.u32 $0x2800, s0;
	s31 =	sshll.u32 s0, $0x6  }
0xc: {  	s30 =	sshrl.u32 s5, $0x1;
	s6 =	sadd.s32 s7, s6;
	s25 =	sadd.s32 s9, s8  }
0xd: {  	s10 =	sshrl.u32 s26, $0x3;
	s9 =	sadd.s32 s29, s4;
	s11 =	ssub.s32 s5, s30  }
0xe: {  	s12 =	sadd.s32 s26, s2;
	s26 =	simm.s32 $0x9D80;
	s6 =	sshrl.u32 s6, $0x3  }
0xf: {  	s7 =	sshrl.u32 s25, $0x3;
	s10 =	sadd.s32 s10, s4;
	s24 =	sadd.s32 $0xF2400, s9  }
0x10: {  	s25 =	sor.u32 $0x8, s21;
	s8 =	smax.u32 s11, $0x1;
	s11 =	sor.u32 $0x1C03, s31  }
0x11: {  	s12 =	sshrl.u32 s12, $0x3;
	s6 =	sadd.s32 s6, s4;
	s7 =	sadd.s32 s7, s4  }
0x12: {  	s21 =	sadd.s32 s21, s24;
	s24 =	sadd.s32 s24, s25;
	s25 =	simm.s32 $0x4F00  }
0x13: {  	s4 =	sadd.s32 $0x3000, s6;
	s5 =	sadd.s32 $0x2A800, s7;
	s6 =	sadd.s32 $0x8E400, s10  }
0x14: {  	s7 =	sadd.s32 $0xA2400, s9;
	s9 =	simm.s32 $0x3;
	s10 =	simm.s32 $0x9E00  }
.LBB2_1:
0x15: {  	[tilespmem:s3], [sflag:$0x3] =	stream.linear.gather [hbm4b:s4+s3], $0x9E00, $0x38;
	[tilespmem:$0x1CD00] =	vst v63  }
0x16: {  	_ =	swait.ge [sflag:s9], $0x9E00  }
0x17: {  	[sflag:s9] =	ssyncset.done $0x0  }
0x18: {  	[sflag:s9] =	ssyncadd.s32 $0xFFFF6200  }
0x19: {  	[tilespmem:s10], [sflag:$0x3] =	stream.linear.gather [hbm4b:s5+s3], $0x4F00, $0x38;
	[tilespmem:$0x1CD00] =	vst v63  }
0x1a: {  	_ =	swait.ge [sflag:s9], $0x4F00  }
0x1b: {  	[sflag:s9] =	ssyncset.done $0x0  }
0x1c: {  	[sflag:s9] =	ssyncadd.s32 $0xFFFFB100  }
0x1d: {  	[spmem:s12], [sflag:s11] =	dma.local [hbm:s6], $0x1400  }
0x1e: {  	_ =	swait.ge [sflag:s9], $0x1400  }
0x1f: {  	[sflag:s9] =	ssyncset.done $0x0  }
0x20: {  	[sflag:s9] =	ssyncadd.s32 $0xFFFFEC00  }
0x21: {  	[bflag:$0x0] =	sbarrier.arrive $0xFFFF  }
0x22: {  	[tilespmem:s14], [sflag:$0x1] =	stream.indirect.gather [hbm4b:s7+s13], $0x40, s3, s13, $0xb8;
	[tilespmem:$0x1CD00] =	vst v63  }
0x23: {  	_ =	swait.ge [sflag:s15], $0x2000  }
0x24: {  	[sflag:s15] =	ssyncset.done $0x0  }
0x25: {  	s29 =	simm.s32 $0x80;
	[sflag:s15] =	ssyncadd.s32 $0xFFFFE000  }
0x26: {  	[tilespmem:s16], [sflag:$0x2] =	stream.indirect.gather [hbm4b:s7+s13], $0x40, s29, s13, $0xb8;
	[tilespmem:$0x1CD00] =	vst v63  }
0x27: {  	s29 =	simm.s32 $0x9E00  }
0x28: {  	[spmem:s2] =	stream.indirect.scatter.add.f32 [tilespmem:s14], [sflag:$0x3], $0x40, s29, s13, $0xb8;
	[tilespmem:$0x1CD00] =	vst v63  }
0x29: {  	_ =	swait.ge [sflag:s9], $0x2000  }
0x2a: {  	[sflag:s9] =	ssyncset.done $0x0  }
0x2b: {  	[sflag:s9] =	ssyncadd.s32 $0xFFFFE000  }
0x2c: {  	_ =	swait.ge [sflag:s17], $0x2000  }
0x2d: {  	[sflag:s17] =	ssyncset.done $0x0  }
0x2e: {  	s29 =	simm.s32 $0x100;
	[sflag:s17] =	ssyncadd.s32 $0xFFFFE000  }
0x2f: {  	[tilespmem:s14], [sflag:$0x1] =	stream.indirect.gather [hbm4b:s7+s13], $0x40, s29, s13, $0xb8;
	[tilespmem:$0x1CD00] =	vst v63  }
0x30: {  	s29 =	simm.s32 $0x9E80  }
0x31: {  	[spmem:s2] =	stream.indirect.scatter.add.f32 [tilespmem:s16], [sflag:$0x3], $0x40, s29, s13, $0xb8;
	[tilespmem:$0x1CD00] =	vst v63  }
0x32: {  	_ =	swait.ge [sflag:s9], $0x2000  }
0x33: {  	s29 =	simm.s32 $0x400;
	[sflag:s9] =	ssyncset.done $0x0  }
.LBB2_2:
0x34: {  	p0 =	sne.s32 s29, $0x13400  }
0x35: {  	[sflag:s9] =	ssyncadd.s32 $0xFFFFE000;
	s30 =	smov.u32 s29;
	s29 =	sadd.s32 $0x400, s29  }
0x36: {  	_ = 	snop  }
0x37: {  	_ =	swait.ge [sflag:s15], $0x2000  }
0x38: {  	s30 =	sshra.s32 s30, $0x2;
	[sflag:s15] =	ssyncset.done $0x0  }
0x39: {  	s31 =	sadd.s32 $0x80, s30;
	[sflag:s15] =	ssyncadd.s32 $0xFFFFE000  }
0x3a: {  	[tilespmem:s16], [sflag:$0x2] =	stream.indirect.gather [hbm4b:s7+s13], $0x40, s31, s13, $0xb8;
	[tilespmem:$0x1CD00] =	vst v63  }
0x3b: {  	s31 =	sadd.s32 $0x9E00, s30  }
0x3c: {  	[spmem:s2] =	stream.indirect.scatter.add.f32 [tilespmem:s14], [sflag:$0x3], $0x40, s31, s13, $0xb8;
	[tilespmem:$0x1CD00] =	vst v63  }
0x3d: {  	_ =	swait.ge [sflag:s9], $0x2000  }
0x3e: {  	[sflag:s9] =	ssyncset.done $0x0  }
0x3f: {  	[sflag:s9] =	ssyncadd.s32 $0xFFFFE000  }
0x40: {  	_ =	swait.ge [sflag:s17], $0x2000  }
0x41: {  	[sflag:s17] =	ssyncset.done $0x0  }
0x42: {  	s31 =	sadd.s32 $0x100, s30;
	[sflag:s17] =	ssyncadd.s32 $0xFFFFE000  }
0x43: {  	[tilespmem:s14], [sflag:$0x1] =	stream.indirect.gather [hbm4b:s7+s13], $0x40, s31, s13, $0xb8;
	[tilespmem:$0x1CD00] =	vst v63  }
.Ltmp0:
0x44: {  	_ = 	snop;
	(pc) =	sbr.rel @p0 .LBB2_2-.Ltmp0, $4  }
0x45: {  	s30 =	sadd.s32 $0x9E80, s30  }
0x46: {  	[spmem:s2] =	stream.indirect.scatter.add.f32 [tilespmem:s16], [sflag:$0x3], $0x40, s30, s13, $0xb8;
	[tilespmem:$0x1CD00] =	vst v63  }
0x47: {  	_ =	swait.ge [sflag:s9], $0x2000  }
0x48: {  	[sflag:s9] =	ssyncset.done $0x0  }
0x49: {  	[sflag:s9] =	ssyncadd.s32 $0xFFFFE000  }
0x4a: {  	_ =	swait.ge [sflag:s15], $0x2000  }
0x4b: {  	[sflag:s15] =	ssyncset.done $0x0  }
0x4c: {  	[sflag:s15] =	ssyncadd.s32 $0xFFFFE000  }
0x4d: {  	[tilespmem:s16], [sflag:$0x2] =	stream.indirect.gather [hbm4b:s7+s13], $0x40, s18, s13, $0xb8;
	[tilespmem:$0x1CD00] =	vst v63  }
0x4e: {  	_ = 	snop  }
0x4f: {  	[spmem:s2] =	stream.indirect.scatter.add.f32 [tilespmem:s14], [sflag:$0x3], $0x40, s19, s13, $0xb8;
	[tilespmem:$0x1CD00] =	vst v63  }
0x50: {  	_ =	swait.ge [sflag:s9], $0x2000  }
0x51: {  	[sflag:s9] =	ssyncset.done $0x0  }
0x52: {  	[sflag:s9] =	ssyncadd.s32 $0xFFFFE000  }
0x53: {  	_ =	swait.ge [sflag:s17], $0x2000  }
0x54: {  	[sflag:s17] =	ssyncset.done $0x0  }
0x55: {  	[sflag:s17] =	ssyncadd.s32 $0xFFFFE000  }
0x56: {  	[spmem:s2] =	stream.indirect.scatter.add.f32 [tilespmem:s16], [sflag:$0x3], $0x40, s20, s13, $0xb8;
	[tilespmem:$0x1CD00] =	vst v63  }
0x57: {  	_ =	swait.ge [sflag:s9], $0x2000  }
0x58: {  	[sflag:s9] =	ssyncset.done $0x0  }
0x59: {  	[sflag:s9] =	ssyncadd.s32 $0xFFFFE000  }
0x5a: {  	[bflag:$0x0] =	sbarrier.arrive $0xFFFF  }
0x5b: {  	[hbm:s21@s22], [sflag:s11] =	dma.strided [spmem:s12@s23], $0x1400, s15, $0x8   }
0x5c: {  	_ =	swait.ge [sflag:s9], $0x1400  }
0x5d: {  	[sflag:s9] =	ssyncset.done $0x0  }
0x5e: {  	[sflag:s9] =	ssyncadd.s32 $0xFFFFEC00  }
0x5f: {  	[spmem:s12], [sflag:s11] =	dma.local [hbm:s6], $0x1400  }
0x60: {  	_ =	swait.ge [sflag:s9], $0x1400  }
0x61: {  	[sflag:s9] =	ssyncset.done $0x0  }
0x62: {  	[sflag:s9] =	ssyncadd.s32 $0xFFFFEC00  }
0x63: {  	[bflag:$0x0] =	sbarrier.arrive $0xFFFF  }
0x64: {  	[tilespmem:s14], [sflag:$0x1] =	stream.indirect.gather [hbm4b:s7+s13], $0x40, s25, s13, $0xb8;
	[tilespmem:$0x1CD00] =	vst v63  }
0x65: {  	_ =	swait.ge [sflag:s15], $0x2000  }
0x66: {  	[sflag:s15] =	ssyncset.done $0x0  }
0x67: {  	s29 =	simm.s32 $0x4F80;
	[sflag:s15] =	ssyncadd.s32 $0xFFFFE000  }
0x68: {  	[tilespmem:s16], [sflag:$0x2] =	stream.indirect.gather [hbm4b:s7+s13], $0x40, s29, s13, $0xb8;
	[tilespmem:$0x1CD00] =	vst v63  }
0x69: {  	s29 =	simm.s32 $0x9E00  }
0x6a: {  	[spmem:s2] =	stream.indirect.scatter.add.f32 [tilespmem:s14], [sflag:$0x3], $0x40, s29, s13, $0xb8;
	[tilespmem:$0x1CD00] =	vst v63  }
0x6b: {  	_ =	swait.ge [sflag:s9], $0x2000  }
0x6c: {  	[sflag:s9] =	ssyncset.done $0x0  }
0x6d: {  	[sflag:s9] =	ssyncadd.s32 $0xFFFFE000  }
0x6e: {  	_ =	swait.ge [sflag:s17], $0x2000  }
0x6f: {  	[sflag:s17] =	ssyncset.done $0x0  }
0x70: {  	s29 =	simm.s32 $0x5000;
	[sflag:s17] =	ssyncadd.s32 $0xFFFFE000  }
0x71: {  	[tilespmem:s14], [sflag:$0x1] =	stream.indirect.gather [hbm4b:s7+s13], $0x40, s29, s13, $0xb8;
	[tilespmem:$0x1CD00] =	vst v63  }
0x72: {  	s29 =	simm.s32 $0x9E80  }
0x73: {  	[spmem:s2] =	stream.indirect.scatter.add.f32 [tilespmem:s16], [sflag:$0x3], $0x40, s29, s13, $0xb8;
	[tilespmem:$0x1CD00] =	vst v63  }
0x74: {  	_ =	swait.ge [sflag:s9], $0x2000  }
0x75: {  	s29 =	simm.s32 $0x400;
	[sflag:s9] =	ssyncset.done $0x0  }
.LBB2_4:
0x76: {  	p0 =	sne.s32 s29, $0x13400  }
0x77: {  	[sflag:s9] =	ssyncadd.s32 $0xFFFFE000;
	s30 =	smov.u32 s29;
	s29 =	sadd.s32 $0x400, s29  }
0x78: {  	_ = 	snop  }
0x79: {  	_ =	swait.ge [sflag:s15], $0x2000  }
0x7a: {  	s30 =	sshra.s32 s30, $0x2;
	[sflag:s15] =	ssyncset.done $0x0  }
0x7b: {  	s31 =	sadd.s32 $0x4F80, s30;
	[sflag:s15] =	ssyncadd.s32 $0xFFFFE000  }
0x7c: {  	[tilespmem:s16], [sflag:$0x2] =	stream.indirect.gather [hbm4b:s7+s13], $0x40, s31, s13, $0xb8;
	[tilespmem:$0x1CD00] =	vst v63  }
0x7d: {  	s31 =	sadd.s32 $0x9E00, s30  }
0x7e: {  	[spmem:s2] =	stream.indirect.scatter.add.f32 [tilespmem:s14], [sflag:$0x3], $0x40, s31, s13, $0xb8;
	[tilespmem:$0x1CD00] =	vst v63  }
0x7f: {  	_ =	swait.ge [sflag:s9], $0x2000  }
0x80: {  	[sflag:s9] =	ssyncset.done $0x0  }
0x81: {  	[sflag:s9] =	ssyncadd.s32 $0xFFFFE000  }
0x82: {  	_ =	swait.ge [sflag:s17], $0x2000  }
0x83: {  	[sflag:s17] =	ssyncset.done $0x0  }
0x84: {  	s31 =	sadd.s32 $0x5000, s30;
	[sflag:s17] =	ssyncadd.s32 $0xFFFFE000  }
0x85: {  	[tilespmem:s14], [sflag:$0x1] =	stream.indirect.gather [hbm4b:s7+s13], $0x40, s31, s13, $0xb8;
	[tilespmem:$0x1CD00] =	vst v63  }
.Ltmp1:
0x86: {  	_ = 	snop;
	(pc) =	sbr.rel @p0 .LBB2_4-.Ltmp1, $4  }
0x87: {  	s30 =	sadd.s32 $0x9E80, s30  }
0x88: {  	[spmem:s2] =	stream.indirect.scatter.add.f32 [tilespmem:s16], [sflag:$0x3], $0x40, s30, s13, $0xb8;
	[tilespmem:$0x1CD00] =	vst v63  }
0x89: {  	_ =	swait.ge [sflag:s9], $0x2000  }
0x8a: {  	[sflag:s9] =	ssyncset.done $0x0  }
0x8b: {  	[sflag:s9] =	ssyncadd.s32 $0xFFFFE000  }
0x8c: {  	_ =	swait.ge [sflag:s15], $0x2000  }
0x8d: {  	[sflag:s15] =	ssyncset.done $0x0  }
0x8e: {  	[sflag:s15] =	ssyncadd.s32 $0xFFFFE000  }
0x8f: {  	[tilespmem:s16], [sflag:$0x2] =	stream.indirect.gather [hbm4b:s7+s13], $0x40, s26, s13, $0xb8;
	[tilespmem:$0x1CD00] =	vst v63  }
0x90: {  	_ = 	snop  }
0x91: {  	[spmem:s2] =	stream.indirect.scatter.add.f32 [tilespmem:s14], [sflag:$0x3], $0x40, s19, s13, $0xb8;
	[tilespmem:$0x1CD00] =	vst v63  }
0x92: {  	_ =	swait.ge [sflag:s9], $0x2000  }
0x93: {  	[sflag:s9] =	ssyncset.done $0x0  }
0x94: {  	[sflag:s9] =	ssyncadd.s32 $0xFFFFE000  }
0x95: {  	_ =	swait.ge [sflag:s17], $0x2000  }
0x96: {  	[sflag:s17] =	ssyncset.done $0x0  }
0x97: {  	[sflag:s17] =	ssyncadd.s32 $0xFFFFE000  }
0x98: {  	[spmem:s2] =	stream.indirect.scatter.add.f32 [tilespmem:s16], [sflag:$0x3], $0x40, s20, s13, $0xb8;
	[tilespmem:$0x1CD00] =	vst v63  }
0x99: {  	_ =	swait.ge [sflag:s9], $0x2000  }
0x9a: {  	s28 =	sadd.s32 $0x1, s28;
	[sflag:s9] =	ssyncset.done $0x0  }
0x9b: {  	p0 =	sne.s32 s28, s8;
	[sflag:s9] =	ssyncadd.s32 $0xFFFFE000  }
.Ltmp2:
0x9c: {  	[bflag:$0x0] =	sbarrier.arrive $0xFFFF;
	(pc) =	sbr.rel @p0 .LBB2_1-.Ltmp2, $4  }
0x9d: {  	[hbm:s24@s22], [sflag:s11] =	dma.strided [spmem:s12@s23], $0x1400, s15, $0x8   }
0x9e: {  	_ =	swait.ge [sflag:s9], $0x1400  }
0x9f: {  	[sflag:s9] =	ssyncset.done $0x0  }
0xa0: {  	[sflag:s9] =	ssyncadd.s32 $0xFFFFEC00  }
0xa1: {  	_ =	sfence.sel $0x180000  }
0xa2: {  	[bflag:$0x0] =	sbarrier.arrive $0xFFFF  }
0xa3: {  	p0 =	sne.s32 s0, $0x0;
	_ =	strace $0x9000004A  }
0xa4: {  	s0 =	sadd.s32 @!p0 $0x100000, s1;
	[bflag:$0x2] =	sbarrier.arrive $0xFFFF  }
0xa5: {  	[sflag:s0] =	ssyncadd.tile.s32 @!p0 $0x1;
	_ =	shalt  }
.Lfunc_end2:
_tile_overlayer_lowered:
.L_overlay_start_2:
0xa6: {  	(tag) =	ssettag $0x2  }
0xa7: {  	s0 =	rddreg [dreg:$0x0];
	s2 =	stileid.u32  }
0xa8: {  	s1 =	rddreg [dreg:$0x1];
	p0 =	sne.s32 s2, $0x0  }
0xa9: {  	s3 =	rddreg [dreg:$0x2];
	[bflag:$0x3] =	sbarrier.arrive $0xFFFF;
	s2 =	simm.s32 @!p0 $0x1C03  }
0xaa: {  	[timem:s3], [sflag:s2] =	dma.local @!p0 [hbm:s0], s1  }
0xab: {  	s0 =	simm.s32 @!p0 $0x3  }
0xac: {  	_ =	swait.ge @!p0 [sflag:s0], s1  }
0xad: {  	s1 =	ssub.s32 @!p0 $0x0, s1;
	[sflag:s0] =	ssyncset.done @!p0 $0x0  }
0xae: {  	[sflag:s0] =	ssyncadd.s32 @!p0 s1  }
0xaf: {  	[bflag:$0x3] =	sbarrier.arrive $0xFFFF  }
0xb0: {  	_ =	shalt  }

// kernel: kernel.17.cloned.1.call-start
scs
__scs_entry_jumppad:
0x0: {  	(pc) =	sbr.rel $0x88, $3  }
0x1: {  	(tag) =	ssettag $0x0;
	lr =	simm.s32 $0x1  }
0x2: {  	[smem:$0x3F92] =	sst lr;
	_ =	strace $0xD0000000  }
0x3: {  	_ = 	snop  }
0x4: {  	_ = 	snop  }
0x5: {  	_ = 	snop  }
0x6: {  	_ = 	snop  }
0x7: {  	_ = 	snop  }
__scs_overlays_trampoline_lowered:
0x8: {  	[smem:$0x3FA1] =	sst s0  }
0x9: {  	[smem:$0x3FA2] =	sst s1  }
0xa: {  	[smem:$0x3FA3] =	sst s2  }
0xb: {  	[smem:$0x3FA4] =	sst s3  }
0xc: {  	[smem:$0x3FA5] =	sst s4  }
0xd: {  	[smem:$0x3FA6] =	sst s5  }
0xe: {  	[smem:$0x3FA7] =	sst s6  }
0xf: {  	[smem:$0x3FA8] =	sst s7  }
0x10: {  	[smem:$0x3FA9] =	sst s8  }
0x11: {  	[smem:$0x3FAA] =	sst s9;
	s0 =	simm.s32 @!p0 $0x0  }
0x12: {  	s1 =	sld [smem:$0x3F90];
	s0 =	simm.s32 @p0 $0x1  }
0x13: {  	[smem:$0x3FAB] =	sst s0;
	s0 =	simm.s32 @!p1 $0x0  }
0x14: {  	s2 =	sld [smem:$0x3F8F];
	s0 =	simm.s32 @p1 $0x1  }
0x15: {  	[smem:$0x3FAC] =	sst s0;
	s0 =	simm.s32 @!p2 $0x0  }
0x16: {  	s3 =	sld [smem:$0x3FDB];
	s0 =	simm.s32 @p2 $0x1  }
0x17: {  	s4 =	simm.s32 $0x1BF5;
	[smem:$0x3FAE] =	sst s0  }
0x18: {  	s0 =	sld [smem:$0x3F91];
	_ =	swait.ge [sflag:s4], $0x0  }
0x19: {  	s7 =	sld [smem:$0x3F92]  }
0x1a: {  	s8 =	sadd.s32 $0xFFFFE003, lr  }
0x1b: {  	s9 =	sadd.s32 $0xFFFFFEF7, lr;
	s5 =	simm.s32 $0xFFFFFFFF;
	p2 =	slt.u32 s8, $0xFFFFF086  }
0x1c: {  	p1 =	slt.u32 s9, $0xF7A;
	s5 =	simm.s32 @!p2 $0x0  }
0x1d: {  	s5 =	simm.s32 @p1 $0x1;
	p0 =	seq.s32 s7, s2  }
0x1e: {  	s7 =	smul.u32 @!p0 $0xF7A, s2;
	p2 =	seq.s32 @!p0 s5, $0x0  }
0x1f: {  	s9 =	smul.u32 $0xF7A, s1;
	s8 =	simm.s32 @!p0 $0x1BF5;
	p2 =	por !p2, p0  }
0x20: {  	[sflag:s8] =	ssyncset.s32 @!p0 $0xFFFFF086;
	s6 =	sadd.s32 @!p0 s3, s7;
	s7 =	simm.s32 @!p0 $0x108  }
0x21: {  	s3 =	sadd.s32 s3, s9;
	s6 =	sadd.s32 @!p0 $0x88, s6;
	s7 =	simm.s32 @p2 $0x1082  }
0x22: {  	[simem:s7], [sflag:s8] =	dma.local @!p0 [hbm:s6], $0xF7A  }
0x23: {  	s9 =	sor.u32 $0xD0000000, s2;
	s6 =	simm.s32 $0x108;
	_ =	swait.ge @!p0 [sflag:s8], $0x0  }
0x24: {  	s3 =	sadd.s32 $0x88, s3;
	s6 =	simm.s32 @!p1 $0x1082;
	[sflag:s4] =	ssyncset.s32 $0xFFFFF086  }
0x25: {  	[simem:s6], [sflag:s4] =	dma.local [hbm:s3], $0xF7A  }
0x26: {  	[smem:$0x3F92] =	sst s1;
	(tag) =	ssettag s2;
	_ =	strace s9  }
0x27: {  	s1 =	sld [smem:$0x3FA2]  }
0x28: {  	s2 =	sld [smem:$0x3FA3]  }
0x29: {  	s4 =	sld [smem:$0x3FA5]  }
0x2a: {  	p0 =	seq.s32 s5, $0x0;
	s5 =	sld [smem:$0x3FA6]  }
0x2b: {  	s6 =	sld [smem:$0x3FA7]  }
0x2c: {  	s7 =	sld [smem:$0x3FA8]  }
0x2d: {  	s3 =	simm.s32 $0x108;
	s8 =	sld [smem:$0x3FA9]  }
0x2e: {  	s3 =	simm.s32 @!p0 $0x1082;
	s9 =	sld [smem:$0x3FAA]  }
0x2f: {  	lr =	sadd.s32 s0, s3;
	s0 =	sld [smem:$0x3FA1]  }
0x30: {  	s3 =	sld [smem:$0x3FA4]  }
0x31: {  	[smem:$0x3FAD] =	sst s10  }
0x32: {  	s10 =	sld [smem:$0x3FAB];
	_ =	sdelay $0x3  }
0x33: {  	p0 =	seq.s32 s10, $0x1;
	s10 =	sld [smem:$0x3FAD];
	_ =	sdelay $0x3  }
0x34: {  	[smem:$0x3FAD] =	sst s10  }
0x35: {  	s10 =	sld [smem:$0x3FAC];
	_ =	sdelay $0x3  }
0x36: {  	p1 =	seq.s32 s10, $0x1;
	s10 =	sld [smem:$0x3FAD];
	_ =	sdelay $0x3  }
0x37: {  	[smem:$0x3FAD] =	sst s10  }
0x38: {  	s10 =	sld [smem:$0x3FAE]  }
0x39: {  	_ = 	snop;
	(pc) =	sbr.ind lr, $3  }
0x3a: {  	_ = 	snop  }
0x3b: {  	_ = 	snop  }
0x3c: {  	p2 =	seq.s32 s10, $0x1;
	s10 =	sld [smem:$0x3FAD]  }
0x3d: {  	_ =	shalt  }
0x3e: {  	_ =	shalt  }
0x3f: {  	_ =	shalt  }
0x40: {  	_ =	shalt  }
0x41: {  	_ =	shalt  }
0x42: {  	_ =	shalt  }
0x43: {  	_ =	shalt  }
0x44: {  	_ =	shalt  }
0x45: {  	_ =	shalt  }
0x46: {  	_ =	shalt  }
0x47: {  	_ =	shalt  }
0x48: {  	_ =	shalt  }
0x49: {  	_ =	shalt  }
0x4a: {  	_ =	shalt  }
0x4b: {  	_ =	shalt  }
0x4c: {  	_ =	shalt  }
0x4d: {  	_ =	shalt  }
0x4e: {  	_ =	shalt  }
0x4f: {  	_ =	shalt  }
0x50: {  	_ =	shalt  }
0x51: {  	_ =	shalt  }
0x52: {  	_ =	shalt  }
0x53: {  	_ =	shalt  }
0x54: {  	_ =	shalt  }
0x55: {  	_ =	shalt  }
0x56: {  	_ =	shalt  }
0x57: {  	_ =	shalt  }
0x58: {  	_ =	shalt  }
0x59: {  	_ =	shalt  }
0x5a: {  	_ =	shalt  }
0x5b: {  	_ =	shalt  }
0x5c: {  	_ =	shalt  }
0x5d: {  	_ =	shalt  }
0x5e: {  	_ =	shalt  }
0x5f: {  	_ =	shalt  }
0x60: {  	_ =	shalt  }
0x61: {  	_ =	shalt  }
0x62: {  	_ =	shalt  }
0x63: {  	_ =	shalt  }
0x64: {  	_ =	shalt  }
0x65: {  	_ =	shalt  }
0x66: {  	_ =	shalt  }
0x67: {  	_ =	shalt  }
0x68: {  	_ =	shalt  }
0x69: {  	_ =	shalt  }
0x6a: {  	_ =	shalt  }
0x6b: {  	_ =	shalt  }
0x6c: {  	_ =	shalt  }
0x6d: {  	_ =	shalt  }
0x6e: {  	_ =	shalt  }
0x6f: {  	_ =	shalt  }
0x70: {  	_ =	shalt  }
0x71: {  	_ =	shalt  }
0x72: {  	_ =	shalt  }
0x73: {  	_ =	shalt  }
0x74: {  	_ =	shalt  }
0x75: {  	_ =	shalt  }
0x76: {  	_ =	shalt  }
0x77: {  	_ =	shalt  }
0x78: {  	_ =	shalt  }
0x79: {  	_ =	shalt  }
0x7a: {  	_ =	shalt  }
0x7b: {  	_ =	shalt  }
0x7c: {  	_ =	shalt  }
0x7d: {  	_ =	shalt  }
0x7e: {  	_ =	shalt  }
0x7f: {  	_ =	shalt  }
0x80: {  	_ =	shalt  }
0x81: {  	_ =	shalt  }
0x82: {  	_ =	shalt  }
0x83: {  	_ =	shalt  }
0x84: {  	_ =	shalt  }
0x85: {  	_ =	shalt  }
0x86: {  	_ =	shalt  }
0x87: {  	_ =	shalt  }
.Lfunc_end0:
.L_simem_size_0:
called_computation.2_lowered:
.L_overlay_start_0:
0x88: {  	s2 =	sld [smem:$0x3FD9]  }
0x89: {  	s3 =	sld [smem:$0x3FFE];
	_ =	sdelay $0x1  }
0x8a: {  	s1 =	srdreg.scid  }
0x8b: {  	s0 =	sand.u32 $0x1, s1  }
0x8c: {  	s16 =	sshll.u32 s0, $0xA;
	s2 =	sadd.s32 s3, s2  }
0x8d: {  	s2 =	sadd.s32 s2, s16  }
0x8e: {  	[smem:$0x3FB9] =	sst s2  }
0x8f: {  	_ = 	snop  }
0x90: {  	(tm) =	ssettm $0x1  }
0x91: {  	s17 =	sld [smem:$0x3FFB];
	_ =	sdelay $0x3  }
0x92: {  	_ =	strace s17  }
0x93: {  	s2 =	sld [smem:$0x3FFC];
	_ =	sdelay $0x3  }
0x94: {  	_ =	strace s2  }
0x95: {  	s2 =	sld [smem:$0x3FFD];
	_ =	sdelay $0x3  }
0x96: {  	_ =	strace s2  }
0x97: {  	_ =	strace $0x8FFFFFFF  }
0x98: {  	s18 =	sld [smem:$0x3FDB];
	_ =	sdelay $0x1  }
0x99: {  	s19 =	simm.s32 $_scs_section_size  }
0x9a: {  	s4 =	simm.s32 $_size__tile_overlayer_lowered;
	s5 =	simm.s32 $_tile_overlayer_lowered  }
0x9b: {  	s22 =	simm.s32 $0x1BFF;
	s21 =	sshll.u32 s5, $0x1;
	s2 =	sadd.s32 s19, s18  }
0x9c: {  	s6 =	simm.s32 $0x0;
	s20 =	sshll.u32 s4, $0x1;
	s4 =	sadd.s32 s21, s2  }
0x9d: {  	[timem:s6], [sflag:s22] =	dma.local [hbm:s4], s20  }
0x9e: {  	_ =	swait.ge [sflag:s22], s20  }
0x9f: {  	s3 =	ssub.s32 $0x0, s20;
	[sflag:s22] =	ssyncset.done $0x0  }
0xa0: {  	[sflag:s22] =	ssyncadd.s32 s3;
	_ =	sdelay $0x1  }
0xa1: {  	s23 =	simm.s32 $0x1B8B  }
0xa2: {  	_ =	swait.ge [sflag:s23], $0x1  }
0xa3: {  	[sflag:s23] =	ssyncset.done $0x0  }
0xa4: {  	s25 =	simm.s32 $0x1B8E;
	s24 =	sld [smem:$0x3FFE];
	[sflag:s23] =	ssyncadd.s32 $0xFFFFFFFF  }
0xa5: {  	s26 =	simm.s32 $execute0_lowered;
	[smem:$0x3FD2] =	sst s25  }
0xa6: {  	s4 =	sshll.u32 s26, $0x1;
	_ =	strace $0x8000004C;
	[dreg:$0x1] =	wrdreg $0xFFFFFFFF  }
0xa7: {  	s28 =	simm.s32 $_size_execute0_lowered;
	s2 =	sadd.s32 s2, s4;
	[dreg:$0x0] =	wrdreg $0x0  }
0xa8: {  	s4 =	sshll.u32 s28, $0x1;
	[dreg:$0x2] =	wrdreg s2  }
0xa9: {  	[dreg:$0x3] =	wrdreg s4  }
0xaa: {  	[dreg:$0x4] =	wrdreg $0xC0  }
0xab: {  	_ =	task [dreg:s6], $0x5FFFF  }
0xac: {  	[dreg:$0x1] =	wrdreg $0xFFFFFFFF  }
0xad: {  	[dreg:$0x0] =	wrdreg $0x60  }
0xae: {  	[dreg:$0x2] =	wrdreg s24  }
0xaf: {  	[dreg:$0x3] =	wrdreg $0x12D000  }
0xb0: {  	[dreg:$0x4] =	wrdreg $0x9  }
0xb1: {  	_ =	task.clear_ibuf [dreg:s6], $0x5FFFF;
	_ =	strace $0x9000004C  }
0xb2: {  	s29 =	simm.s32 $0x9;
	_ =	strace $0x8000004E  }
0xb3: {  	_ =	swait.ge [sflag:s29], $0x1  }
0xb4: {  	[sflag:s29] =	ssyncadd.s32 $0xFFFFFFFF  }
0xb5: {  	_ =	strace $0x9000004E  }
0xb6: {  	_ =	sfence  }
0xb7: {  	s30 =	sld [smem:$0x0];
	_ =	sdelay $0x2  }
0xb8: {  	s31 =	sshll.u32 s1, $0xD;
	s1 =	sshrl.u32 s1, $0x2  }
0xb9: {  	s3 =	sand.u32 $0x4000, s31;
	s1 =	sadd.s32 s1, s30  }
0xba: {  	s0 =	sor.u32 s3, s0;
	s1 =	sshll.u32 s1, $0x11  }
0xbb: {  	s0 =	sor.u32 s1, s0  }
0xbc: {  	s0 =	sadd.s32 $0x8F2B, s0  }
0xbd: {  	[sflag:s0] =	ssyncadd.remote.s32 $0x1  }
0xbe: {  	_ =	sfence.sel $0xFFFF  }
0xbf: {  	[dreg:$0x0] =	wrdreg $0xFFFFFFFF;
	(pc) =	sbr.abs _section_cstart, $3  }
0xc0: {  	[dreg:$0x1] =	wrdreg $0xFFFFFFFF  }
0xc1: {  	_ =	task.clear_ibuf [dreg:s6], $0x2FFFF;
	_ =	strace $0x9FFFFFFF  }
0xc2: {  	(tm) =	ssettm $0x7FFFFFFF  }
0xc3: {  	_ =	shalt  }
tec
execute0_lowered:
.L_overlay_start_1:
0x0: {  	(tag) =	ssettag $0x1  }
0x1: {  	s4 =	rddreg [dreg:$0x0]  }
0x2: {  	s2 =	rddreg [dreg:$0x1]  }
0x3: {  	s0 =	srdreg.scid;
	s1 =	rddreg [dreg:$0x2];
	s3 =	simm.s32 $0x0  }
0x4: {  	s13 =	simm.s32 $0x80;
	s14 =	simm.s32 $0xED00;
	s5 =	sand.u32 $0x1, s0  }
0x5: {  	s15 =	simm.s32 $0x1;
	s0 =	stileid.u32;
	s6 =	smul.u32 $0x9E000, s5  }
0x6: {  	s16 =	simm.s32 $0x10D00;
	s17 =	simm.s32 $0x2;
	s7 =	smul.u32 $0x9E00, s0  }
0x7: {  	s18 =	simm.s32 $0x4E80;
	s19 =	simm.s32 $0xEC00;
	s8 =	smul.u32 $0x4F000, s5  }
0x8: {  	s20 =	simm.s32 $0xEC80;
	s22 =	simm.s32 $0x10;
	s9 =	smul.u32 $0x4F00, s0  }
0x9: {  	s23 =	simm.s32 $0x8;
	[smem:$0x7FF] =	sst s3;
	s26 =	smul.u32 $0xA000, s0  }
0xa: {  	s28 =	simm.s32 $0x0;
	_ =	strace $0x8000004D;
	s29 =	smul.u32 $0x28000, s5  }
0xb: {  	s5 =	ssub.s32 $0x2, s5;
	s21 =	smul.u32 $0x2800, s0;
	s31 =	sshll.u32 s0, $0x6  }
0xc: {  	s30 =	sshrl.u32 s5, $0x1;
	s6 =	sadd.s32 s7, s6;
	s25 =	sadd.s32 s9, s8  }
0xd: {  	s10 =	sshrl.u32 s26, $0x3;
	s9 =	sadd.s32 s29, s4;
	s11 =	ssub.s32 s5, s30  }
0xe: {  	s12 =	sadd.s32 s26, s2;
	s26 =	simm.s32 $0x9D80;
	s6 =	sshrl.u32 s6, $0x3  }
0xf: {  	s7 =	sshrl.u32 s25, $0x3;
	s10 =	sadd.s32 s10, s4;
	s24 =	sadd.s32 $0xF2400, s9  }
0x10: {  	s25 =	sor.u32 $0x8, s21;
	s8 =	smax.u32 s11, $0x1;
	s11 =	sor.u32 $0x1C03, s31  }
0x11: {  	s12 =	sshrl.u32 s12, $0x3;
	s6 =	sadd.s32 s6, s4;
	s7 =	sadd.s32 s7, s4  }
0x12: {  	s21 =	sadd.s32 s21, s24;
	s24 =	sadd.s32 s24, s25;
	s25 =	simm.s32 $0x4F00  }
0x13: {  	s4 =	sadd.s32 $0x3000, s6;
	s5 =	sadd.s32 $0x2A800, s7;
	s6 =	sadd.s32 $0x8E400, s10  }
0x14: {  	s7 =	sadd.s32 $0xA2400, s9;
	s9 =	simm.s32 $0x3;
	s10 =	simm.s32 $0x9E00  }
.LBB2_1:
0x15: {  	[tilespmem:s3], [sflag:$0x3] =	stream.linear.gather [hbm4b:s4+s3], $0x9E00, $0x38;
	[tilespmem:$0x1CD00] =	vst v63  }
0x16: {  	_ =	swait.ge [sflag:s9], $0x9E00  }
0x17: {  	[sflag:s9] =	ssyncset.done $0x0  }
0x18: {  	[sflag:s9] =	ssyncadd.s32 $0xFFFF6200  }
0x19: {  	[tilespmem:s10], [sflag:$0x3] =	stream.linear.gather [hbm4b:s5+s3], $0x4F00, $0x38;
	[tilespmem:$0x1CD00] =	vst v63  }
0x1a: {  	_ =	swait.ge [sflag:s9], $0x4F00  }
0x1b: {  	[sflag:s9] =	ssyncset.done $0x0  }
0x1c: {  	[sflag:s9] =	ssyncadd.s32 $0xFFFFB100  }
0x1d: {  	[spmem:s12], [sflag:s11] =	dma.local [hbm:s6], $0x1400  }
0x1e: {  	_ =	swait.ge [sflag:s9], $0x1400  }
0x1f: {  	[sflag:s9] =	ssyncset.done $0x0  }
0x20: {  	[sflag:s9] =	ssyncadd.s32 $0xFFFFEC00  }
0x21: {  	[bflag:$0x0] =	sbarrier.arrive $0xFFFF  }
0x22: {  	[tilespmem:s14], [sflag:$0x1] =	stream.indirect.gather [hbm4b:s7+s13], $0x40, s3, s13, $0xb8;
	[tilespmem:$0x1CD00] =	vst v63  }
0x23: {  	_ =	swait.ge [sflag:s15], $0x2000  }
0x24: {  	[sflag:s15] =	ssyncset.done $0x0  }
0x25: {  	s29 =	simm.s32 $0x80;
	[sflag:s15] =	ssyncadd.s32 $0xFFFFE000  }
0x26: {  	[tilespmem:s16], [sflag:$0x2] =	stream.indirect.gather [hbm4b:s7+s13], $0x40, s29, s13, $0xb8;
	[tilespmem:$0x1CD00] =	vst v63  }
0x27: {  	s29 =	simm.s32 $0x9E00  }
0x28: {  	[spmem:s2] =	stream.indirect.scatter.add.f32 [tilespmem:s14], [sflag:$0x3], $0x40, s29, s13, $0xb8;
	[tilespmem:$0x1CD00] =	vst v63  }
0x29: {  	_ =	swait.ge [sflag:s9], $0x2000  }
0x2a: {  	[sflag:s9] =	ssyncset.done $0x0  }
0x2b: {  	[sflag:s9] =	ssyncadd.s32 $0xFFFFE000  }
0x2c: {  	_ =	swait.ge [sflag:s17], $0x2000  }
0x2d: {  	[sflag:s17] =	ssyncset.done $0x0  }
0x2e: {  	s29 =	simm.s32 $0x100;
	[sflag:s17] =	ssyncadd.s32 $0xFFFFE000  }
0x2f: {  	[tilespmem:s14], [sflag:$0x1] =	stream.indirect.gather [hbm4b:s7+s13], $0x40, s29, s13, $0xb8;
	[tilespmem:$0x1CD00] =	vst v63  }
0x30: {  	s29 =	simm.s32 $0x9E80  }
0x31: {  	[spmem:s2] =	stream.indirect.scatter.add.f32 [tilespmem:s16], [sflag:$0x3], $0x40, s29, s13, $0xb8;
	[tilespmem:$0x1CD00] =	vst v63  }
0x32: {  	_ =	swait.ge [sflag:s9], $0x2000  }
0x33: {  	s29 =	simm.s32 $0x400;
	[sflag:s9] =	ssyncset.done $0x0  }
.LBB2_2:
0x34: {  	p0 =	sne.s32 s29, $0x13400  }
0x35: {  	[sflag:s9] =	ssyncadd.s32 $0xFFFFE000;
	s30 =	smov.u32 s29;
	s29 =	sadd.s32 $0x400, s29  }
0x36: {  	_ = 	snop  }
0x37: {  	_ =	swait.ge [sflag:s15], $0x2000  }
0x38: {  	s30 =	sshra.s32 s30, $0x2;
	[sflag:s15] =	ssyncset.done $0x0  }
0x39: {  	s31 =	sadd.s32 $0x80, s30;
	[sflag:s15] =	ssyncadd.s32 $0xFFFFE000  }
0x3a: {  	[tilespmem:s16], [sflag:$0x2] =	stream.indirect.gather [hbm4b:s7+s13], $0x40, s31, s13, $0xb8;
	[tilespmem:$0x1CD00] =	vst v63  }
0x3b: {  	s31 =	sadd.s32 $0x9E00, s30  }
0x3c: {  	[spmem:s2] =	stream.indirect.scatter.add.f32 [tilespmem:s14], [sflag:$0x3], $0x40, s31, s13, $0xb8;
	[tilespmem:$0x1CD00] =	vst v63  }
0x3d: {  	_ =	swait.ge [sflag:s9], $0x2000  }
0x3e: {  	[sflag:s9] =	ssyncset.done $0x0  }
0x3f: {  	[sflag:s9] =	ssyncadd.s32 $0xFFFFE000  }
0x40: {  	_ =	swait.ge [sflag:s17], $0x2000  }
0x41: {  	[sflag:s17] =	ssyncset.done $0x0  }
0x42: {  	s31 =	sadd.s32 $0x100, s30;
	[sflag:s17] =	ssyncadd.s32 $0xFFFFE000  }
0x43: {  	[tilespmem:s14], [sflag:$0x1] =	stream.indirect.gather [hbm4b:s7+s13], $0x40, s31, s13, $0xb8;
	[tilespmem:$0x1CD00] =	vst v63  }
.Ltmp0:
0x44: {  	_ = 	snop;
	(pc) =	sbr.rel @p0 .LBB2_2-.Ltmp0, $4  }
0x45: {  	s30 =	sadd.s32 $0x9E80, s30  }
0x46: {  	[spmem:s2] =	stream.indirect.scatter.add.f32 [tilespmem:s16], [sflag:$0x3], $0x40, s30, s13, $0xb8;
	[tilespmem:$0x1CD00] =	vst v63  }
0x47: {  	_ =	swait.ge [sflag:s9], $0x2000  }
0x48: {  	[sflag:s9] =	ssyncset.done $0x0  }
0x49: {  	[sflag:s9] =	ssyncadd.s32 $0xFFFFE000  }
0x4a: {  	_ =	swait.ge [sflag:s15], $0x2000  }
0x4b: {  	[sflag:s15] =	ssyncset.done $0x0  }
0x4c: {  	[sflag:s15] =	ssyncadd.s32 $0xFFFFE000  }
0x4d: {  	[tilespmem:s16], [sflag:$0x2] =	stream.indirect.gather [hbm4b:s7+s13], $0x40, s18, s13, $0xb8;
	[tilespmem:$0x1CD00] =	vst v63  }
0x4e: {  	_ = 	snop  }
0x4f: {  	[spmem:s2] =	stream.indirect.scatter.add.f32 [tilespmem:s14], [sflag:$0x3], $0x40, s19, s13, $0xb8;
	[tilespmem:$0x1CD00] =	vst v63  }
0x50: {  	_ =	swait.ge [sflag:s9], $0x2000  }
0x51: {  	[sflag:s9] =	ssyncset.done $0x0  }
0x52: {  	[sflag:s9] =	ssyncadd.s32 $0xFFFFE000  }
0x53: {  	_ =	swait.ge [sflag:s17], $0x2000  }
0x54: {  	[sflag:s17] =	ssyncset.done $0x0  }
0x55: {  	[sflag:s17] =	ssyncadd.s32 $0xFFFFE000  }
0x56: {  	[spmem:s2] =	stream.indirect.scatter.add.f32 [tilespmem:s16], [sflag:$0x3], $0x40, s20, s13, $0xb8;
	[tilespmem:$0x1CD00] =	vst v63  }
0x57: {  	_ =	swait.ge [sflag:s9], $0x2000  }
0x58: {  	[sflag:s9] =	ssyncset.done $0x0  }
0x59: {  	[sflag:s9] =	ssyncadd.s32 $0xFFFFE000  }
0x5a: {  	[bflag:$0x0] =	sbarrier.arrive $0xFFFF  }
0x5b: {  	[hbm:s21@s22], [sflag:s11] =	dma.strided [spmem:s12@s23], $0x1400, s15, $0x8   }
0x5c: {  	_ =	swait.ge [sflag:s9], $0x1400  }
0x5d: {  	[sflag:s9] =	ssyncset.done $0x0  }
0x5e: {  	[sflag:s9] =	ssyncadd.s32 $0xFFFFEC00  }
0x5f: {  	[spmem:s12], [sflag:s11] =	dma.local [hbm:s6], $0x1400  }
0x60: {  	_ =	swait.ge [sflag:s9], $0x1400  }
0x61: {  	[sflag:s9] =	ssyncset.done $0x0  }
0x62: {  	[sflag:s9] =	ssyncadd.s32 $0xFFFFEC00  }
0x63: {  	[bflag:$0x0] =	sbarrier.arrive $0xFFFF  }
0x64: {  	[tilespmem:s14], [sflag:$0x1] =	stream.indirect.gather [hbm4b:s7+s13], $0x40, s25, s13, $0xb8;
	[tilespmem:$0x1CD00] =	vst v63  }
0x65: {  	_ =	swait.ge [sflag:s15], $0x2000  }
0x66: {  	[sflag:s15] =	ssyncset.done $0x0  }
0x67: {  	s29 =	simm.s32 $0x4F80;
	[sflag:s15] =	ssyncadd.s32 $0xFFFFE000  }
0x68: {  	[tilespmem:s16], [sflag:$0x2] =	stream.indirect.gather [hbm4b:s7+s13], $0x40, s29, s13, $0xb8;
	[tilespmem:$0x1CD00] =	vst v63  }
0x69: {  	s29 =	simm.s32 $0x9E00  }
0x6a: {  	[spmem:s2] =	stream.indirect.scatter.add.f32 [tilespmem:s14], [sflag:$0x3], $0x40, s29, s13, $0xb8;
	[tilespmem:$0x1CD00] =	vst v63  }
0x6b: {  	_ =	swait.ge [sflag:s9], $0x2000  }
0x6c: {  	[sflag:s9] =	ssyncset.done $0x0  }
0x6d: {  	[sflag:s9] =	ssyncadd.s32 $0xFFFFE000  }
0x6e: {  	_ =	swait.ge [sflag:s17], $0x2000  }
0x6f: {  	[sflag:s17] =	ssyncset.done $0x0  }
0x70: {  	s29 =	simm.s32 $0x5000;
	[sflag:s17] =	ssyncadd.s32 $0xFFFFE000  }
0x71: {  	[tilespmem:s14], [sflag:$0x1] =	stream.indirect.gather [hbm4b:s7+s13], $0x40, s29, s13, $0xb8;
	[tilespmem:$0x1CD00] =	vst v63  }
0x72: {  	s29 =	simm.s32 $0x9E80  }
0x73: {  	[spmem:s2] =	stream.indirect.scatter.add.f32 [tilespmem:s16], [sflag:$0x3], $0x40, s29, s13, $0xb8;
	[tilespmem:$0x1CD00] =	vst v63  }
0x74: {  	_ =	swait.ge [sflag:s9], $0x2000  }
0x75: {  	s29 =	simm.s32 $0x400;
	[sflag:s9] =	ssyncset.done $0x0  }
.LBB2_4:
0x76: {  	p0 =	sne.s32 s29, $0x13400  }
0x77: {  	[sflag:s9] =	ssyncadd.s32 $0xFFFFE000;
	s30 =	smov.u32 s29;
	s29 =	sadd.s32 $0x400, s29  }
0x78: {  	_ = 	snop  }
0x79: {  	_ =	swait.ge [sflag:s15], $0x2000  }
0x7a: {  	s30 =	sshra.s32 s30, $0x2;
	[sflag:s15] =	ssyncset.done $0x0  }
0x7b: {  	s31 =	sadd.s32 $0x4F80, s30;
	[sflag:s15] =	ssyncadd.s32 $0xFFFFE000  }
0x7c: {  	[tilespmem:s16], [sflag:$0x2] =	stream.indirect.gather [hbm4b:s7+s13], $0x40, s31, s13, $0xb8;
	[tilespmem:$0x1CD00] =	vst v63  }
0x7d: {  	s31 =	sadd.s32 $0x9E00, s30  }
0x7e: {  	[spmem:s2] =	stream.indirect.scatter.add.f32 [tilespmem:s14], [sflag:$0x3], $0x40, s31, s13, $0xb8;
	[tilespmem:$0x1CD00] =	vst v63  }
0x7f: {  	_ =	swait.ge [sflag:s9], $0x2000  }
0x80: {  	[sflag:s9] =	ssyncset.done $0x0  }
0x81: {  	[sflag:s9] =	ssyncadd.s32 $0xFFFFE000  }
0x82: {  	_ =	swait.ge [sflag:s17], $0x2000  }
0x83: {  	[sflag:s17] =	ssyncset.done $0x0  }
0x84: {  	s31 =	sadd.s32 $0x5000, s30;
	[sflag:s17] =	ssyncadd.s32 $0xFFFFE000  }
0x85: {  	[tilespmem:s14], [sflag:$0x1] =	stream.indirect.gather [hbm4b:s7+s13], $0x40, s31, s13, $0xb8;
	[tilespmem:$0x1CD00] =	vst v63  }
.Ltmp1:
0x86: {  	_ = 	snop;
	(pc) =	sbr.rel @p0 .LBB2_4-.Ltmp1, $4  }
0x87: {  	s30 =	sadd.s32 $0x9E80, s30  }
0x88: {  	[spmem:s2] =	stream.indirect.scatter.add.f32 [tilespmem:s16], [sflag:$0x3], $0x40, s30, s13, $0xb8;
	[tilespmem:$0x1CD00] =	vst v63  }
0x89: {  	_ =	swait.ge [sflag:s9], $0x2000  }
0x8a: {  	[sflag:s9] =	ssyncset.done $0x0  }
0x8b: {  	[sflag:s9] =	ssyncadd.s32 $0xFFFFE000  }
0x8c: {  	_ =	swait.ge [sflag:s15], $0x2000  }
0x8d: {  	[sflag:s15] =	ssyncset.done $0x0  }
0x8e: {  	[sflag:s15] =	ssyncadd.s32 $0xFFFFE000  }
0x8f: {  	[tilespmem:s16], [sflag:$0x2] =	stream.indirect.gather [hbm4b:s7+s13], $0x40, s26, s13, $0xb8;
	[tilespmem:$0x1CD00] =	vst v63  }
0x90: {  	_ = 	snop  }
0x91: {  	[spmem:s2] =	stream.indirect.scatter.add.f32 [tilespmem:s14], [sflag:$0x3], $0x40, s19, s13, $0xb8;
	[tilespmem:$0x1CD00] =	vst v63  }
0x92: {  	_ =	swait.ge [sflag:s9], $0x2000  }
0x93: {  	[sflag:s9] =	ssyncset.done $0x0  }
0x94: {  	[sflag:s9] =	ssyncadd.s32 $0xFFFFE000  }
0x95: {  	_ =	swait.ge [sflag:s17], $0x2000  }
0x96: {  	[sflag:s17] =	ssyncset.done $0x0  }
0x97: {  	[sflag:s17] =	ssyncadd.s32 $0xFFFFE000  }
0x98: {  	[spmem:s2] =	stream.indirect.scatter.add.f32 [tilespmem:s16], [sflag:$0x3], $0x40, s20, s13, $0xb8;
	[tilespmem:$0x1CD00] =	vst v63  }
0x99: {  	_ =	swait.ge [sflag:s9], $0x2000  }
0x9a: {  	s28 =	sadd.s32 $0x1, s28;
	[sflag:s9] =	ssyncset.done $0x0  }
0x9b: {  	p0 =	sne.s32 s28, s8;
	[sflag:s9] =	ssyncadd.s32 $0xFFFFE000  }
.Ltmp2:
0x9c: {  	[bflag:$0x0] =	sbarrier.arrive $0xFFFF;
	(pc) =	sbr.rel @p0 .LBB2_1-.Ltmp2, $4  }
0x9d: {  	[hbm:s24@s22], [sflag:s11] =	dma.strided [spmem:s12@s23], $0x1400, s15, $0x8   }
0x9e: {  	_ =	swait.ge [sflag:s9], $0x1400  }
0x9f: {  	[sflag:s9] =	ssyncset.done $0x0  }
0xa0: {  	[sflag:s9] =	ssyncadd.s32 $0xFFFFEC00  }
0xa1: {  	_ =	sfence.sel $0x180000  }
0xa2: {  	[bflag:$0x0] =	sbarrier.arrive $0xFFFF  }
0xa3: {  	p0 =	sne.s32 s0, $0x0;
	_ =	strace $0x9000004D  }
0xa4: {  	s0 =	sadd.s32 @!p0 $0x100000, s1;
	[bflag:$0x2] =	sbarrier.arrive $0xFFFF  }
0xa5: {  	[sflag:s0] =	ssyncadd.tile.s32 @!p0 $0x1;
	_ =	shalt  }
.Lfunc_end2:
_tile_overlayer_lowered:
.L_overlay_start_2:
0xa6: {  	(tag) =	ssettag $0x2  }
0xa7: {  	s0 =	rddreg [dreg:$0x0];
	s2 =	stileid.u32  }
0xa8: {  	s1 =	rddreg [dreg:$0x1];
	p0 =	sne.s32 s2, $0x0  }
0xa9: {  	s3 =	rddreg [dreg:$0x2];
	[bflag:$0x3] =	sbarrier.arrive $0xFFFF;
	s2 =	simm.s32 @!p0 $0x1C03  }
0xaa: {  	[timem:s3], [sflag:s2] =	dma.local @!p0 [hbm:s0], s1  }
0xab: {  	s0 =	simm.s32 @!p0 $0x3  }
0xac: {  	_ =	swait.ge @!p0 [sflag:s0], s1  }
0xad: {  	s1 =	ssub.s32 @!p0 $0x0, s1;
	[sflag:s0] =	ssyncset.done @!p0 $0x0  }
0xae: {  	[sflag:s0] =	ssyncadd.s32 @!p0 s1  }
0xaf: {  	[bflag:$0x3] =	sbarrier.arrive $0xFFFF  }
0xb0: {  	_ =	shalt  }

</sc_bundles>
